<compile_context>
chip_gen: v7x
topology: tpu7x:2x2x1
jax: 0.10.2.dev20260603
libtpu: 0.0.44.dev20260713+nightly
codegen_flags: <defaults>
</compile_context>

<pallas_src>
import functools

import jax
import jax.numpy as jnp
from jax import lax
from jax.experimental import pallas as pl
from jax.experimental.pallas import tpu as pltpu
from jax.experimental.pallas import tpu_sc as plsc

B, K, K2, NS = 32, 1024, 256, 18
_MEAN_SIZE = [0.8, 0.9, 1.0, 1.2, 0.6, 0.7, 2.0, 1.5, 0.8, 0.5, 0.5, 0.5,
              1.1, 1.3, 0.9, 0.7, 2.1, 1.4, 1.6, 0.8, 1.2, 0.9, 1.0, 2.3,
              1.4, 1.4, 0.6, 2.2, 0.7, 1.1, 0.6, 1.8, 1.7, 1.0, 1.1, 1.2,
              1.9, 0.9, 0.5, 0.8, 1.6, 2.0, 1.3, 0.7, 0.9, 0.5, 1.2, 1.8,
              1.7, 2.0, 1.0, 1.1, 0.6, 1.5] + [1.0] * 10
NC = 2
L = 16
TB, TK = 8, 128
CHUNKS = TB * TK // L
LN2 = 0.6931471805599453
_LOG2_POLY = (-0.02482561, 0.26685882, -1.23426317, 3.21883284,
              -5.26411048, 6.06583014, -3.02831748)


def _log_f32(z):
    bits = lax.bitcast_convert_type(z, jnp.int32)
    e = ((bits >> 23) - 127).astype(jnp.float32)
    mf = lax.bitcast_convert_type((bits & 0x007FFFFF) | 0x3F800000,
                                  jnp.float32)
    p = jnp.full((L,), _LOG2_POLY[0], jnp.float32)
    for c in _LOG2_POLY[1:]:
        p = p * mf + jnp.float32(c)
    return (e + p) * jnp.float32(LN2)


def _sc_body(scores_hbm, labels_hbm, rlab_hbm, res_hbm, oa_hbm, obj_hbm,
             out_hbm,
             scores_v, res_v, oa_v, obj_v, labels_v, rlab_v, msa_v, cls_v,
             part_v, sem_s, sem_r, sem_m):
    wid = lax.axis_index("s") * NC + lax.axis_index("c")
    tb = wid // (K // TK)
    tk = wid % (K // TK)
    brow = tb * TB
    kcol = tk * TK
    lane = lax.iota(jnp.int32, L)
    zeros = jnp.zeros((L,), jnp.float32)

    cp_s = [
        pltpu.async_copy(
            scores_hbm.at[:, pl.ds(brow, TB), pl.ds(kcol, TK)],
            scores_v, sem_s)
    ]
    cp_r = [
        pltpu.async_copy(
            res_hbm.at[:, :, pl.ds(brow, TB), pl.ds(kcol, TK)],
            res_v, sem_r)
    ]
    cp_small = [
        pltpu.async_copy(oa_hbm.at[pl.ds(brow, TB), pl.ds(kcol, TK)], oa_v,
                         sem_m),
        pltpu.async_copy(obj_hbm.at[pl.ds(brow, TB), pl.ds(kcol, TK)], obj_v,
                         sem_m),
        pltpu.async_copy(labels_hbm.at[pl.ds(brow, TB)], labels_v, sem_m),
        pltpu.async_copy(rlab_hbm.at[:, pl.ds(brow, TB)], rlab_v, sem_m),
    ]
    for j in range(4):
        v = zeros
        for t, val in enumerate(_MEAN_SIZE[j * L:(j + 1) * L]):
            v = jnp.where(lane == t, jnp.float32(val), v)
        msa_v[pl.ds(j * L, L)] = v
    for d in cp_small:
        d.wait()

    for d in cp_s:
        d.wait()

    @plsc.parallel_loop(0, CHUNKS, unroll=4, carry=(zeros, zeros))
    def pass1(i, carry):
        ce_acc, w_acc = carry
        rb = i // (TK // L)
        ck0 = (i % (TK // L)) * L
        rb16 = jnp.full((L,), 0, jnp.int32) + rb
        ck16 = ck0 + lane
        oa16 = oa_v[rb, pl.ds(ck0, L)]
        cls16 = plsc.load_gather(labels_v, [rb16, oa16])
        cls_v[rb, pl.ds(ck0, L)] = cls16
        s_list = [scores_v[n, rb, pl.ds(ck0, L)] for n in range(NS)]
        m = s_list[0]
        for s in s_list[1:]:
            m = jnp.maximum(m, s)
        z = zeros
        for s in s_list:
            z = z + jnp.exp(s - m)
        picked = plsc.load_gather(scores_v, [cls16, rb16, ck16])
        logz = m + _log_f32(z)
        w16 = obj_v[rb, pl.ds(ck0, L)]
        return ce_acc + (logz - picked) * w16, w_acc + w16

    ce_acc, w_acc = pass1

    for d in cp_r:
        d.wait()

    @plsc.parallel_loop(0, CHUNKS, unroll=4, carry=zeros)
    def pass2(i, res_acc):
        rb = i // (TK // L)
        ck0 = (i % (TK // L)) * L
        rb16 = jnp.full((L,), 0, jnp.int32) + rb
        ck16 = ck0 + lane
        cls16 = cls_v[rb, pl.ds(ck0, L)]
        oa16 = oa_v[rb, pl.ds(ck0, L)]
        w16 = obj_v[rb, pl.ds(ck0, L)]
        hub = zeros
        for c in range(3):
            cvec = jnp.full((L,), c, jnp.int32)
            pred_c = plsc.load_gather(res_v, [cls16, cvec, rb16, ck16])
            rl_c = plsc.load_gather(rlab_v, [cvec, rb16, oa16])
            mean_c = plsc.load_gather(msa_v, [cls16 * 3 + c])
            diff = pred_c - rl_c / (mean_c + 1e-6)
            ax = jnp.abs(diff)
            hub = hub + jnp.where(ax <= 1.0, 0.5 * diff * diff, ax - 0.5)
        return res_acc + hub * jnp.float32(1.0 / 3.0) * w16

    res_acc = pass2

    part_v[pl.ds(0, L)] = ce_acc
    part_v[pl.ds(L, L)] = res_acc
    part_v[pl.ds(2 * L, L)] = w_acc
    pltpu.sync_copy(part_v, out_hbm.at[wid // TB, wid % TB, pl.ds(0, 3 * L)])


def kernel(size_scores, size_class_label, size_residual_label,
           size_residuals_normalized, object_assignment, objectness_label,
           mean_size_arr):
    mesh = plsc.VectorSubcoreMesh(core_axis_name="c", subcore_axis_name="s")
    sck = functools.partial(
        pl.kernel,
        mesh=mesh,
        compiler_params=pltpu.CompilerParams(needs_layout_passes=False),
        out_type=jax.ShapeDtypeStruct((4, TB, TK), jnp.float32),
        scratch_types=[
            pltpu.VMEM((NS, TB, TK), jnp.float32),
            pltpu.VMEM((NS, 3, TB, TK), jnp.float32),
            pltpu.VMEM((TB, TK), jnp.int32),
            pltpu.VMEM((TB, TK), jnp.float32),
            pltpu.VMEM((TB, K2), jnp.int32),
            pltpu.VMEM((3, TB, K2), jnp.float32),
            pltpu.VMEM((64,), jnp.float32),
            pltpu.VMEM((TB, TK), jnp.int32),
            pltpu.VMEM((3 * L,), jnp.float32),
            pltpu.SemaphoreType.DMA,
            pltpu.SemaphoreType.DMA,
            pltpu.SemaphoreType.DMA,
        ],
    )(_sc_body)

    parts = sck(
        jnp.transpose(size_scores, (2, 0, 1)),
        size_class_label,
        jnp.transpose(size_residual_label, (2, 0, 1)),
        jnp.transpose(size_residuals_normalized, (2, 3, 0, 1)),
        object_assignment,
        objectness_label,
    )

    sums = parts[:, :, :3 * L].sum(axis=(0, 1))
    denom = sums[2 * L:3 * L].sum() + 1e-6
    return sums[0:L].sum() / denom, sums[L:2 * L].sum() / denom

# --- scband reference (transcript-rebuilt; emitter-appended) ---
"""Pipeline reference for scband-size-loss-9740985827848 (READ-ONLY COPY).

The authoritative reference and input builder live on the scoring server;
editing this copy changes nothing except your own understanding.
"""

import jax, jax.numpy as jnp
import numpy as np

NUM_SIZE_CLUSTER = 18
MEAN_SIZE_ARR = [[0.8,0.9,1.0],[1.2,0.6,0.7],[2.0,1.5,0.8],[0.5,0.5,0.5],[1.1,1.3,0.9],[0.7,2.1,1.4],[1.6,0.8,1.2],[0.9,1.0,2.3],[1.4,1.4,0.6],[2.2,0.7,1.1],[0.6,1.8,1.7],[1.0,1.1,1.2],[1.9,0.9,0.5],[0.8,1.6,2.0],[1.3,0.7,0.9],[0.5,1.2,1.8],[1.7,2.0,1.0],[1.1,0.6,1.5]]

B, K, K2, NS = 32, 1024, 256, NUM_SIZE_CLUSTER

def setup_inputs(seed: int = 0) -> dict:
    key = jax.random.key(seed)
    ks = jax.random.split(key, 6)
    size_scores = jax.random.normal(ks[0], (B, K, NS), dtype=jnp.float32)
    size_class_label = jax.random.randint(ks[1], (B, K2), 0, NS)
    size_residual_label = jax.random.normal(ks[2], (B, K2, 3), dtype=jnp.float32)
    size_residuals_normalized = jax.random.normal(ks[3], (B, K, NS, 3), dtype=jnp.float32)
    object_assignment = jax.random.randint(ks[4], (B, K), 0, K2)
    objectness_label = jax.random.uniform(ks[5], (B, K), dtype=jnp.float32)
    mean_size_arr = jnp.array(MEAN_SIZE_ARR, dtype=jnp.float32)
    return {
        'size_scores': size_scores,
        'size_class_label': size_class_label,
        'size_residual_label': size_residual_label,
        'size_residuals_normalized': size_residuals_normalized,
        'object_assignment': object_assignment,
        'objectness_label': objectness_label,
        'mean_size_arr': mean_size_arr,
    }

def _huber(x, delta=1.0):
    ax = jnp.abs(x)
    return jnp.where(ax <= delta, 0.5 * x * x, delta * (ax - 0.5 * delta))

def reference(size_scores, size_class_label, size_residual_label, size_residuals_normalized, object_assignment, objectness_label, mean_size_arr):
    # gather gt size class per proposal
    cls_label = jnp.take_along_axis(size_class_label, object_assignment, axis=1)  # [B, K]
    # cross-entropy (reduction='none') over NS classes
    logZ = jax.nn.logsumexp(size_scores, axis=-1)  # [B, K]
    picked = jnp.take_along_axis(size_scores, cls_label[..., None], axis=2)[..., 0]
    ce = logZ - picked  # [B, K]
    size_class_loss = jnp.sum(ce * objectness_label) / (jnp.sum(objectness_label) + 1e-06)
    # gather gt residuals per proposal
    res_label = jnp.take_along_axis(size_residual_label, jnp.repeat(object_assignment[..., None], 3, axis=-1), axis=1)  # [B, K, 3]
    one_hot = jax.nn.one_hot(cls_label, NS, dtype=jnp.float32)  # [B, K, NS]
    oh_tiled = one_hot[..., None]  # [B, K, NS, 1] broadcast over 3
    predicted_size_residual_normalized = jnp.sum(size_residuals_normalized * oh_tiled, axis=2)  # [B, K, 3]
    mean_size_arr_expanded = mean_size_arr[None, None, :, :]  # [1, 1, NS, 3]
    mean_size_label = jnp.sum(oh_tiled * mean_size_arr_expanded, axis=2)  # [B, K, 3]
    size_residual_label_normalized = res_label / (mean_size_label + 1e-06)
    diff = predicted_size_residual_normalized - size_residual_label_normalized
    size_residual_normalized_loss = jnp.mean(_huber(diff, 1.0), axis=-1)  # [B, K]
    size_residual_normalized_loss = jnp.sum(size_residual_normalized_loss * objectness_label) / (jnp.sum(objectness_label) + 1e-06)
    return (size_class_loss, size_residual_normalized_loss)

if __name__ == "__main__":
    import jax
    _d = setup_inputs()
    print(jax.jit(kernel)(*tuple(_d.values())))

</pallas_src>

<mosaic_0001>
#map = affine_map<(d0, d1) -> (0, 0, 0)>
#map1 = affine_map<(d0, d1) -> (0, 0)>
#map2 = affine_map<(d0, d1) -> (0, 0, 0, 0)>
module attributes {stable_mosaic.version = 14 : i64} {
  func.func @_sc_body(%arg0: i32, %arg1: i32, %arg2: memref<18x32x1024xf32, #tpu.memory_space<hbm>>, %arg3: memref<32x256xi32, #tpu.memory_space<hbm>>, %arg4: memref<3x32x256xf32, #tpu.memory_space<hbm>>, %arg5: memref<18x3x32x1024xf32, #tpu.memory_space<hbm>>, %arg6: memref<32x1024xi32, #tpu.memory_space<hbm>>, %arg7: memref<32x1024xf32, #tpu.memory_space<hbm>>, %arg8: memref<4x8x128xf32, #tpu.memory_space<hbm>>, %arg9: memref<18x8x128xf32, #tpu.memory_space<vmem>>, %arg10: memref<18x3x8x128xf32, #tpu.memory_space<vmem>>, %arg11: memref<8x128xi32, #tpu.memory_space<vmem>>, %arg12: memref<8x128xf32, #tpu.memory_space<vmem>>, %arg13: memref<8x256xi32, #tpu.memory_space<vmem>>, %arg14: memref<3x8x256xf32, #tpu.memory_space<vmem>>, %arg15: memref<64xf32, #tpu.memory_space<vmem>>, %arg16: memref<8x128xi32, #tpu.memory_space<vmem>>, %arg17: memref<48xf32, #tpu.memory_space<vmem>>, %arg18: memref<!tpu.dma_semaphore, #tpu.memory_space<semaphore_mem>>, %arg19: memref<!tpu.dma_semaphore, #tpu.memory_space<semaphore_mem>>, %arg20: memref<!tpu.dma_semaphore, #tpu.memory_space<semaphore_mem>>) attributes {dimension_semantics = [#tpu.dimension_semantics<core_parallel>, #tpu.dimension_semantics<subcore_parallel>], iteration_bounds = array<i64: 2, 16>, scalar_prefetch = 0 : i64, scratch_operands = 12 : i64, tpu.core_type = #tpu.core_type<sc_vector_subcore>, window_params = [{transform_indices = #map}, {transform_indices = #map1}, {transform_indices = #map}, {transform_indices = #map2}, {transform_indices = #map1}, {transform_indices = #map1}, {transform_indices = #map}]} {
    %mul3A = arith.constant 2 : i32
    %mul3A_0 = arith.muli %arg1, %mul3A : i32
    %add3A = arith.addi %mul3A_0, %arg0 : i32
    %jit3A = arith.constant 8 : i32
    %div3A = arith.divsi %add3A, %jit3A : i32
    %sign3A = arith.constant 0 : i32
    %sign3A_1 = arith.cmpi sgt, %add3A, %sign3A : i32
    %sign3A_2 = arith.extui %sign3A_1 : i1 to i32
    %sign3A_3 = arith.constant 0 : i32
    %sign3A_4 = arith.cmpi slt, %add3A, %sign3A_3 : i32
    %sign3A_5 = arith.extui %sign3A_4 : i1 to i32
    %sign3A_6 = arith.subi %sign3A_2, %sign3A_5 : i32
    %sign3A_7 = arith.constant 0 : i32
    %sign3A_8 = arith.cmpi sgt, %jit3A, %sign3A_7 : i32
    %sign3A_9 = arith.extui %sign3A_8 : i1 to i32
    %sign3A_10 = arith.constant 0 : i32
    %sign3A_11 = arith.cmpi slt, %jit3A, %sign3A_10 : i32
    %sign3A_12 = arith.extui %sign3A_11 : i1 to i32
    %sign3A_13 = arith.subi %sign3A_9, %sign3A_12 : i32
    %ne3A = arith.cmpi ne, %sign3A_6, %sign3A_13 : i32
    %rem3A = arith.remsi %add3A, %jit3A : i32
    %ne3A_14 = arith.constant 0 : i32
    %ne3A_15 = arith.cmpi ne, %rem3A, %ne3A_14 : i32
    %and3A = arith.andi %ne3A, %ne3A_15 : i1
    %sub3A = arith.constant 1 : i32
    %sub3A_16 = arith.subi %div3A, %sub3A : i32
    %select_n3A = arith.select %and3A, %sub3A_16, %div3A : i32
    %jit3A_17 = arith.constant 8 : i32
    %eq3A = arith.constant 0 : i32
    %eq3A_18 = arith.cmpi eq, %jit3A_17, %eq3A : i32
    %jit3A_19 = arith.constant 1 : i32
    %select_n3A_20 = arith.select %eq3A_18, %jit3A_19, %jit3A_17 : i32
    %rem3A_21 = arith.remsi %add3A, %select_n3A_20 : i32
    %ne3A_22 = arith.constant 0 : i32
    %ne3A_23 = arith.cmpi ne, %rem3A_21, %ne3A_22 : i32
    %lt3A = arith.constant 0 : i32
    %lt3A_24 = arith.cmpi slt, %rem3A_21, %lt3A : i32
    %lt3A_25 = arith.constant 0 : i32
    %lt3A_26 = arith.cmpi slt, %select_n3A_20, %lt3A_25 : i32
    %ne3A_27 = arith.xori %lt3A_24, %lt3A_26 : i1
    %and3A_28 = arith.andi %ne3A_27, %ne3A_23 : i1
    %add3A_29 = arith.addi %rem3A_21, %select_n3A_20 : i32
    %select_n3A_30 = arith.select %and3A_28, %add3A_29, %rem3A_21 : i32
    %mul3A_31 = arith.constant 8 : i32
    %mul3A_32 = arith.muli %select_n3A, %mul3A_31 : i32
    %mul3A_33 = arith.constant 128 : i32
    %mul3A_34 = arith.muli %select_n3A_30, %mul3A_33 : i32
    %iota3A = tpu.iota {dimensions = array<i32: 0>} : vector<16xi32>
    %broadcast_in_dim3A = arith.constant 0.000000e+00 : f32
    %broadcast_in_dim3A_35 = vector.broadcast %broadcast_in_dim3A : f32 to vector<16xf32>
    %dma_start3A = arith.constant 0 : i32
    %dma_start3A_36 = tpu.memref_slice %arg2[%dma_start3A, %mul3A_32, %mul3A_34] : memref<18x32x1024xf32, #tpu.memory_space<hbm>> -> memref<18x8x128xf32, #tpu.memory_space<hbm>>
    %dma_start3A_37 = arith.constant 0 : i32
    %dma_start3A_38 = tpu.memref_slice %arg2[%dma_start3A_37, %mul3A_32, %mul3A_34] : memref<18x32x1024xf32, #tpu.memory_space<hbm>> -> memref<18x8x128xf32, #tpu.memory_space<hbm>>
    tpu.enqueue_dma source(%dma_start3A_38 : memref<18x8x128xf32, #tpu.memory_space<hbm>>) target(%arg9 : memref<18x8x128xf32, #tpu.memory_space<vmem>>) target_semaphore(%arg18 : memref<!tpu.dma_semaphore, #tpu.memory_space<semaphore_mem>>)
    %dma_start3A_39 = arith.constant 0 : i32
    %dma_start3A_40 = arith.constant 0 : i32
    %dma_start3A_41 = tpu.memref_slice %arg5[%dma_start3A_39, %dma_start3A_40, %mul3A_32, %mul3A_34] : memref<18x3x32x1024xf32, #tpu.memory_space<hbm>> -> memref<18x3x8x128xf32, #tpu.memory_space<hbm>>
    %dma_start3A_42 = arith.constant 0 : i32
    %dma_start3A_43 = arith.constant 0 : i32
    %dma_start3A_44 = tpu.memref_slice %arg5[%dma_start3A_42, %dma_start3A_43, %mul3A_32, %mul3A_34] : memref<18x3x32x1024xf32, #tpu.memory_space<hbm>> -> memref<18x3x8x128xf32, #tpu.memory_space<hbm>>
    tpu.enqueue_dma source(%dma_start3A_44 : memref<18x3x8x128xf32, #tpu.memory_space<hbm>>) target(%arg10 : memref<18x3x8x128xf32, #tpu.memory_space<vmem>>) target_semaphore(%arg19 : memref<!tpu.dma_semaphore, #tpu.memory_space<semaphore_mem>>)
    %dma_start3A_45 = tpu.memref_slice %arg6[%mul3A_32, %mul3A_34] : memref<32x1024xi32, #tpu.memory_space<hbm>> -> memref<8x128xi32, #tpu.memory_space<hbm>>
    %dma_start3A_46 = tpu.memref_slice %arg6[%mul3A_32, %mul3A_34] : memref<32x1024xi32, #tpu.memory_space<hbm>> -> memref<8x128xi32, #tpu.memory_space<hbm>>
    tpu.enqueue_dma source(%dma_start3A_46 : memref<8x128xi32, #tpu.memory_space<hbm>>) target(%arg11 : memref<8x128xi32, #tpu.memory_space<vmem>>) target_semaphore(%arg20 : memref<!tpu.dma_semaphore, #tpu.memory_space<semaphore_mem>>)
    %dma_start3A_47 = tpu.memref_slice %arg7[%mul3A_32, %mul3A_34] : memref<32x1024xf32, #tpu.memory_space<hbm>> -> memref<8x128xf32, #tpu.memory_space<hbm>>
    %dma_start3A_48 = tpu.memref_slice %arg7[%mul3A_32, %mul3A_34] : memref<32x1024xf32, #tpu.memory_space<hbm>> -> memref<8x128xf32, #tpu.memory_space<hbm>>
    tpu.enqueue_dma source(%dma_start3A_48 : memref<8x128xf32, #tpu.memory_space<hbm>>) target(%arg12 : memref<8x128xf32, #tpu.memory_space<vmem>>) target_semaphore(%arg20 : memref<!tpu.dma_semaphore, #tpu.memory_space<semaphore_mem>>)
    %dma_start3A_49 = arith.constant 0 : i32
    %dma_start3A_50 = tpu.memref_slice %arg3[%mul3A_32, %dma_start3A_49] : memref<32x256xi32, #tpu.memory_space<hbm>> -> memref<8x256xi32, #tpu.memory_space<hbm>>
    %dma_start3A_51 = arith.constant 0 : i32
    %dma_start3A_52 = tpu.memref_slice %arg3[%mul3A_32, %dma_start3A_51] : memref<32x256xi32, #tpu.memory_space<hbm>> -> memref<8x256xi32, #tpu.memory_space<hbm>>
    tpu.enqueue_dma source(%dma_start3A_52 : memref<8x256xi32, #tpu.memory_space<hbm>>) target(%arg13 : memref<8x256xi32, #tpu.memory_space<vmem>>) target_semaphore(%arg20 : memref<!tpu.dma_semaphore, #tpu.memory_space<semaphore_mem>>)
    %dma_start3A_53 = arith.constant 0 : i32
    %dma_start3A_54 = arith.constant 0 : i32
    %dma_start3A_55 = tpu.memref_slice %arg4[%dma_start3A_53, %mul3A_32, %dma_start3A_54] : memref<3x32x256xf32, #tpu.memory_space<hbm>> -> memref<3x8x256xf32, #tpu.memory_space<hbm>>
    %dma_start3A_56 = arith.constant 0 : i32
    %dma_start3A_57 = arith.constant 0 : i32
    %dma_start3A_58 = tpu.memref_slice %arg4[%dma_start3A_56, %mul3A_32, %dma_start3A_57] : memref<3x32x256xf32, #tpu.memory_space<hbm>> -> memref<3x8x256xf32, #tpu.memory_space<hbm>>
    tpu.enqueue_dma source(%dma_start3A_58 : memref<3x8x256xf32, #tpu.memory_space<hbm>>) target(%arg14 : memref<3x8x256xf32, #tpu.memory_space<vmem>>) target_semaphore(%arg20 : memref<!tpu.dma_semaphore, #tpu.memory_space<semaphore_mem>>)
    %eq3A_59 = arith.constant 0 : i32
    %eq3A_60 = vector.broadcast %eq3A_59 : i32 to vector<16xi32>
    %eq3A_61 = arith.cmpi eq, %iota3A, %eq3A_60 : vector<16xi32>
    %jit3A_62 = arith.constant 8.000000e-01 : f32
    %broadcast_in_dim3A_63 = vector.broadcast %jit3A_62 : f32 to vector<16xf32>
    %select_n3A_64 = arith.select %eq3A_61, %broadcast_in_dim3A_63, %broadcast_in_dim3A_35 : vector<16xi1>, vector<16xf32>
    %eq3A_65 = arith.constant 1 : i32
    %eq3A_66 = vector.broadcast %eq3A_65 : i32 to vector<16xi32>
    %eq3A_67 = arith.cmpi eq, %iota3A, %eq3A_66 : vector<16xi32>
    %jit3A_68 = arith.constant 0.899999976 : f32
    %broadcast_in_dim3A_69 = vector.broadcast %jit3A_68 : f32 to vector<16xf32>
    %select_n3A_70 = arith.select %eq3A_67, %broadcast_in_dim3A_69, %select_n3A_64 : vector<16xi1>, vector<16xf32>
    %eq3A_71 = arith.constant 2 : i32
    %eq3A_72 = vector.broadcast %eq3A_71 : i32 to vector<16xi32>
    %eq3A_73 = arith.cmpi eq, %iota3A, %eq3A_72 : vector<16xi32>
    %jit3A_74 = arith.constant 1.000000e+00 : f32
    %broadcast_in_dim3A_75 = vector.broadcast %jit3A_74 : f32 to vector<16xf32>
    %select_n3A_76 = arith.select %eq3A_73, %broadcast_in_dim3A_75, %select_n3A_70 : vector<16xi1>, vector<16xf32>
    %eq3A_77 = arith.constant 3 : i32
    %eq3A_78 = vector.broadcast %eq3A_77 : i32 to vector<16xi32>
    %eq3A_79 = arith.cmpi eq, %iota3A, %eq3A_78 : vector<16xi32>
    %jit3A_80 = arith.constant 1.200000e+00 : f32
    %broadcast_in_dim3A_81 = vector.broadcast %jit3A_80 : f32 to vector<16xf32>
    %select_n3A_82 = arith.select %eq3A_79, %broadcast_in_dim3A_81, %select_n3A_76 : vector<16xi1>, vector<16xf32>
    %eq3A_83 = arith.constant 4 : i32
    %eq3A_84 = vector.broadcast %eq3A_83 : i32 to vector<16xi32>
    %eq3A_85 = arith.cmpi eq, %iota3A, %eq3A_84 : vector<16xi32>
    %jit3A_86 = arith.constant 6.000000e-01 : f32
    %broadcast_in_dim3A_87 = vector.broadcast %jit3A_86 : f32 to vector<16xf32>
    %select_n3A_88 = arith.select %eq3A_85, %broadcast_in_dim3A_87, %select_n3A_82 : vector<16xi1>, vector<16xf32>
    %eq3A_89 = arith.constant 5 : i32
    %eq3A_90 = vector.broadcast %eq3A_89 : i32 to vector<16xi32>
    %eq3A_91 = arith.cmpi eq, %iota3A, %eq3A_90 : vector<16xi32>
    %jit3A_92 = arith.constant 0.699999988 : f32
    %broadcast_in_dim3A_93 = vector.broadcast %jit3A_92 : f32 to vector<16xf32>
    %select_n3A_94 = arith.select %eq3A_91, %broadcast_in_dim3A_93, %select_n3A_88 : vector<16xi1>, vector<16xf32>
    %eq3A_95 = arith.constant 6 : i32
    %eq3A_96 = vector.broadcast %eq3A_95 : i32 to vector<16xi32>
    %eq3A_97 = arith.cmpi eq, %iota3A, %eq3A_96 : vector<16xi32>
    %jit3A_98 = arith.constant 2.000000e+00 : f32
    %broadcast_in_dim3A_99 = vector.broadcast %jit3A_98 : f32 to vector<16xf32>
    %select_n3A_100 = arith.select %eq3A_97, %broadcast_in_dim3A_99, %select_n3A_94 : vector<16xi1>, vector<16xf32>
    %eq3A_101 = arith.constant 7 : i32
    %eq3A_102 = vector.broadcast %eq3A_101 : i32 to vector<16xi32>
    %eq3A_103 = arith.cmpi eq, %iota3A, %eq3A_102 : vector<16xi32>
    %jit3A_104 = arith.constant 1.500000e+00 : f32
    %broadcast_in_dim3A_105 = vector.broadcast %jit3A_104 : f32 to vector<16xf32>
    %select_n3A_106 = arith.select %eq3A_103, %broadcast_in_dim3A_105, %select_n3A_100 : vector<16xi1>, vector<16xf32>
    %eq3A_107 = arith.constant 8 : i32
    %eq3A_108 = vector.broadcast %eq3A_107 : i32 to vector<16xi32>
    %eq3A_109 = arith.cmpi eq, %iota3A, %eq3A_108 : vector<16xi32>
    %jit3A_110 = arith.constant 8.000000e-01 : f32
    %broadcast_in_dim3A_111 = vector.broadcast %jit3A_110 : f32 to vector<16xf32>
    %select_n3A_112 = arith.select %eq3A_109, %broadcast_in_dim3A_111, %select_n3A_106 : vector<16xi1>, vector<16xf32>
    %eq3A_113 = arith.constant 9 : i32
    %eq3A_114 = vector.broadcast %eq3A_113 : i32 to vector<16xi32>
    %eq3A_115 = arith.cmpi eq, %iota3A, %eq3A_114 : vector<16xi32>
    %jit3A_116 = arith.constant 5.000000e-01 : f32
    %broadcast_in_dim3A_117 = vector.broadcast %jit3A_116 : f32 to vector<16xf32>
    %select_n3A_118 = arith.select %eq3A_115, %broadcast_in_dim3A_117, %select_n3A_112 : vector<16xi1>, vector<16xf32>
    %eq3A_119 = arith.constant 10 : i32
    %eq3A_120 = vector.broadcast %eq3A_119 : i32 to vector<16xi32>
    %eq3A_121 = arith.cmpi eq, %iota3A, %eq3A_120 : vector<16xi32>
    %jit3A_122 = arith.constant 5.000000e-01 : f32
    %broadcast_in_dim3A_123 = vector.broadcast %jit3A_122 : f32 to vector<16xf32>
    %select_n3A_124 = arith.select %eq3A_121, %broadcast_in_dim3A_123, %select_n3A_118 : vector<16xi1>, vector<16xf32>
    %eq3A_125 = arith.constant 11 : i32
    %eq3A_126 = vector.broadcast %eq3A_125 : i32 to vector<16xi32>
    %eq3A_127 = arith.cmpi eq, %iota3A, %eq3A_126 : vector<16xi32>
    %jit3A_128 = arith.constant 5.000000e-01 : f32
    %broadcast_in_dim3A_129 = vector.broadcast %jit3A_128 : f32 to vector<16xf32>
    %select_n3A_130 = arith.select %eq3A_127, %broadcast_in_dim3A_129, %select_n3A_124 : vector<16xi1>, vector<16xf32>
    %eq3A_131 = arith.constant 12 : i32
    %eq3A_132 = vector.broadcast %eq3A_131 : i32 to vector<16xi32>
    %eq3A_133 = arith.cmpi eq, %iota3A, %eq3A_132 : vector<16xi32>
    %jit3A_134 = arith.constant 1.100000e+00 : f32
    %broadcast_in_dim3A_135 = vector.broadcast %jit3A_134 : f32 to vector<16xf32>
    %select_n3A_136 = arith.select %eq3A_133, %broadcast_in_dim3A_135, %select_n3A_130 : vector<16xi1>, vector<16xf32>
    %eq3A_137 = arith.constant 13 : i32
    %eq3A_138 = vector.broadcast %eq3A_137 : i32 to vector<16xi32>
    %eq3A_139 = arith.cmpi eq, %iota3A, %eq3A_138 : vector<16xi32>
    %jit3A_140 = arith.constant 1.300000e+00 : f32
    %broadcast_in_dim3A_141 = vector.broadcast %jit3A_140 : f32 to vector<16xf32>
    %select_n3A_142 = arith.select %eq3A_139, %broadcast_in_dim3A_141, %select_n3A_136 : vector<16xi1>, vector<16xf32>
    %eq3A_143 = arith.constant 14 : i32
    %eq3A_144 = vector.broadcast %eq3A_143 : i32 to vector<16xi32>
    %eq3A_145 = arith.cmpi eq, %iota3A, %eq3A_144 : vector<16xi32>
    %jit3A_146 = arith.constant 0.899999976 : f32
    %broadcast_in_dim3A_147 = vector.broadcast %jit3A_146 : f32 to vector<16xf32>
    %select_n3A_148 = arith.select %eq3A_145, %broadcast_in_dim3A_147, %select_n3A_142 : vector<16xi1>, vector<16xf32>
    %eq3A_149 = arith.constant 15 : i32
    %eq3A_150 = vector.broadcast %eq3A_149 : i32 to vector<16xi32>
    %eq3A_151 = arith.cmpi eq, %iota3A, %eq3A_150 : vector<16xi32>
    %jit3A_152 = arith.constant 0.699999988 : f32
    %broadcast_in_dim3A_153 = vector.broadcast %jit3A_152 : f32 to vector<16xf32>
    %select_n3A_154 = arith.select %eq3A_151, %broadcast_in_dim3A_153, %select_n3A_148 : vector<16xi1>, vector<16xf32>
    %swap3A = arith.constant 0 : index
    %swap3A_155 = tpu.vector_load %arg15[%swap3A] {strides = array<i32>} : memref<64xf32, #tpu.memory_space<vmem>>, vector<16xf32>,
    tpu.vector_store %arg15[%swap3A], %select_n3A_154 {strides = array<i32>} : memref<64xf32, #tpu.memory_space<vmem>>, vector<16xf32>,
    %eq3A_156 = arith.constant 0 : i32
    %eq3A_157 = vector.broadcast %eq3A_156 : i32 to vector<16xi32>
    %eq3A_158 = arith.cmpi eq, %iota3A, %eq3A_157 : vector<16xi32>
    %jit3A_159 = arith.constant 2.100000e+00 : f32
    %broadcast_in_dim3A_160 = vector.broadcast %jit3A_159 : f32 to vector<16xf32>
    %select_n3A_161 = arith.select %eq3A_158, %broadcast_in_dim3A_160, %broadcast_in_dim3A_35 : vector<16xi1>, vector<16xf32>
    %eq3A_162 = arith.constant 1 : i32
    %eq3A_163 = vector.broadcast %eq3A_162 : i32 to vector<16xi32>
    %eq3A_164 = arith.cmpi eq, %iota3A, %eq3A_163 : vector<16xi32>
    %jit3A_165 = arith.constant 1.400000e+00 : f32
    %broadcast_in_dim3A_166 = vector.broadcast %jit3A_165 : f32 to vector<16xf32>
    %select_n3A_167 = arith.select %eq3A_164, %broadcast_in_dim3A_166, %select_n3A_161 : vector<16xi1>, vector<16xf32>
    %eq3A_168 = arith.constant 2 : i32
    %eq3A_169 = vector.broadcast %eq3A_168 : i32 to vector<16xi32>
    %eq3A_170 = arith.cmpi eq, %iota3A, %eq3A_169 : vector<16xi32>
    %jit3A_171 = arith.constant 1.600000e+00 : f32
    %broadcast_in_dim3A_172 = vector.broadcast %jit3A_171 : f32 to vector<16xf32>
    %select_n3A_173 = arith.select %eq3A_170, %broadcast_in_dim3A_172, %select_n3A_167 : vector<16xi1>, vector<16xf32>
    %eq3A_174 = arith.constant 3 : i32
    %eq3A_175 = vector.broadcast %eq3A_174 : i32 to vector<16xi32>
    %eq3A_176 = arith.cmpi eq, %iota3A, %eq3A_175 : vector<16xi32>
    %jit3A_177 = arith.constant 8.000000e-01 : f32
    %broadcast_in_dim3A_178 = vector.broadcast %jit3A_177 : f32 to vector<16xf32>
    %select_n3A_179 = arith.select %eq3A_176, %broadcast_in_dim3A_178, %select_n3A_173 : vector<16xi1>, vector<16xf32>
    %eq3A_180 = arith.constant 4 : i32
    %eq3A_181 = vector.broadcast %eq3A_180 : i32 to vector<16xi32>
    %eq3A_182 = arith.cmpi eq, %iota3A, %eq3A_181 : vector<16xi32>
    %jit3A_183 = arith.constant 1.200000e+00 : f32
    %broadcast_in_dim3A_184 = vector.broadcast %jit3A_183 : f32 to vector<16xf32>
    %select_n3A_185 = arith.select %eq3A_182, %broadcast_in_dim3A_184, %select_n3A_179 : vector<16xi1>, vector<16xf32>
    %eq3A_186 = arith.constant 5 : i32
    %eq3A_187 = vector.broadcast %eq3A_186 : i32 to vector<16xi32>
    %eq3A_188 = arith.cmpi eq, %iota3A, %eq3A_187 : vector<16xi32>
    %jit3A_189 = arith.constant 0.899999976 : f32
    %broadcast_in_dim3A_190 = vector.broadcast %jit3A_189 : f32 to vector<16xf32>
    %select_n3A_191 = arith.select %eq3A_188, %broadcast_in_dim3A_190, %select_n3A_185 : vector<16xi1>, vector<16xf32>
    %eq3A_192 = arith.constant 6 : i32
    %eq3A_193 = vector.broadcast %eq3A_192 : i32 to vector<16xi32>
    %eq3A_194 = arith.cmpi eq, %iota3A, %eq3A_193 : vector<16xi32>
    %jit3A_195 = arith.constant 1.000000e+00 : f32
    %broadcast_in_dim3A_196 = vector.broadcast %jit3A_195 : f32 to vector<16xf32>
    %select_n3A_197 = arith.select %eq3A_194, %broadcast_in_dim3A_196, %select_n3A_191 : vector<16xi1>, vector<16xf32>
    %eq3A_198 = arith.constant 7 : i32
    %eq3A_199 = vector.broadcast %eq3A_198 : i32 to vector<16xi32>
    %eq3A_200 = arith.cmpi eq, %iota3A, %eq3A_199 : vector<16xi32>
    %jit3A_201 = arith.constant 2.300000e+00 : f32
    %broadcast_in_dim3A_202 = vector.broadcast %jit3A_201 : f32 to vector<16xf32>
    %select_n3A_203 = arith.select %eq3A_200, %broadcast_in_dim3A_202, %select_n3A_197 : vector<16xi1>, vector<16xf32>
    %eq3A_204 = arith.constant 8 : i32
    %eq3A_205 = vector.broadcast %eq3A_204 : i32 to vector<16xi32>
    %eq3A_206 = arith.cmpi eq, %iota3A, %eq3A_205 : vector<16xi32>
    %jit3A_207 = arith.constant 1.400000e+00 : f32
    %broadcast_in_dim3A_208 = vector.broadcast %jit3A_207 : f32 to vector<16xf32>
    %select_n3A_209 = arith.select %eq3A_206, %broadcast_in_dim3A_208, %select_n3A_203 : vector<16xi1>, vector<16xf32>
    %eq3A_210 = arith.constant 9 : i32
    %eq3A_211 = vector.broadcast %eq3A_210 : i32 to vector<16xi32>
    %eq3A_212 = arith.cmpi eq, %iota3A, %eq3A_211 : vector<16xi32>
    %jit3A_213 = arith.constant 1.400000e+00 : f32
    %broadcast_in_dim3A_214 = vector.broadcast %jit3A_213 : f32 to vector<16xf32>
    %select_n3A_215 = arith.select %eq3A_212, %broadcast_in_dim3A_214, %select_n3A_209 : vector<16xi1>, vector<16xf32>
    %eq3A_216 = arith.constant 10 : i32
    %eq3A_217 = vector.broadcast %eq3A_216 : i32 to vector<16xi32>
    %eq3A_218 = arith.cmpi eq, %iota3A, %eq3A_217 : vector<16xi32>
    %jit3A_219 = arith.constant 6.000000e-01 : f32
    %broadcast_in_dim3A_220 = vector.broadcast %jit3A_219 : f32 to vector<16xf32>
    %select_n3A_221 = arith.select %eq3A_218, %broadcast_in_dim3A_220, %select_n3A_215 : vector<16xi1>, vector<16xf32>
    %eq3A_222 = arith.constant 11 : i32
    %eq3A_223 = vector.broadcast %eq3A_222 : i32 to vector<16xi32>
    %eq3A_224 = arith.cmpi eq, %iota3A, %eq3A_223 : vector<16xi32>
    %jit3A_225 = arith.constant 2.200000e+00 : f32
    %broadcast_in_dim3A_226 = vector.broadcast %jit3A_225 : f32 to vector<16xf32>
    %select_n3A_227 = arith.select %eq3A_224, %broadcast_in_dim3A_226, %select_n3A_221 : vector<16xi1>, vector<16xf32>
    %eq3A_228 = arith.constant 12 : i32
    %eq3A_229 = vector.broadcast %eq3A_228 : i32 to vector<16xi32>
    %eq3A_230 = arith.cmpi eq, %iota3A, %eq3A_229 : vector<16xi32>
    %jit3A_231 = arith.constant 0.699999988 : f32
    %broadcast_in_dim3A_232 = vector.broadcast %jit3A_231 : f32 to vector<16xf32>
    %select_n3A_233 = arith.select %eq3A_230, %broadcast_in_dim3A_232, %select_n3A_227 : vector<16xi1>, vector<16xf32>
    %eq3A_234 = arith.constant 13 : i32
    %eq3A_235 = vector.broadcast %eq3A_234 : i32 to vector<16xi32>
    %eq3A_236 = arith.cmpi eq, %iota3A, %eq3A_235 : vector<16xi32>
    %jit3A_237 = arith.constant 1.100000e+00 : f32
    %broadcast_in_dim3A_238 = vector.broadcast %jit3A_237 : f32 to vector<16xf32>
    %select_n3A_239 = arith.select %eq3A_236, %broadcast_in_dim3A_238, %select_n3A_233 : vector<16xi1>, vector<16xf32>
    %eq3A_240 = arith.constant 14 : i32
    %eq3A_241 = vector.broadcast %eq3A_240 : i32 to vector<16xi32>
    %eq3A_242 = arith.cmpi eq, %iota3A, %eq3A_241 : vector<16xi32>
    %jit3A_243 = arith.constant 6.000000e-01 : f32
    %broadcast_in_dim3A_244 = vector.broadcast %jit3A_243 : f32 to vector<16xf32>
    %select_n3A_245 = arith.select %eq3A_242, %broadcast_in_dim3A_244, %select_n3A_239 : vector<16xi1>, vector<16xf32>
    %eq3A_246 = arith.constant 15 : i32
    %eq3A_247 = vector.broadcast %eq3A_246 : i32 to vector<16xi32>
    %eq3A_248 = arith.cmpi eq, %iota3A, %eq3A_247 : vector<16xi32>
    %jit3A_249 = arith.constant 1.800000e+00 : f32
    %broadcast_in_dim3A_250 = vector.broadcast %jit3A_249 : f32 to vector<16xf32>
    %select_n3A_251 = arith.select %eq3A_248, %broadcast_in_dim3A_250, %select_n3A_245 : vector<16xi1>, vector<16xf32>
    %swap3A_252 = arith.constant 16 : index
    %swap3A_253 = tpu.vector_load %arg15[%swap3A_252] {strides = array<i32>} : memref<64xf32, #tpu.memory_space<vmem>>, vector<16xf32>,
    tpu.vector_store %arg15[%swap3A_252], %select_n3A_251 {strides = array<i32>} : memref<64xf32, #tpu.memory_space<vmem>>, vector<16xf32>,
    %eq3A_254 = arith.constant 0 : i32
    %eq3A_255 = vector.broadcast %eq3A_254 : i32 to vector<16xi32>
    %eq3A_256 = arith.cmpi eq, %iota3A, %eq3A_255 : vector<16xi32>
    %jit3A_257 = arith.constant 1.700000e+00 : f32
    %broadcast_in_dim3A_258 = vector.broadcast %jit3A_257 : f32 to vector<16xf32>
    %select_n3A_259 = arith.select %eq3A_256, %broadcast_in_dim3A_258, %broadcast_in_dim3A_35 : vector<16xi1>, vector<16xf32>
    %eq3A_260 = arith.constant 1 : i32
    %eq3A_261 = vector.broadcast %eq3A_260 : i32 to vector<16xi32>
    %eq3A_262 = arith.cmpi eq, %iota3A, %eq3A_261 : vector<16xi32>
    %jit3A_263 = arith.constant 1.000000e+00 : f32
    %broadcast_in_dim3A_264 = vector.broadcast %jit3A_263 : f32 to vector<16xf32>
    %select_n3A_265 = arith.select %eq3A_262, %broadcast_in_dim3A_264, %select_n3A_259 : vector<16xi1>, vector<16xf32>
    %eq3A_266 = arith.constant 2 : i32
    %eq3A_267 = vector.broadcast %eq3A_266 : i32 to vector<16xi32>
    %eq3A_268 = arith.cmpi eq, %iota3A, %eq3A_267 : vector<16xi32>
    %jit3A_269 = arith.constant 1.100000e+00 : f32
    %broadcast_in_dim3A_270 = vector.broadcast %jit3A_269 : f32 to vector<16xf32>
    %select_n3A_271 = arith.select %eq3A_268, %broadcast_in_dim3A_270, %select_n3A_265 : vector<16xi1>, vector<16xf32>
    %eq3A_272 = arith.constant 3 : i32
    %eq3A_273 = vector.broadcast %eq3A_272 : i32 to vector<16xi32>
    %eq3A_274 = arith.cmpi eq, %iota3A, %eq3A_273 : vector<16xi32>
    %jit3A_275 = arith.constant 1.200000e+00 : f32
    %broadcast_in_dim3A_276 = vector.broadcast %jit3A_275 : f32 to vector<16xf32>
    %select_n3A_277 = arith.select %eq3A_274, %broadcast_in_dim3A_276, %select_n3A_271 : vector<16xi1>, vector<16xf32>
    %eq3A_278 = arith.constant 4 : i32
    %eq3A_279 = vector.broadcast %eq3A_278 : i32 to vector<16xi32>
    %eq3A_280 = arith.cmpi eq, %iota3A, %eq3A_279 : vector<16xi32>
    %jit3A_281 = arith.constant 1.900000e+00 : f32
    %broadcast_in_dim3A_282 = vector.broadcast %jit3A_281 : f32 to vector<16xf32>
    %select_n3A_283 = arith.select %eq3A_280, %broadcast_in_dim3A_282, %select_n3A_277 : vector<16xi1>, vector<16xf32>
    %eq3A_284 = arith.constant 5 : i32
    %eq3A_285 = vector.broadcast %eq3A_284 : i32 to vector<16xi32>
    %eq3A_286 = arith.cmpi eq, %iota3A, %eq3A_285 : vector<16xi32>
    %jit3A_287 = arith.constant 0.899999976 : f32
    %broadcast_in_dim3A_288 = vector.broadcast %jit3A_287 : f32 to vector<16xf32>
    %select_n3A_289 = arith.select %eq3A_286, %broadcast_in_dim3A_288, %select_n3A_283 : vector<16xi1>, vector<16xf32>
    %eq3A_290 = arith.constant 6 : i32
    %eq3A_291 = vector.broadcast %eq3A_290 : i32 to vector<16xi32>
    %eq3A_292 = arith.cmpi eq, %iota3A, %eq3A_291 : vector<16xi32>
    %jit3A_293 = arith.constant 5.000000e-01 : f32
    %broadcast_in_dim3A_294 = vector.broadcast %jit3A_293 : f32 to vector<16xf32>
    %select_n3A_295 = arith.select %eq3A_292, %broadcast_in_dim3A_294, %select_n3A_289 : vector<16xi1>, vector<16xf32>
    %eq3A_296 = arith.constant 7 : i32
    %eq3A_297 = vector.broadcast %eq3A_296 : i32 to vector<16xi32>
    %eq3A_298 = arith.cmpi eq, %iota3A, %eq3A_297 : vector<16xi32>
    %jit3A_299 = arith.constant 8.000000e-01 : f32
    %broadcast_in_dim3A_300 = vector.broadcast %jit3A_299 : f32 to vector<16xf32>
    %select_n3A_301 = arith.select %eq3A_298, %broadcast_in_dim3A_300, %select_n3A_295 : vector<16xi1>, vector<16xf32>
    %eq3A_302 = arith.constant 8 : i32
    %eq3A_303 = vector.broadcast %eq3A_302 : i32 to vector<16xi32>
    %eq3A_304 = arith.cmpi eq, %iota3A, %eq3A_303 : vector<16xi32>
    %jit3A_305 = arith.constant 1.600000e+00 : f32
    %broadcast_in_dim3A_306 = vector.broadcast %jit3A_305 : f32 to vector<16xf32>
    %select_n3A_307 = arith.select %eq3A_304, %broadcast_in_dim3A_306, %select_n3A_301 : vector<16xi1>, vector<16xf32>
    %eq3A_308 = arith.constant 9 : i32
    %eq3A_309 = vector.broadcast %eq3A_308 : i32 to vector<16xi32>
    %eq3A_310 = arith.cmpi eq, %iota3A, %eq3A_309 : vector<16xi32>
    %jit3A_311 = arith.constant 2.000000e+00 : f32
    %broadcast_in_dim3A_312 = vector.broadcast %jit3A_311 : f32 to vector<16xf32>
    %select_n3A_313 = arith.select %eq3A_310, %broadcast_in_dim3A_312, %select_n3A_307 : vector<16xi1>, vector<16xf32>
    %eq3A_314 = arith.constant 10 : i32
    %eq3A_315 = vector.broadcast %eq3A_314 : i32 to vector<16xi32>
    %eq3A_316 = arith.cmpi eq, %iota3A, %eq3A_315 : vector<16xi32>
    %jit3A_317 = arith.constant 1.300000e+00 : f32
    %broadcast_in_dim3A_318 = vector.broadcast %jit3A_317 : f32 to vector<16xf32>
    %select_n3A_319 = arith.select %eq3A_316, %broadcast_in_dim3A_318, %select_n3A_313 : vector<16xi1>, vector<16xf32>
    %eq3A_320 = arith.constant 11 : i32
    %eq3A_321 = vector.broadcast %eq3A_320 : i32 to vector<16xi32>
    %eq3A_322 = arith.cmpi eq, %iota3A, %eq3A_321 : vector<16xi32>
    %jit3A_323 = arith.constant 0.699999988 : f32
    %broadcast_in_dim3A_324 = vector.broadcast %jit3A_323 : f32 to vector<16xf32>
    %select_n3A_325 = arith.select %eq3A_322, %broadcast_in_dim3A_324, %select_n3A_319 : vector<16xi1>, vector<16xf32>
    %eq3A_326 = arith.constant 12 : i32
    %eq3A_327 = vector.broadcast %eq3A_326 : i32 to vector<16xi32>
    %eq3A_328 = arith.cmpi eq, %iota3A, %eq3A_327 : vector<16xi32>
    %jit3A_329 = arith.constant 0.899999976 : f32
    %broadcast_in_dim3A_330 = vector.broadcast %jit3A_329 : f32 to vector<16xf32>
    %select_n3A_331 = arith.select %eq3A_328, %broadcast_in_dim3A_330, %select_n3A_325 : vector<16xi1>, vector<16xf32>
    %eq3A_332 = arith.constant 13 : i32
    %eq3A_333 = vector.broadcast %eq3A_332 : i32 to vector<16xi32>
    %eq3A_334 = arith.cmpi eq, %iota3A, %eq3A_333 : vector<16xi32>
    %jit3A_335 = arith.constant 5.000000e-01 : f32
    %broadcast_in_dim3A_336 = vector.broadcast %jit3A_335 : f32 to vector<16xf32>
    %select_n3A_337 = arith.select %eq3A_334, %broadcast_in_dim3A_336, %select_n3A_331 : vector<16xi1>, vector<16xf32>
    %eq3A_338 = arith.constant 14 : i32
    %eq3A_339 = vector.broadcast %eq3A_338 : i32 to vector<16xi32>
    %eq3A_340 = arith.cmpi eq, %iota3A, %eq3A_339 : vector<16xi32>
    %jit3A_341 = arith.constant 1.200000e+00 : f32
    %broadcast_in_dim3A_342 = vector.broadcast %jit3A_341 : f32 to vector<16xf32>
    %select_n3A_343 = arith.select %eq3A_340, %broadcast_in_dim3A_342, %select_n3A_337 : vector<16xi1>, vector<16xf32>
    %eq3A_344 = arith.constant 15 : i32
    %eq3A_345 = vector.broadcast %eq3A_344 : i32 to vector<16xi32>
    %eq3A_346 = arith.cmpi eq, %iota3A, %eq3A_345 : vector<16xi32>
    %jit3A_347 = arith.constant 1.800000e+00 : f32
    %broadcast_in_dim3A_348 = vector.broadcast %jit3A_347 : f32 to vector<16xf32>
    %select_n3A_349 = arith.select %eq3A_346, %broadcast_in_dim3A_348, %select_n3A_343 : vector<16xi1>, vector<16xf32>
    %swap3A_350 = arith.constant 32 : index
    %swap3A_351 = tpu.vector_load %arg15[%swap3A_350] {strides = array<i32>} : memref<64xf32, #tpu.memory_space<vmem>>, vector<16xf32>,
    tpu.vector_store %arg15[%swap3A_350], %select_n3A_349 {strides = array<i32>} : memref<64xf32, #tpu.memory_space<vmem>>, vector<16xf32>,
    %eq3A_352 = arith.constant 0 : i32
    %eq3A_353 = vector.broadcast %eq3A_352 : i32 to vector<16xi32>
    %eq3A_354 = arith.cmpi eq, %iota3A, %eq3A_353 : vector<16xi32>
    %jit3A_355 = arith.constant 1.700000e+00 : f32
    %broadcast_in_dim3A_356 = vector.broadcast %jit3A_355 : f32 to vector<16xf32>
    %select_n3A_357 = arith.select %eq3A_354, %broadcast_in_dim3A_356, %broadcast_in_dim3A_35 : vector<16xi1>, vector<16xf32>
    %eq3A_358 = arith.constant 1 : i32
    %eq3A_359 = vector.broadcast %eq3A_358 : i32 to vector<16xi32>
    %eq3A_360 = arith.cmpi eq, %iota3A, %eq3A_359 : vector<16xi32>
    %jit3A_361 = arith.constant 2.000000e+00 : f32
    %broadcast_in_dim3A_362 = vector.broadcast %jit3A_361 : f32 to vector<16xf32>
    %select_n3A_363 = arith.select %eq3A_360, %broadcast_in_dim3A_362, %select_n3A_357 : vector<16xi1>, vector<16xf32>
    %eq3A_364 = arith.constant 2 : i32
    %eq3A_365 = vector.broadcast %eq3A_364 : i32 to vector<16xi32>
    %eq3A_366 = arith.cmpi eq, %iota3A, %eq3A_365 : vector<16xi32>
    %jit3A_367 = arith.constant 1.000000e+00 : f32
    %broadcast_in_dim3A_368 = vector.broadcast %jit3A_367 : f32 to vector<16xf32>
    %select_n3A_369 = arith.select %eq3A_366, %broadcast_in_dim3A_368, %select_n3A_363 : vector<16xi1>, vector<16xf32>
    %eq3A_370 = arith.constant 3 : i32
    %eq3A_371 = vector.broadcast %eq3A_370 : i32 to vector<16xi32>
    %eq3A_372 = arith.cmpi eq, %iota3A, %eq3A_371 : vector<16xi32>
    %jit3A_373 = arith.constant 1.100000e+00 : f32
    %broadcast_in_dim3A_374 = vector.broadcast %jit3A_373 : f32 to vector<16xf32>
    %select_n3A_375 = arith.select %eq3A_372, %broadcast_in_dim3A_374, %select_n3A_369 : vector<16xi1>, vector<16xf32>
    %eq3A_376 = arith.constant 4 : i32
    %eq3A_377 = vector.broadcast %eq3A_376 : i32 to vector<16xi32>
    %eq3A_378 = arith.cmpi eq, %iota3A, %eq3A_377 : vector<16xi32>
    %jit3A_379 = arith.constant 6.000000e-01 : f32
    %broadcast_in_dim3A_380 = vector.broadcast %jit3A_379 : f32 to vector<16xf32>
    %select_n3A_381 = arith.select %eq3A_378, %broadcast_in_dim3A_380, %select_n3A_375 : vector<16xi1>, vector<16xf32>
    %eq3A_382 = arith.constant 5 : i32
    %eq3A_383 = vector.broadcast %eq3A_382 : i32 to vector<16xi32>
    %eq3A_384 = arith.cmpi eq, %iota3A, %eq3A_383 : vector<16xi32>
    %jit3A_385 = arith.constant 1.500000e+00 : f32
    %broadcast_in_dim3A_386 = vector.broadcast %jit3A_385 : f32 to vector<16xf32>
    %select_n3A_387 = arith.select %eq3A_384, %broadcast_in_dim3A_386, %select_n3A_381 : vector<16xi1>, vector<16xf32>
    %eq3A_388 = arith.constant 6 : i32
    %eq3A_389 = vector.broadcast %eq3A_388 : i32 to vector<16xi32>
    %eq3A_390 = arith.cmpi eq, %iota3A, %eq3A_389 : vector<16xi32>
    %jit3A_391 = arith.constant 1.000000e+00 : f32
    %broadcast_in_dim3A_392 = vector.broadcast %jit3A_391 : f32 to vector<16xf32>
    %select_n3A_393 = arith.select %eq3A_390, %broadcast_in_dim3A_392, %select_n3A_387 : vector<16xi1>, vector<16xf32>
    %eq3A_394 = arith.constant 7 : i32
    %eq3A_395 = vector.broadcast %eq3A_394 : i32 to vector<16xi32>
    %eq3A_396 = arith.cmpi eq, %iota3A, %eq3A_395 : vector<16xi32>
    %jit3A_397 = arith.constant 1.000000e+00 : f32
    %broadcast_in_dim3A_398 = vector.broadcast %jit3A_397 : f32 to vector<16xf32>
    %select_n3A_399 = arith.select %eq3A_396, %broadcast_in_dim3A_398, %select_n3A_393 : vector<16xi1>, vector<16xf32>
    %eq3A_400 = arith.constant 8 : i32
    %eq3A_401 = vector.broadcast %eq3A_400 : i32 to vector<16xi32>
    %eq3A_402 = arith.cmpi eq, %iota3A, %eq3A_401 : vector<16xi32>
    %jit3A_403 = arith.constant 1.000000e+00 : f32
    %broadcast_in_dim3A_404 = vector.broadcast %jit3A_403 : f32 to vector<16xf32>
    %select_n3A_405 = arith.select %eq3A_402, %broadcast_in_dim3A_404, %select_n3A_399 : vector<16xi1>, vector<16xf32>
    %eq3A_406 = arith.constant 9 : i32
    %eq3A_407 = vector.broadcast %eq3A_406 : i32 to vector<16xi32>
    %eq3A_408 = arith.cmpi eq, %iota3A, %eq3A_407 : vector<16xi32>
    %jit3A_409 = arith.constant 1.000000e+00 : f32
    %broadcast_in_dim3A_410 = vector.broadcast %jit3A_409 : f32 to vector<16xf32>
    %select_n3A_411 = arith.select %eq3A_408, %broadcast_in_dim3A_410, %select_n3A_405 : vector<16xi1>, vector<16xf32>
    %eq3A_412 = arith.constant 10 : i32
    %eq3A_413 = vector.broadcast %eq3A_412 : i32 to vector<16xi32>
    %eq3A_414 = arith.cmpi eq, %iota3A, %eq3A_413 : vector<16xi32>
    %jit3A_415 = arith.constant 1.000000e+00 : f32
    %broadcast_in_dim3A_416 = vector.broadcast %jit3A_415 : f32 to vector<16xf32>
    %select_n3A_417 = arith.select %eq3A_414, %broadcast_in_dim3A_416, %select_n3A_411 : vector<16xi1>, vector<16xf32>
    %eq3A_418 = arith.constant 11 : i32
    %eq3A_419 = vector.broadcast %eq3A_418 : i32 to vector<16xi32>
    %eq3A_420 = arith.cmpi eq, %iota3A, %eq3A_419 : vector<16xi32>
    %jit3A_421 = arith.constant 1.000000e+00 : f32
    %broadcast_in_dim3A_422 = vector.broadcast %jit3A_421 : f32 to vector<16xf32>
    %select_n3A_423 = arith.select %eq3A_420, %broadcast_in_dim3A_422, %select_n3A_417 : vector<16xi1>, vector<16xf32>
    %eq3A_424 = arith.constant 12 : i32
    %eq3A_425 = vector.broadcast %eq3A_424 : i32 to vector<16xi32>
    %eq3A_426 = arith.cmpi eq, %iota3A, %eq3A_425 : vector<16xi32>
    %jit3A_427 = arith.constant 1.000000e+00 : f32
    %broadcast_in_dim3A_428 = vector.broadcast %jit3A_427 : f32 to vector<16xf32>
    %select_n3A_429 = arith.select %eq3A_426, %broadcast_in_dim3A_428, %select_n3A_423 : vector<16xi1>, vector<16xf32>
    %eq3A_430 = arith.constant 13 : i32
    %eq3A_431 = vector.broadcast %eq3A_430 : i32 to vector<16xi32>
    %eq3A_432 = arith.cmpi eq, %iota3A, %eq3A_431 : vector<16xi32>
    %jit3A_433 = arith.constant 1.000000e+00 : f32
    %broadcast_in_dim3A_434 = vector.broadcast %jit3A_433 : f32 to vector<16xf32>
    %select_n3A_435 = arith.select %eq3A_432, %broadcast_in_dim3A_434, %select_n3A_429 : vector<16xi1>, vector<16xf32>
    %eq3A_436 = arith.constant 14 : i32
    %eq3A_437 = vector.broadcast %eq3A_436 : i32 to vector<16xi32>
    %eq3A_438 = arith.cmpi eq, %iota3A, %eq3A_437 : vector<16xi32>
    %jit3A_439 = arith.constant 1.000000e+00 : f32
    %broadcast_in_dim3A_440 = vector.broadcast %jit3A_439 : f32 to vector<16xf32>
    %select_n3A_441 = arith.select %eq3A_438, %broadcast_in_dim3A_440, %select_n3A_435 : vector<16xi1>, vector<16xf32>
    %eq3A_442 = arith.constant 15 : i32
    %eq3A_443 = vector.broadcast %eq3A_442 : i32 to vector<16xi32>
    %eq3A_444 = arith.cmpi eq, %iota3A, %eq3A_443 : vector<16xi32>
    %jit3A_445 = arith.constant 1.000000e+00 : f32
    %broadcast_in_dim3A_446 = vector.broadcast %jit3A_445 : f32 to vector<16xf32>
    %select_n3A_447 = arith.select %eq3A_444, %broadcast_in_dim3A_446, %select_n3A_441 : vector<16xi1>, vector<16xf32>
    %swap3A_448 = arith.constant 48 : index
    %swap3A_449 = tpu.vector_load %arg15[%swap3A_448] {strides = array<i32>} : memref<64xf32, #tpu.memory_space<vmem>>, vector<16xf32>,
    tpu.vector_store %arg15[%swap3A_448], %select_n3A_447 {strides = array<i32>} : memref<64xf32, #tpu.memory_space<vmem>>, vector<16xf32>,
    %dma_wait3A = tpu.memref_slice %arg6[%mul3A_32, %mul3A_34] : memref<32x1024xi32, #tpu.memory_space<hbm>> -> memref<8x128xi32, #tpu.memory_space<hbm>>
    %dma_wait3A_450 = tpu.memref_slice %arg6[%mul3A_32, %mul3A_34] : memref<32x1024xi32, #tpu.memory_space<hbm>> -> memref<8x128xi32, #tpu.memory_space<hbm>>
    tpu.wait_dma2 semaphore(%arg20 : memref<!tpu.dma_semaphore, #tpu.memory_space<semaphore_mem>>) src(%dma_wait3A_450 : memref<8x128xi32, #tpu.memory_space<hbm>>) dst(%arg11 : memref<8x128xi32, #tpu.memory_space<vmem>>)
    %dma_wait3A_451 = tpu.memref_slice %arg7[%mul3A_32, %mul3A_34] : memref<32x1024xf32, #tpu.memory_space<hbm>> -> memref<8x128xf32, #tpu.memory_space<hbm>>
    %dma_wait3A_452 = tpu.memref_slice %arg7[%mul3A_32, %mul3A_34] : memref<32x1024xf32, #tpu.memory_space<hbm>> -> memref<8x128xf32, #tpu.memory_space<hbm>>
    tpu.wait_dma2 semaphore(%arg20 : memref<!tpu.dma_semaphore, #tpu.memory_space<semaphore_mem>>) src(%dma_wait3A_452 : memref<8x128xf32, #tpu.memory_space<hbm>>) dst(%arg12 : memref<8x128xf32, #tpu.memory_space<vmem>>)
    %dma_wait3A_453 = arith.constant 0 : i32
    %dma_wait3A_454 = tpu.memref_slice %arg3[%mul3A_32, %dma_wait3A_453] : memref<32x256xi32, #tpu.memory_space<hbm>> -> memref<8x256xi32, #tpu.memory_space<hbm>>
    %dma_wait3A_455 = arith.constant 0 : i32
    %dma_wait3A_456 = tpu.memref_slice %arg3[%mul3A_32, %dma_wait3A_455] : memref<32x256xi32, #tpu.memory_space<hbm>> -> memref<8x256xi32, #tpu.memory_space<hbm>>
    tpu.wait_dma2 semaphore(%arg20 : memref<!tpu.dma_semaphore, #tpu.memory_space<semaphore_mem>>) src(%dma_wait3A_456 : memref<8x256xi32, #tpu.memory_space<hbm>>) dst(%arg13 : memref<8x256xi32, #tpu.memory_space<vmem>>)
    %dma_wait3A_457 = arith.constant 0 : i32
    %dma_wait3A_458 = arith.constant 0 : i32
    %dma_wait3A_459 = tpu.memref_slice %arg4[%dma_wait3A_457, %mul3A_32, %dma_wait3A_458] : memref<3x32x256xf32, #tpu.memory_space<hbm>> -> memref<3x8x256xf32, #tpu.memory_space<hbm>>
    %dma_wait3A_460 = arith.constant 0 : i32
    %dma_wait3A_461 = arith.constant 0 : i32
    %dma_wait3A_462 = tpu.memref_slice %arg4[%dma_wait3A_460, %mul3A_32, %dma_wait3A_461] : memref<3x32x256xf32, #tpu.memory_space<hbm>> -> memref<3x8x256xf32, #tpu.memory_space<hbm>>
    tpu.wait_dma2 semaphore(%arg20 : memref<!tpu.dma_semaphore, #tpu.memory_space<semaphore_mem>>) src(%dma_wait3A_462 : memref<3x8x256xf32, #tpu.memory_space<hbm>>) dst(%arg14 : memref<3x8x256xf32, #tpu.memory_space<vmem>>)
    %dma_wait3A_463 = arith.constant 0 : i32
    %dma_wait3A_464 = tpu.memref_slice %arg2[%dma_wait3A_463, %mul3A_32, %mul3A_34] : memref<18x32x1024xf32, #tpu.memory_space<hbm>> -> memref<18x8x128xf32, #tpu.memory_space<hbm>>
    %dma_wait3A_465 = arith.constant 0 : i32
    %dma_wait3A_466 = tpu.memref_slice %arg2[%dma_wait3A_465, %mul3A_32, %mul3A_34] : memref<18x32x1024xf32, #tpu.memory_space<hbm>> -> memref<18x8x128xf32, #tpu.memory_space<hbm>>
    tpu.wait_dma2 semaphore(%arg18 : memref<!tpu.dma_semaphore, #tpu.memory_space<semaphore_mem>>) src(%dma_wait3A_466 : memref<18x8x128xf32, #tpu.memory_space<hbm>>) dst(%arg9 : memref<18x8x128xf32, #tpu.memory_space<vmem>>)
    %parallel_loop3A = arith.constant 0 : i32
    %parallel_loop3A_467 = arith.constant 64 : i32
    %parallel_loop3A_468 = arith.constant 1 : i32
    %parallel_loop3A_469:2 = scf.for %parallel_loop3A_526 = %parallel_loop3A to %parallel_loop3A_467 step %parallel_loop3A_468 iter_args(%parallel_loop3A_527 = %broadcast_in_dim3A_35, %parallel_loop3A_528 = %broadcast_in_dim3A_35) -> (vector<16xf32>, vector<16xf32>)  : i32 {
      %parallel_loop3A_529 = arith.constant 8 : i32
      %parallel_loop3A_530 = arith.divsi %parallel_loop3A_526, %parallel_loop3A_529 : i32
      %parallel_loop3A_531 = arith.constant 0 : i32
      %parallel_loop3A_532 = arith.cmpi sgt, %parallel_loop3A_526, %parallel_loop3A_531 : i32
      %parallel_loop3A_533 = arith.extui %parallel_loop3A_532 : i1 to i32
      %parallel_loop3A_534 = arith.constant 0 : i32
      %parallel_loop3A_535 = arith.cmpi slt, %parallel_loop3A_526, %parallel_loop3A_534 : i32
      %parallel_loop3A_536 = arith.extui %parallel_loop3A_535 : i1 to i32
      %parallel_loop3A_537 = arith.subi %parallel_loop3A_533, %parallel_loop3A_536 : i32
      %parallel_loop3A_538 = arith.constant 0 : i32
      %parallel_loop3A_539 = arith.cmpi sgt, %parallel_loop3A_529, %parallel_loop3A_538 : i32
      %parallel_loop3A_540 = arith.extui %parallel_loop3A_539 : i1 to i32
      %parallel_loop3A_541 = arith.constant 0 : i32
      %parallel_loop3A_542 = arith.cmpi slt, %parallel_loop3A_529, %parallel_loop3A_541 : i32
      %parallel_loop3A_543 = arith.extui %parallel_loop3A_542 : i1 to i32
      %parallel_loop3A_544 = arith.subi %parallel_loop3A_540, %parallel_loop3A_543 : i32
      %parallel_loop3A_545 = arith.cmpi ne, %parallel_loop3A_537, %parallel_loop3A_544 : i32
      %parallel_loop3A_546 = arith.remsi %parallel_loop3A_526, %parallel_loop3A_529 : i32
      %parallel_loop3A_547 = arith.constant 0 : i32
      %parallel_loop3A_548 = arith.cmpi ne, %parallel_loop3A_546, %parallel_loop3A_547 : i32
      %parallel_loop3A_549 = arith.andi %parallel_loop3A_545, %parallel_loop3A_548 : i1
      %parallel_loop3A_550 = arith.constant 1 : i32
      %parallel_loop3A_551 = arith.subi %parallel_loop3A_530, %parallel_loop3A_550 : i32
      %parallel_loop3A_552 = arith.select %parallel_loop3A_549, %parallel_loop3A_551, %parallel_loop3A_530 : i32
      %parallel_loop3A_553 = arith.constant 8 : i32
      %parallel_loop3A_554 = arith.constant 0 : i32
      %parallel_loop3A_555 = arith.cmpi eq, %parallel_loop3A_553, %parallel_loop3A_554 : i32
      %parallel_loop3A_556 = arith.constant 1 : i32
      %parallel_loop3A_557 = arith.select %parallel_loop3A_555, %parallel_loop3A_556, %parallel_loop3A_553 : i32
      %parallel_loop3A_558 = arith.remsi %parallel_loop3A_526, %parallel_loop3A_557 : i32
      %parallel_loop3A_559 = arith.constant 0 : i32
      %parallel_loop3A_560 = arith.cmpi ne, %parallel_loop3A_558, %parallel_loop3A_559 : i32
      %parallel_loop3A_561 = arith.constant 0 : i32
      %parallel_loop3A_562 = arith.cmpi slt, %parallel_loop3A_558, %parallel_loop3A_561 : i32
      %parallel_loop3A_563 = arith.constant 0 : i32
      %parallel_loop3A_564 = arith.cmpi slt, %parallel_loop3A_557, %parallel_loop3A_563 : i32
      %parallel_loop3A_565 = arith.xori %parallel_loop3A_562, %parallel_loop3A_564 : i1
      %parallel_loop3A_566 = arith.andi %parallel_loop3A_565, %parallel_loop3A_560 : i1
      %parallel_loop3A_567 = arith.addi %parallel_loop3A_558, %parallel_loop3A_557 : i32
      %parallel_loop3A_568 = arith.select %parallel_loop3A_566, %parallel_loop3A_567, %parallel_loop3A_558 : i32
      %parallel_loop3A_569 = arith.constant 16 : i32
      %parallel_loop3A_570 = arith.muli %parallel_loop3A_568, %parallel_loop3A_569 : i32
      %parallel_loop3A_571 = arith.constant 0 : i32
      %parallel_loop3A_572 = vector.broadcast %parallel_loop3A_571 : i32 to vector<16xi32>
      %parallel_loop3A_573 = vector.broadcast %parallel_loop3A_552 : i32 to vector<16xi32>
      %parallel_loop3A_574 = arith.addi %parallel_loop3A_572, %parallel_loop3A_573 : vector<16xi32>
      %parallel_loop3A_575 = vector.broadcast %parallel_loop3A_570 : i32 to vector<16xi32>
      %parallel_loop3A_576 = arith.addi %parallel_loop3A_575, %iota3A : vector<16xi32>
      %parallel_loop3A_577 = arith.index_cast %parallel_loop3A_552 : i32 to index
      %parallel_loop3A_578 = arith.index_cast %parallel_loop3A_570 : i32 to index
      %parallel_loop3A_579 = tpu.vector_load %arg11[%parallel_loop3A_577, %parallel_loop3A_578] {strides = array<i32>} : memref<8x128xi32, #tpu.memory_space<vmem>>, vector<16xi32>,
      %parallel_loop3A_580 = tpu.vector_load_idx %arg13[%parallel_loop3A_574, %parallel_loop3A_579] : memref<8x256xi32, #tpu.memory_space<vmem>>[vector<16xi32>, vector<16xi32>], vector<16xi32>,
      %parallel_loop3A_581 = arith.index_cast %parallel_loop3A_552 : i32 to index
      %parallel_loop3A_582 = arith.index_cast %parallel_loop3A_570 : i32 to index
      %parallel_loop3A_583 = tpu.vector_load %arg16[%parallel_loop3A_581, %parallel_loop3A_582] {strides = array<i32>} : memref<8x128xi32, #tpu.memory_space<vmem>>, vector<16xi32>,
      tpu.vector_store %arg16[%parallel_loop3A_581, %parallel_loop3A_582], %parallel_loop3A_580 {strides = array<i32>} : memref<8x128xi32, #tpu.memory_space<vmem>>, vector<16xi32>,
      %parallel_loop3A_584 = arith.constant 0 : i32
      %parallel_loop3A_585 = arith.index_cast %parallel_loop3A_584 : i32 to index
      %parallel_loop3A_586 = arith.index_cast %parallel_loop3A_552 : i32 to index
      %parallel_loop3A_587 = arith.index_cast %parallel_loop3A_570 : i32 to index
      %parallel_loop3A_588 = tpu.vector_load %arg9[%parallel_loop3A_585, %parallel_loop3A_586, %parallel_loop3A_587] {strides = array<i32>} : memref<18x8x128xf32, #tpu.memory_space<vmem>>, vector<16xf32>,
      %parallel_loop3A_589 = arith.constant 1 : i32
      %parallel_loop3A_590 = arith.index_cast %parallel_loop3A_589 : i32 to index
      %parallel_loop3A_591 = arith.index_cast %parallel_loop3A_552 : i32 to index
      %parallel_loop3A_592 = arith.index_cast %parallel_loop3A_570 : i32 to index
      %parallel_loop3A_593 = tpu.vector_load %arg9[%parallel_loop3A_590, %parallel_loop3A_591, %parallel_loop3A_592] {strides = array<i32>} : memref<18x8x128xf32, #tpu.memory_space<vmem>>, vector<16xf32>,
      %parallel_loop3A_594 = arith.constant 2 : i32
      %parallel_loop3A_595 = arith.index_cast %parallel_loop3A_594 : i32 to index
      %parallel_loop3A_596 = arith.index_cast %parallel_loop3A_552 : i32 to index
      %parallel_loop3A_597 = arith.index_cast %parallel_loop3A_570 : i32 to index
      %parallel_loop3A_598 = tpu.vector_load %arg9[%parallel_loop3A_595, %parallel_loop3A_596, %parallel_loop3A_597] {strides = array<i32>} : memref<18x8x128xf32, #tpu.memory_space<vmem>>, vector<16xf32>,
      %parallel_loop3A_599 = arith.constant 3 : i32
      %parallel_loop3A_600 = arith.index_cast %parallel_loop3A_599 : i32 to index
      %parallel_loop3A_601 = arith.index_cast %parallel_loop3A_552 : i32 to index
      %parallel_loop3A_602 = arith.index_cast %parallel_loop3A_570 : i32 to index
      %parallel_loop3A_603 = tpu.vector_load %arg9[%parallel_loop3A_600, %parallel_loop3A_601, %parallel_loop3A_602] {strides = array<i32>} : memref<18x8x128xf32, #tpu.memory_space<vmem>>, vector<16xf32>,
      %parallel_loop3A_604 = arith.constant 4 : i32
      %parallel_loop3A_605 = arith.index_cast %parallel_loop3A_604 : i32 to index
      %parallel_loop3A_606 = arith.index_cast %parallel_loop3A_552 : i32 to index
      %parallel_loop3A_607 = arith.index_cast %parallel_loop3A_570 : i32 to index
      %parallel_loop3A_608 = tpu.vector_load %arg9[%parallel_loop3A_605, %parallel_loop3A_606, %parallel_loop3A_607] {strides = array<i32>} : memref<18x8x128xf32, #tpu.memory_space<vmem>>, vector<16xf32>,
      %parallel_loop3A_609 = arith.constant 5 : i32
      %parallel_loop3A_610 = arith.index_cast %parallel_loop3A_609 : i32 to index
      %parallel_loop3A_611 = arith.index_cast %parallel_loop3A_552 : i32 to index
      %parallel_loop3A_612 = arith.index_cast %parallel_loop3A_570 : i32 to index
      %parallel_loop3A_613 = tpu.vector_load %arg9[%parallel_loop3A_610, %parallel_loop3A_611, %parallel_loop3A_612] {strides = array<i32>} : memref<18x8x128xf32, #tpu.memory_space<vmem>>, vector<16xf32>,
      %parallel_loop3A_614 = arith.constant 6 : i32
      %parallel_loop3A_615 = arith.index_cast %parallel_loop3A_614 : i32 to index
      %parallel_loop3A_616 = arith.index_cast %parallel_loop3A_552 : i32 to index
      %parallel_loop3A_617 = arith.index_cast %parallel_loop3A_570 : i32 to index
      %parallel_loop3A_618 = tpu.vector_load %arg9[%parallel_loop3A_615, %parallel_loop3A_616, %parallel_loop3A_617] {strides = array<i32>} : memref<18x8x128xf32, #tpu.memory_space<vmem>>, vector<16xf32>,
      %parallel_loop3A_619 = arith.constant 7 : i32
      %parallel_loop3A_620 = arith.index_cast %parallel_loop3A_619 : i32 to index
      %parallel_loop3A_621 = arith.index_cast %parallel_loop3A_552 : i32 to index
      %parallel_loop3A_622 = arith.index_cast %parallel_loop3A_570 : i32 to index
      %parallel_loop3A_623 = tpu.vector_load %arg9[%parallel_loop3A_620, %parallel_loop3A_621, %parallel_loop3A_622] {strides = array<i32>} : memref<18x8x128xf32, #tpu.memory_space<vmem>>, vector<16xf32>,
      %parallel_loop3A_624 = arith.constant 8 : i32
      %parallel_loop3A_625 = arith.index_cast %parallel_loop3A_624 : i32 to index
      %parallel_loop3A_626 = arith.index_cast %parallel_loop3A_552 : i32 to index
      %parallel_loop3A_627 = arith.index_cast %parallel_loop3A_570 : i32 to index
      %parallel_loop3A_628 = tpu.vector_load %arg9[%parallel_loop3A_625, %parallel_loop3A_626, %parallel_loop3A_627] {strides = array<i32>} : memref<18x8x128xf32, #tpu.memory_space<vmem>>, vector<16xf32>,
      %parallel_loop3A_629 = arith.constant 9 : i32
      %parallel_loop3A_630 = arith.index_cast %parallel_loop3A_629 : i32 to index
      %parallel_loop3A_631 = arith.index_cast %parallel_loop3A_552 : i32 to index
      %parallel_loop3A_632 = arith.index_cast %parallel_loop3A_570 : i32 to index
      %parallel_loop3A_633 = tpu.vector_load %arg9[%parallel_loop3A_630, %parallel_loop3A_631, %parallel_loop3A_632] {strides = array<i32>} : memref<18x8x128xf32, #tpu.memory_space<vmem>>, vector<16xf32>,
      %parallel_loop3A_634 = arith.constant 10 : i32
      %parallel_loop3A_635 = arith.index_cast %parallel_loop3A_634 : i32 to index
      %parallel_loop3A_636 = arith.index_cast %parallel_loop3A_552 : i32 to index
      %parallel_loop3A_637 = arith.index_cast %parallel_loop3A_570 : i32 to index
      %parallel_loop3A_638 = tpu.vector_load %arg9[%parallel_loop3A_635, %parallel_loop3A_636, %parallel_loop3A_637] {strides = array<i32>} : memref<18x8x128xf32, #tpu.memory_space<vmem>>, vector<16xf32>,
      %parallel_loop3A_639 = arith.constant 11 : i32
      %parallel_loop3A_640 = arith.index_cast %parallel_loop3A_639 : i32 to index
      %parallel_loop3A_641 = arith.index_cast %parallel_loop3A_552 : i32 to index
      %parallel_loop3A_642 = arith.index_cast %parallel_loop3A_570 : i32 to index
      %parallel_loop3A_643 = tpu.vector_load %arg9[%parallel_loop3A_640, %parallel_loop3A_641, %parallel_loop3A_642] {strides = array<i32>} : memref<18x8x128xf32, #tpu.memory_space<vmem>>, vector<16xf32>,
      %parallel_loop3A_644 = arith.constant 12 : i32
      %parallel_loop3A_645 = arith.index_cast %parallel_loop3A_644 : i32 to index
      %parallel_loop3A_646 = arith.index_cast %parallel_loop3A_552 : i32 to index
      %parallel_loop3A_647 = arith.index_cast %parallel_loop3A_570 : i32 to index
      %parallel_loop3A_648 = tpu.vector_load %arg9[%parallel_loop3A_645, %parallel_loop3A_646, %parallel_loop3A_647] {strides = array<i32>} : memref<18x8x128xf32, #tpu.memory_space<vmem>>, vector<16xf32>,
      %parallel_loop3A_649 = arith.constant 13 : i32
      %parallel_loop3A_650 = arith.index_cast %parallel_loop3A_649 : i32 to index
      %parallel_loop3A_651 = arith.index_cast %parallel_loop3A_552 : i32 to index
      %parallel_loop3A_652 = arith.index_cast %parallel_loop3A_570 : i32 to index
      %parallel_loop3A_653 = tpu.vector_load %arg9[%parallel_loop3A_650, %parallel_loop3A_651, %parallel_loop3A_652] {strides = array<i32>} : memref<18x8x128xf32, #tpu.memory_space<vmem>>, vector<16xf32>,
      %parallel_loop3A_654 = arith.constant 14 : i32
      %parallel_loop3A_655 = arith.index_cast %parallel_loop3A_654 : i32 to index
      %parallel_loop3A_656 = arith.index_cast %parallel_loop3A_552 : i32 to index
      %parallel_loop3A_657 = arith.index_cast %parallel_loop3A_570 : i32 to index
      %parallel_loop3A_658 = tpu.vector_load %arg9[%parallel_loop3A_655, %parallel_loop3A_656, %parallel_loop3A_657] {strides = array<i32>} : memref<18x8x128xf32, #tpu.memory_space<vmem>>, vector<16xf32>,
      %parallel_loop3A_659 = arith.constant 15 : i32
      %parallel_loop3A_660 = arith.index_cast %parallel_loop3A_659 : i32 to index
      %parallel_loop3A_661 = arith.index_cast %parallel_loop3A_552 : i32 to index
      %parallel_loop3A_662 = arith.index_cast %parallel_loop3A_570 : i32 to index
      %parallel_loop3A_663 = tpu.vector_load %arg9[%parallel_loop3A_660, %parallel_loop3A_661, %parallel_loop3A_662] {strides = array<i32>} : memref<18x8x128xf32, #tpu.memory_space<vmem>>, vector<16xf32>,
      %parallel_loop3A_664 = arith.constant 16 : i32
      %parallel_loop3A_665 = arith.index_cast %parallel_loop3A_664 : i32 to index
      %parallel_loop3A_666 = arith.index_cast %parallel_loop3A_552 : i32 to index
      %parallel_loop3A_667 = arith.index_cast %parallel_loop3A_570 : i32 to index
      %parallel_loop3A_668 = tpu.vector_load %arg9[%parallel_loop3A_665, %parallel_loop3A_666, %parallel_loop3A_667] {strides = array<i32>} : memref<18x8x128xf32, #tpu.memory_space<vmem>>, vector<16xf32>,
      %parallel_loop3A_669 = arith.constant 17 : i32
      %parallel_loop3A_670 = arith.index_cast %parallel_loop3A_669 : i32 to index
      %parallel_loop3A_671 = arith.index_cast %parallel_loop3A_552 : i32 to index
      %parallel_loop3A_672 = arith.index_cast %parallel_loop3A_570 : i32 to index
      %parallel_loop3A_673 = tpu.vector_load %arg9[%parallel_loop3A_670, %parallel_loop3A_671, %parallel_loop3A_672] {strides = array<i32>} : memref<18x8x128xf32, #tpu.memory_space<vmem>>, vector<16xf32>,
      %parallel_loop3A_674 = arith.maximumf %parallel_loop3A_588, %parallel_loop3A_593 : vector<16xf32>
      %parallel_loop3A_675 = arith.maximumf %parallel_loop3A_674, %parallel_loop3A_598 : vector<16xf32>
      %parallel_loop3A_676 = arith.maximumf %parallel_loop3A_675, %parallel_loop3A_603 : vector<16xf32>
      %parallel_loop3A_677 = arith.maximumf %parallel_loop3A_676, %parallel_loop3A_608 : vector<16xf32>
      %parallel_loop3A_678 = arith.maximumf %parallel_loop3A_677, %parallel_loop3A_613 : vector<16xf32>
      %parallel_loop3A_679 = arith.maximumf %parallel_loop3A_678, %parallel_loop3A_618 : vector<16xf32>
      %parallel_loop3A_680 = arith.maximumf %parallel_loop3A_679, %parallel_loop3A_623 : vector<16xf32>
      %parallel_loop3A_681 = arith.maximumf %parallel_loop3A_680, %parallel_loop3A_628 : vector<16xf32>
      %parallel_loop3A_682 = arith.maximumf %parallel_loop3A_681, %parallel_loop3A_633 : vector<16xf32>
      %parallel_loop3A_683 = arith.maximumf %parallel_loop3A_682, %parallel_loop3A_638 : vector<16xf32>
      %parallel_loop3A_684 = arith.maximumf %parallel_loop3A_683, %parallel_loop3A_643 : vector<16xf32>
      %parallel_loop3A_685 = arith.maximumf %parallel_loop3A_684, %parallel_loop3A_648 : vector<16xf32>
      %parallel_loop3A_686 = arith.maximumf %parallel_loop3A_685, %parallel_loop3A_653 : vector<16xf32>
      %parallel_loop3A_687 = arith.maximumf %parallel_loop3A_686, %parallel_loop3A_658 : vector<16xf32>
      %parallel_loop3A_688 = arith.maximumf %parallel_loop3A_687, %parallel_loop3A_663 : vector<16xf32>
      %parallel_loop3A_689 = arith.maximumf %parallel_loop3A_688, %parallel_loop3A_668 : vector<16xf32>
      %parallel_loop3A_690 = arith.maximumf %parallel_loop3A_689, %parallel_loop3A_673 : vector<16xf32>
      %parallel_loop3A_691 = arith.subf %parallel_loop3A_588, %parallel_loop3A_690 : vector<16xf32>
      %parallel_loop3A_692 = math.exp %parallel_loop3A_691 : vector<16xf32>
      %parallel_loop3A_693 = arith.addf %broadcast_in_dim3A_35, %parallel_loop3A_692 : vector<16xf32>
      %parallel_loop3A_694 = arith.subf %parallel_loop3A_593, %parallel_loop3A_690 : vector<16xf32>
      %parallel_loop3A_695 = math.exp %parallel_loop3A_694 : vector<16xf32>
      %parallel_loop3A_696 = arith.addf %parallel_loop3A_693, %parallel_loop3A_695 : vector<16xf32>
      %parallel_loop3A_697 = arith.subf %parallel_loop3A_598, %parallel_loop3A_690 : vector<16xf32>
      %parallel_loop3A_698 = math.exp %parallel_loop3A_697 : vector<16xf32>
      %parallel_loop3A_699 = arith.addf %parallel_loop3A_696, %parallel_loop3A_698 : vector<16xf32>
      %parallel_loop3A_700 = arith.subf %parallel_loop3A_603, %parallel_loop3A_690 : vector<16xf32>
      %parallel_loop3A_701 = math.exp %parallel_loop3A_700 : vector<16xf32>
      %parallel_loop3A_702 = arith.addf %parallel_loop3A_699, %parallel_loop3A_701 : vector<16xf32>
      %parallel_loop3A_703 = arith.subf %parallel_loop3A_608, %parallel_loop3A_690 : vector<16xf32>
      %parallel_loop3A_704 = math.exp %parallel_loop3A_703 : vector<16xf32>
      %parallel_loop3A_705 = arith.addf %parallel_loop3A_702, %parallel_loop3A_704 : vector<16xf32>
      %parallel_loop3A_706 = arith.subf %parallel_loop3A_613, %parallel_loop3A_690 : vector<16xf32>
      %parallel_loop3A_707 = math.exp %parallel_loop3A_706 : vector<16xf32>
      %parallel_loop3A_708 = arith.addf %parallel_loop3A_705, %parallel_loop3A_707 : vector<16xf32>
      %parallel_loop3A_709 = arith.subf %parallel_loop3A_618, %parallel_loop3A_690 : vector<16xf32>
      %parallel_loop3A_710 = math.exp %parallel_loop3A_709 : vector<16xf32>
      %parallel_loop3A_711 = arith.addf %parallel_loop3A_708, %parallel_loop3A_710 : vector<16xf32>
      %parallel_loop3A_712 = arith.subf %parallel_loop3A_623, %parallel_loop3A_690 : vector<16xf32>
      %parallel_loop3A_713 = math.exp %parallel_loop3A_712 : vector<16xf32>
      %parallel_loop3A_714 = arith.addf %parallel_loop3A_711, %parallel_loop3A_713 : vector<16xf32>
      %parallel_loop3A_715 = arith.subf %parallel_loop3A_628, %parallel_loop3A_690 : vector<16xf32>
      %parallel_loop3A_716 = math.exp %parallel_loop3A_715 : vector<16xf32>
      %parallel_loop3A_717 = arith.addf %parallel_loop3A_714, %parallel_loop3A_716 : vector<16xf32>
      %parallel_loop3A_718 = arith.subf %parallel_loop3A_633, %parallel_loop3A_690 : vector<16xf32>
      %parallel_loop3A_719 = math.exp %parallel_loop3A_718 : vector<16xf32>
      %parallel_loop3A_720 = arith.addf %parallel_loop3A_717, %parallel_loop3A_719 : vector<16xf32>
      %parallel_loop3A_721 = arith.subf %parallel_loop3A_638, %parallel_loop3A_690 : vector<16xf32>
      %parallel_loop3A_722 = math.exp %parallel_loop3A_721 : vector<16xf32>
      %parallel_loop3A_723 = arith.addf %parallel_loop3A_720, %parallel_loop3A_722 : vector<16xf32>
      %parallel_loop3A_724 = arith.subf %parallel_loop3A_643, %parallel_loop3A_690 : vector<16xf32>
      %parallel_loop3A_725 = math.exp %parallel_loop3A_724 : vector<16xf32>
      %parallel_loop3A_726 = arith.addf %parallel_loop3A_723, %parallel_loop3A_725 : vector<16xf32>
      %parallel_loop3A_727 = arith.subf %parallel_loop3A_648, %parallel_loop3A_690 : vector<16xf32>
      %parallel_loop3A_728 = math.exp %parallel_loop3A_727 : vector<16xf32>
      %parallel_loop3A_729 = arith.addf %parallel_loop3A_726, %parallel_loop3A_728 : vector<16xf32>
      %parallel_loop3A_730 = arith.subf %parallel_loop3A_653, %parallel_loop3A_690 : vector<16xf32>
      %parallel_loop3A_731 = math.exp %parallel_loop3A_730 : vector<16xf32>
      %parallel_loop3A_732 = arith.addf %parallel_loop3A_729, %parallel_loop3A_731 : vector<16xf32>
      %parallel_loop3A_733 = arith.subf %parallel_loop3A_658, %parallel_loop3A_690 : vector<16xf32>
      %parallel_loop3A_734 = math.exp %parallel_loop3A_733 : vector<16xf32>
      %parallel_loop3A_735 = arith.addf %parallel_loop3A_732, %parallel_loop3A_734 : vector<16xf32>
      %parallel_loop3A_736 = arith.subf %parallel_loop3A_663, %parallel_loop3A_690 : vector<16xf32>
      %parallel_loop3A_737 = math.exp %parallel_loop3A_736 : vector<16xf32>
      %parallel_loop3A_738 = arith.addf %parallel_loop3A_735, %parallel_loop3A_737 : vector<16xf32>
      %parallel_loop3A_739 = arith.subf %parallel_loop3A_668, %parallel_loop3A_690 : vector<16xf32>
      %parallel_loop3A_740 = math.exp %parallel_loop3A_739 : vector<16xf32>
      %parallel_loop3A_741 = arith.addf %parallel_loop3A_738, %parallel_loop3A_740 : vector<16xf32>
      %parallel_loop3A_742 = arith.subf %parallel_loop3A_673, %parallel_loop3A_690 : vector<16xf32>
      %parallel_loop3A_743 = math.exp %parallel_loop3A_742 : vector<16xf32>
      %parallel_loop3A_744 = arith.addf %parallel_loop3A_741, %parallel_loop3A_743 : vector<16xf32>
      %parallel_loop3A_745 = tpu.vector_load_idx %arg9[%parallel_loop3A_580, %parallel_loop3A_574, %parallel_loop3A_576] : memref<18x8x128xf32, #tpu.memory_space<vmem>>[vector<16xi32>, vector<16xi32>, vector<16xi32>], vector<16xf32>,
      %parallel_loop3A_746 = tpu.bitcast %parallel_loop3A_744 : vector<16xf32> -> vector<16xi32>
      %parallel_loop3A_747 = arith.constant 23 : i32
      %parallel_loop3A_748 = vector.broadcast %parallel_loop3A_747 : i32 to vector<16xi32>
      %parallel_loop3A_749 = arith.shrsi %parallel_loop3A_746, %parallel_loop3A_748 : vector<16xi32>
      %parallel_loop3A_750 = arith.constant 127 : i32
      %parallel_loop3A_751 = vector.broadcast %parallel_loop3A_750 : i32 to vector<16xi32>
      %parallel_loop3A_752 = arith.subi %parallel_loop3A_749, %parallel_loop3A_751 : vector<16xi32>
      %parallel_loop3A_753 = arith.sitofp %parallel_loop3A_752 : vector<16xi32> to vector<16xf32>
      %parallel_loop3A_754 = arith.constant 8388607 : i32
      %parallel_loop3A_755 = vector.broadcast %parallel_loop3A_754 : i32 to vector<16xi32>
      %parallel_loop3A_756 = arith.andi %parallel_loop3A_746, %parallel_loop3A_755 : vector<16xi32>
      %parallel_loop3A_757 = arith.constant 1065353216 : i32
      %parallel_loop3A_758 = vector.broadcast %parallel_loop3A_757 : i32 to vector<16xi32>
      %parallel_loop3A_759 = arith.ori %parallel_loop3A_756, %parallel_loop3A_758 : vector<16xi32>
      %parallel_loop3A_760 = tpu.bitcast %parallel_loop3A_759 : vector<16xi32> -> vector<16xf32>
      %parallel_loop3A_761 = arith.constant -0.0248256102 : f32
      %parallel_loop3A_762 = vector.broadcast %parallel_loop3A_761 : f32 to vector<16xf32>
      %parallel_loop3A_763 = arith.mulf %parallel_loop3A_762, %parallel_loop3A_760 : vector<16xf32>
      %parallel_loop3A_764 = arith.constant 0.266858816 : f32
      %parallel_loop3A_765 = vector.broadcast %parallel_loop3A_764 : f32 to vector<16xf32>
      %parallel_loop3A_766 = arith.addf %parallel_loop3A_763, %parallel_loop3A_765 : vector<16xf32>
      %parallel_loop3A_767 = arith.mulf %parallel_loop3A_766, %parallel_loop3A_760 : vector<16xf32>
      %parallel_loop3A_768 = arith.constant -1.23426318 : f32
      %parallel_loop3A_769 = vector.broadcast %parallel_loop3A_768 : f32 to vector<16xf32>
      %parallel_loop3A_770 = arith.addf %parallel_loop3A_767, %parallel_loop3A_769 : vector<16xf32>
      %parallel_loop3A_771 = arith.mulf %parallel_loop3A_770, %parallel_loop3A_760 : vector<16xf32>
      %parallel_loop3A_772 = arith.constant 3.21883273 : f32
      %parallel_loop3A_773 = vector.broadcast %parallel_loop3A_772 : f32 to vector<16xf32>
      %parallel_loop3A_774 = arith.addf %parallel_loop3A_771, %parallel_loop3A_773 : vector<16xf32>
      %parallel_loop3A_775 = arith.mulf %parallel_loop3A_774, %parallel_loop3A_760 : vector<16xf32>
      %parallel_loop3A_776 = arith.constant -5.26411057 : f32
      %parallel_loop3A_777 = vector.broadcast %parallel_loop3A_776 : f32 to vector<16xf32>
      %parallel_loop3A_778 = arith.addf %parallel_loop3A_775, %parallel_loop3A_777 : vector<16xf32>
      %parallel_loop3A_779 = arith.mulf %parallel_loop3A_778, %parallel_loop3A_760 : vector<16xf32>
      %parallel_loop3A_780 = arith.constant 6.065830e+00 : f32
      %parallel_loop3A_781 = vector.broadcast %parallel_loop3A_780 : f32 to vector<16xf32>
      %parallel_loop3A_782 = arith.addf %parallel_loop3A_779, %parallel_loop3A_781 : vector<16xf32>
      %parallel_loop3A_783 = arith.mulf %parallel_loop3A_782, %parallel_loop3A_760 : vector<16xf32>
      %parallel_loop3A_784 = arith.constant -3.02831745 : f32
      %parallel_loop3A_785 = vector.broadcast %parallel_loop3A_784 : f32 to vector<16xf32>
      %parallel_loop3A_786 = arith.addf %parallel_loop3A_783, %parallel_loop3A_785 : vector<16xf32>
      %parallel_loop3A_787 = arith.addf %parallel_loop3A_753, %parallel_loop3A_786 : vector<16xf32>
      %parallel_loop3A_788 = arith.constant 0.693147182 : f32
      %parallel_loop3A_789 = vector.broadcast %parallel_loop3A_788 : f32 to vector<16xf32>
      %parallel_loop3A_790 = arith.mulf %parallel_loop3A_787, %parallel_loop3A_789 : vector<16xf32>
      %parallel_loop3A_791 = arith.addf %parallel_loop3A_690, %parallel_loop3A_790 : vector<16xf32>
      %parallel_loop3A_792 = arith.index_cast %parallel_loop3A_552 : i32 to index
      %parallel_loop3A_793 = arith.index_cast %parallel_loop3A_570 : i32 to index
      %parallel_loop3A_794 = tpu.vector_load %arg12[%parallel_loop3A_792, %parallel_loop3A_793] {strides = array<i32>} : memref<8x128xf32, #tpu.memory_space<vmem>>, vector<16xf32>,
      %parallel_loop3A_795 = arith.subf %parallel_loop3A_791, %parallel_loop3A_745 : vector<16xf32>
      %parallel_loop3A_796 = arith.mulf %parallel_loop3A_795, %parallel_loop3A_794 : vector<16xf32>
      %parallel_loop3A_797 = arith.addf %parallel_loop3A_527, %parallel_loop3A_796 : vector<16xf32>
      %parallel_loop3A_798 = arith.addf %parallel_loop3A_528, %parallel_loop3A_794 : vector<16xf32>
      scf.yield %parallel_loop3A_797, %parallel_loop3A_798 : vector<16xf32>, vector<16xf32>
    } {sc.loop_unroll_factor = 4 : i64, sc.parallel_access}
    %dma_wait3A_470 = arith.constant 0 : i32
    %dma_wait3A_471 = arith.constant 0 : i32
    %dma_wait3A_472 = tpu.memref_slice %arg5[%dma_wait3A_470, %dma_wait3A_471, %mul3A_32, %mul3A_34] : memref<18x3x32x1024xf32, #tpu.memory_space<hbm>> -> memref<18x3x8x128xf32, #tpu.memory_space<hbm>>
    %dma_wait3A_473 = arith.constant 0 : i32
    %dma_wait3A_474 = arith.constant 0 : i32
    %dma_wait3A_475 = tpu.memref_slice %arg5[%dma_wait3A_473, %dma_wait3A_474, %mul3A_32, %mul3A_34] : memref<18x3x32x1024xf32, #tpu.memory_space<hbm>> -> memref<18x3x8x128xf32, #tpu.memory_space<hbm>>
    tpu.wait_dma2 semaphore(%arg19 : memref<!tpu.dma_semaphore, #tpu.memory_space<semaphore_mem>>) src(%dma_wait3A_475 : memref<18x3x8x128xf32, #tpu.memory_space<hbm>>) dst(%arg10 : memref<18x3x8x128xf32, #tpu.memory_space<vmem>>)
    %parallel_loop3A_476 = arith.constant 0 : i32
    %parallel_loop3A_477 = arith.constant 64 : i32
    %parallel_loop3A_478 = arith.constant 1 : i32
    %parallel_loop3A_479 = scf.for %parallel_loop3A_526 = %parallel_loop3A_476 to %parallel_loop3A_477 step %parallel_loop3A_478 iter_args(%parallel_loop3A_527 = %broadcast_in_dim3A_35) -> (vector<16xf32>)  : i32 {
      %parallel_loop3A_528 = arith.constant 8 : i32
      %parallel_loop3A_529 = arith.divsi %parallel_loop3A_526, %parallel_loop3A_528 : i32
      %parallel_loop3A_530 = arith.constant 0 : i32
      %parallel_loop3A_531 = arith.cmpi sgt, %parallel_loop3A_526, %parallel_loop3A_530 : i32
      %parallel_loop3A_532 = arith.extui %parallel_loop3A_531 : i1 to i32
      %parallel_loop3A_533 = arith.constant 0 : i32
      %parallel_loop3A_534 = arith.cmpi slt, %parallel_loop3A_526, %parallel_loop3A_533 : i32
      %parallel_loop3A_535 = arith.extui %parallel_loop3A_534 : i1 to i32
      %parallel_loop3A_536 = arith.subi %parallel_loop3A_532, %parallel_loop3A_535 : i32
      %parallel_loop3A_537 = arith.constant 0 : i32
      %parallel_loop3A_538 = arith.cmpi sgt, %parallel_loop3A_528, %parallel_loop3A_537 : i32
      %parallel_loop3A_539 = arith.extui %parallel_loop3A_538 : i1 to i32
      %parallel_loop3A_540 = arith.constant 0 : i32
      %parallel_loop3A_541 = arith.cmpi slt, %parallel_loop3A_528, %parallel_loop3A_540 : i32
      %parallel_loop3A_542 = arith.extui %parallel_loop3A_541 : i1 to i32
      %parallel_loop3A_543 = arith.subi %parallel_loop3A_539, %parallel_loop3A_542 : i32
      %parallel_loop3A_544 = arith.cmpi ne, %parallel_loop3A_536, %parallel_loop3A_543 : i32
      %parallel_loop3A_545 = arith.remsi %parallel_loop3A_526, %parallel_loop3A_528 : i32
      %parallel_loop3A_546 = arith.constant 0 : i32
      %parallel_loop3A_547 = arith.cmpi ne, %parallel_loop3A_545, %parallel_loop3A_546 : i32
      %parallel_loop3A_548 = arith.andi %parallel_loop3A_544, %parallel_loop3A_547 : i1
      %parallel_loop3A_549 = arith.constant 1 : i32
      %parallel_loop3A_550 = arith.subi %parallel_loop3A_529, %parallel_loop3A_549 : i32
      %parallel_loop3A_551 = arith.select %parallel_loop3A_548, %parallel_loop3A_550, %parallel_loop3A_529 : i32
      %parallel_loop3A_552 = arith.constant 8 : i32
      %parallel_loop3A_553 = arith.constant 0 : i32
      %parallel_loop3A_554 = arith.cmpi eq, %parallel_loop3A_552, %parallel_loop3A_553 : i32
      %parallel_loop3A_555 = arith.constant 1 : i32
      %parallel_loop3A_556 = arith.select %parallel_loop3A_554, %parallel_loop3A_555, %parallel_loop3A_552 : i32
      %parallel_loop3A_557 = arith.remsi %parallel_loop3A_526, %parallel_loop3A_556 : i32
      %parallel_loop3A_558 = arith.constant 0 : i32
      %parallel_loop3A_559 = arith.cmpi ne, %parallel_loop3A_557, %parallel_loop3A_558 : i32
      %parallel_loop3A_560 = arith.constant 0 : i32
      %parallel_loop3A_561 = arith.cmpi slt, %parallel_loop3A_557, %parallel_loop3A_560 : i32
      %parallel_loop3A_562 = arith.constant 0 : i32
      %parallel_loop3A_563 = arith.cmpi slt, %parallel_loop3A_556, %parallel_loop3A_562 : i32
      %parallel_loop3A_564 = arith.xori %parallel_loop3A_561, %parallel_loop3A_563 : i1
      %parallel_loop3A_565 = arith.andi %parallel_loop3A_564, %parallel_loop3A_559 : i1
      %parallel_loop3A_566 = arith.addi %parallel_loop3A_557, %parallel_loop3A_556 : i32
      %parallel_loop3A_567 = arith.select %parallel_loop3A_565, %parallel_loop3A_566, %parallel_loop3A_557 : i32
      %parallel_loop3A_568 = arith.constant 16 : i32
      %parallel_loop3A_569 = arith.muli %parallel_loop3A_567, %parallel_loop3A_568 : i32
      %parallel_loop3A_570 = arith.constant 0 : i32
      %parallel_loop3A_571 = vector.broadcast %parallel_loop3A_570 : i32 to vector<16xi32>
      %parallel_loop3A_572 = vector.broadcast %parallel_loop3A_551 : i32 to vector<16xi32>
      %parallel_loop3A_573 = arith.addi %parallel_loop3A_571, %parallel_loop3A_572 : vector<16xi32>
      %parallel_loop3A_574 = vector.broadcast %parallel_loop3A_569 : i32 to vector<16xi32>
      %parallel_loop3A_575 = arith.addi %parallel_loop3A_574, %iota3A : vector<16xi32>
      %parallel_loop3A_576 = arith.index_cast %parallel_loop3A_551 : i32 to index
      %parallel_loop3A_577 = arith.index_cast %parallel_loop3A_569 : i32 to index
      %parallel_loop3A_578 = tpu.vector_load %arg16[%parallel_loop3A_576, %parallel_loop3A_577] {strides = array<i32>} : memref<8x128xi32, #tpu.memory_space<vmem>>, vector<16xi32>,
      %parallel_loop3A_579 = arith.index_cast %parallel_loop3A_551 : i32 to index
      %parallel_loop3A_580 = arith.index_cast %parallel_loop3A_569 : i32 to index
      %parallel_loop3A_581 = tpu.vector_load %arg11[%parallel_loop3A_579, %parallel_loop3A_580] {strides = array<i32>} : memref<8x128xi32, #tpu.memory_space<vmem>>, vector<16xi32>,
      %parallel_loop3A_582 = arith.index_cast %parallel_loop3A_551 : i32 to index
      %parallel_loop3A_583 = arith.index_cast %parallel_loop3A_569 : i32 to index
      %parallel_loop3A_584 = tpu.vector_load %arg12[%parallel_loop3A_582, %parallel_loop3A_583] {strides = array<i32>} : memref<8x128xf32, #tpu.memory_space<vmem>>, vector<16xf32>,
      %parallel_loop3A_585 = arith.constant 0 : i32
      %parallel_loop3A_586 = vector.broadcast %parallel_loop3A_585 : i32 to vector<16xi32>
      %parallel_loop3A_587 = tpu.vector_load_idx %arg10[%parallel_loop3A_578, %parallel_loop3A_586, %parallel_loop3A_573, %parallel_loop3A_575] : memref<18x3x8x128xf32, #tpu.memory_space<vmem>>[vector<16xi32>, vector<16xi32>, vector<16xi32>, vector<16xi32>], vector<16xf32>,
      %parallel_loop3A_588 = tpu.vector_load_idx %arg14[%parallel_loop3A_586, %parallel_loop3A_573, %parallel_loop3A_581] : memref<3x8x256xf32, #tpu.memory_space<vmem>>[vector<16xi32>, vector<16xi32>, vector<16xi32>], vector<16xf32>,
      %parallel_loop3A_589 = arith.constant 3 : i32
      %parallel_loop3A_590 = vector.broadcast %parallel_loop3A_589 : i32 to vector<16xi32>
      %parallel_loop3A_591 = arith.muli %parallel_loop3A_578, %parallel_loop3A_590 : vector<16xi32>
      %parallel_loop3A_592 = arith.constant 0 : i32
      %parallel_loop3A_593 = vector.broadcast %parallel_loop3A_592 : i32 to vector<16xi32>
      %parallel_loop3A_594 = arith.addi %parallel_loop3A_591, %parallel_loop3A_593 : vector<16xi32>
      %parallel_loop3A_595 = tpu.vector_load_idx %arg15[%parallel_loop3A_594] : memref<64xf32, #tpu.memory_space<vmem>>[vector<16xi32>], vector<16xf32>,
      %parallel_loop3A_596 = arith.constant 9.99999997E-7 : f32
      %parallel_loop3A_597 = vector.broadcast %parallel_loop3A_596 : f32 to vector<16xf32>
      %parallel_loop3A_598 = arith.addf %parallel_loop3A_595, %parallel_loop3A_597 : vector<16xf32>
      %parallel_loop3A_599 = arith.divf %parallel_loop3A_588, %parallel_loop3A_598 : vector<16xf32>
      %parallel_loop3A_600 = arith.subf %parallel_loop3A_587, %parallel_loop3A_599 : vector<16xf32>
      %parallel_loop3A_601 = math.absf %parallel_loop3A_600 : vector<16xf32>
      %parallel_loop3A_602 = arith.constant 1.000000e+00 : f32
      %parallel_loop3A_603 = vector.broadcast %parallel_loop3A_602 : f32 to vector<16xf32>
      %parallel_loop3A_604 = arith.cmpf ole, %parallel_loop3A_601, %parallel_loop3A_603 : vector<16xf32>
      %parallel_loop3A_605 = arith.constant 5.000000e-01 : f32
      %parallel_loop3A_606 = vector.broadcast %parallel_loop3A_605 : f32 to vector<16xf32>
      %parallel_loop3A_607 = arith.mulf %parallel_loop3A_606, %parallel_loop3A_600 : vector<16xf32>
      %parallel_loop3A_608 = arith.mulf %parallel_loop3A_607, %parallel_loop3A_600 : vector<16xf32>
      %parallel_loop3A_609 = arith.constant 5.000000e-01 : f32
      %parallel_loop3A_610 = vector.broadcast %parallel_loop3A_609 : f32 to vector<16xf32>
      %parallel_loop3A_611 = arith.subf %parallel_loop3A_601, %parallel_loop3A_610 : vector<16xf32>
      %parallel_loop3A_612 = arith.select %parallel_loop3A_604, %parallel_loop3A_608, %parallel_loop3A_611 : vector<16xi1>, vector<16xf32>
      %parallel_loop3A_613 = arith.addf %broadcast_in_dim3A_35, %parallel_loop3A_612 : vector<16xf32>
      %parallel_loop3A_614 = arith.constant 1 : i32
      %parallel_loop3A_615 = vector.broadcast %parallel_loop3A_614 : i32 to vector<16xi32>
      %parallel_loop3A_616 = tpu.vector_load_idx %arg10[%parallel_loop3A_578, %parallel_loop3A_615, %parallel_loop3A_573, %parallel_loop3A_575] : memref<18x3x8x128xf32, #tpu.memory_space<vmem>>[vector<16xi32>, vector<16xi32>, vector<16xi32>, vector<16xi32>], vector<16xf32>,
      %parallel_loop3A_617 = tpu.vector_load_idx %arg14[%parallel_loop3A_615, %parallel_loop3A_573, %parallel_loop3A_581] : memref<3x8x256xf32, #tpu.memory_space<vmem>>[vector<16xi32>, vector<16xi32>, vector<16xi32>], vector<16xf32>,
      %parallel_loop3A_618 = arith.constant 3 : i32
      %parallel_loop3A_619 = vector.broadcast %parallel_loop3A_618 : i32 to vector<16xi32>
      %parallel_loop3A_620 = arith.muli %parallel_loop3A_578, %parallel_loop3A_619 : vector<16xi32>
      %parallel_loop3A_621 = arith.constant 1 : i32
      %parallel_loop3A_622 = vector.broadcast %parallel_loop3A_621 : i32 to vector<16xi32>
      %parallel_loop3A_623 = arith.addi %parallel_loop3A_620, %parallel_loop3A_622 : vector<16xi32>
      %parallel_loop3A_624 = tpu.vector_load_idx %arg15[%parallel_loop3A_623] : memref<64xf32, #tpu.memory_space<vmem>>[vector<16xi32>], vector<16xf32>,
      %parallel_loop3A_625 = arith.constant 9.99999997E-7 : f32
      %parallel_loop3A_626 = vector.broadcast %parallel_loop3A_625 : f32 to vector<16xf32>
      %parallel_loop3A_627 = arith.addf %parallel_loop3A_624, %parallel_loop3A_626 : vector<16xf32>
      %parallel_loop3A_628 = arith.divf %parallel_loop3A_617, %parallel_loop3A_627 : vector<16xf32>
      %parallel_loop3A_629 = arith.subf %parallel_loop3A_616, %parallel_loop3A_628 : vector<16xf32>
      %parallel_loop3A_630 = math.absf %parallel_loop3A_629 : vector<16xf32>
      %parallel_loop3A_631 = arith.constant 1.000000e+00 : f32
      %parallel_loop3A_632 = vector.broadcast %parallel_loop3A_631 : f32 to vector<16xf32>
      %parallel_loop3A_633 = arith.cmpf ole, %parallel_loop3A_630, %parallel_loop3A_632 : vector<16xf32>
      %parallel_loop3A_634 = arith.constant 5.000000e-01 : f32
      %parallel_loop3A_635 = vector.broadcast %parallel_loop3A_634 : f32 to vector<16xf32>
      %parallel_loop3A_636 = arith.mulf %parallel_loop3A_635, %parallel_loop3A_629 : vector<16xf32>
      %parallel_loop3A_637 = arith.mulf %parallel_loop3A_636, %parallel_loop3A_629 : vector<16xf32>
      %parallel_loop3A_638 = arith.constant 5.000000e-01 : f32
      %parallel_loop3A_639 = vector.broadcast %parallel_loop3A_638 : f32 to vector<16xf32>
      %parallel_loop3A_640 = arith.subf %parallel_loop3A_630, %parallel_loop3A_639 : vector<16xf32>
      %parallel_loop3A_641 = arith.select %parallel_loop3A_633, %parallel_loop3A_637, %parallel_loop3A_640 : vector<16xi1>, vector<16xf32>
      %parallel_loop3A_642 = arith.addf %parallel_loop3A_613, %parallel_loop3A_641 : vector<16xf32>
      %parallel_loop3A_643 = arith.constant 2 : i32
      %parallel_loop3A_644 = vector.broadcast %parallel_loop3A_643 : i32 to vector<16xi32>
      %parallel_loop3A_645 = tpu.vector_load_idx %arg10[%parallel_loop3A_578, %parallel_loop3A_644, %parallel_loop3A_573, %parallel_loop3A_575] : memref<18x3x8x128xf32, #tpu.memory_space<vmem>>[vector<16xi32>, vector<16xi32>, vector<16xi32>, vector<16xi32>], vector<16xf32>,
      %parallel_loop3A_646 = tpu.vector_load_idx %arg14[%parallel_loop3A_644, %parallel_loop3A_573, %parallel_loop3A_581] : memref<3x8x256xf32, #tpu.memory_space<vmem>>[vector<16xi32>, vector<16xi32>, vector<16xi32>], vector<16xf32>,
      %parallel_loop3A_647 = arith.constant 3 : i32
      %parallel_loop3A_648 = vector.broadcast %parallel_loop3A_647 : i32 to vector<16xi32>
      %parallel_loop3A_649 = arith.muli %parallel_loop3A_578, %parallel_loop3A_648 : vector<16xi32>
      %parallel_loop3A_650 = arith.constant 2 : i32
      %parallel_loop3A_651 = vector.broadcast %parallel_loop3A_650 : i32 to vector<16xi32>
      %parallel_loop3A_652 = arith.addi %parallel_loop3A_649, %parallel_loop3A_651 : vector<16xi32>
      %parallel_loop3A_653 = tpu.vector_load_idx %arg15[%parallel_loop3A_652] : memref<64xf32, #tpu.memory_space<vmem>>[vector<16xi32>], vector<16xf32>,
      %parallel_loop3A_654 = arith.constant 9.99999997E-7 : f32
      %parallel_loop3A_655 = vector.broadcast %parallel_loop3A_654 : f32 to vector<16xf32>
      %parallel_loop3A_656 = arith.addf %parallel_loop3A_653, %parallel_loop3A_655 : vector<16xf32>
      %parallel_loop3A_657 = arith.divf %parallel_loop3A_646, %parallel_loop3A_656 : vector<16xf32>
      %parallel_loop3A_658 = arith.subf %parallel_loop3A_645, %parallel_loop3A_657 : vector<16xf32>
      %parallel_loop3A_659 = math.absf %parallel_loop3A_658 : vector<16xf32>
      %parallel_loop3A_660 = arith.constant 1.000000e+00 : f32
      %parallel_loop3A_661 = vector.broadcast %parallel_loop3A_660 : f32 to vector<16xf32>
      %parallel_loop3A_662 = arith.cmpf ole, %parallel_loop3A_659, %parallel_loop3A_661 : vector<16xf32>
      %parallel_loop3A_663 = arith.constant 5.000000e-01 : f32
      %parallel_loop3A_664 = vector.broadcast %parallel_loop3A_663 : f32 to vector<16xf32>
      %parallel_loop3A_665 = arith.mulf %parallel_loop3A_664, %parallel_loop3A_658 : vector<16xf32>
      %parallel_loop3A_666 = arith.mulf %parallel_loop3A_665, %parallel_loop3A_658 : vector<16xf32>
      %parallel_loop3A_667 = arith.constant 5.000000e-01 : f32
      %parallel_loop3A_668 = vector.broadcast %parallel_loop3A_667 : f32 to vector<16xf32>
      %parallel_loop3A_669 = arith.subf %parallel_loop3A_659, %parallel_loop3A_668 : vector<16xf32>
      %parallel_loop3A_670 = arith.select %parallel_loop3A_662, %parallel_loop3A_666, %parallel_loop3A_669 : vector<16xi1>, vector<16xf32>
      %parallel_loop3A_671 = arith.addf %parallel_loop3A_642, %parallel_loop3A_670 : vector<16xf32>
      %parallel_loop3A_672 = arith.constant 0.333333343 : f32
      %parallel_loop3A_673 = vector.broadcast %parallel_loop3A_672 : f32 to vector<16xf32>
      %parallel_loop3A_674 = arith.mulf %parallel_loop3A_671, %parallel_loop3A_673 : vector<16xf32>
      %parallel_loop3A_675 = arith.mulf %parallel_loop3A_674, %parallel_loop3A_584 : vector<16xf32>
      %parallel_loop3A_676 = arith.addf %parallel_loop3A_527, %parallel_loop3A_675 : vector<16xf32>
      scf.yield %parallel_loop3A_676 : vector<16xf32>
    } {sc.loop_unroll_factor = 4 : i64, sc.parallel_access}
    %swap3A_480 = arith.constant 0 : index
    %swap3A_481 = tpu.vector_load %arg17[%swap3A_480] {strides = array<i32>} : memref<48xf32, #tpu.memory_space<vmem>>, vector<16xf32>,
    tpu.vector_store %arg17[%swap3A_480], %parallel_loop3A_469#0 {strides = array<i32>} : memref<48xf32, #tpu.memory_space<vmem>>, vector<16xf32>,
    %swap3A_482 = arith.constant 16 : index
    %swap3A_483 = tpu.vector_load %arg17[%swap3A_482] {strides = array<i32>} : memref<48xf32, #tpu.memory_space<vmem>>, vector<16xf32>,
    tpu.vector_store %arg17[%swap3A_482], %parallel_loop3A_479 {strides = array<i32>} : memref<48xf32, #tpu.memory_space<vmem>>, vector<16xf32>,
    %swap3A_484 = arith.constant 32 : index
    %swap3A_485 = tpu.vector_load %arg17[%swap3A_484] {strides = array<i32>} : memref<48xf32, #tpu.memory_space<vmem>>, vector<16xf32>,
    tpu.vector_store %arg17[%swap3A_484], %parallel_loop3A_469#1 {strides = array<i32>} : memref<48xf32, #tpu.memory_space<vmem>>, vector<16xf32>,
    %jit3A_486 = arith.constant 8 : i32
    %div3A_487 = arith.divsi %add3A, %jit3A_486 : i32
    %sign3A_488 = arith.constant 0 : i32
    %sign3A_489 = arith.cmpi sgt, %add3A, %sign3A_488 : i32
    %sign3A_490 = arith.extui %sign3A_489 : i1 to i32
    %sign3A_491 = arith.constant 0 : i32
    %sign3A_492 = arith.cmpi slt, %add3A, %sign3A_491 : i32
    %sign3A_493 = arith.extui %sign3A_492 : i1 to i32
    %sign3A_494 = arith.subi %sign3A_490, %sign3A_493 : i32
    %sign3A_495 = arith.constant 0 : i32
    %sign3A_496 = arith.cmpi sgt, %jit3A_486, %sign3A_495 : i32
    %sign3A_497 = arith.extui %sign3A_496 : i1 to i32
    %sign3A_498 = arith.constant 0 : i32
    %sign3A_499 = arith.cmpi slt, %jit3A_486, %sign3A_498 : i32
    %sign3A_500 = arith.extui %sign3A_499 : i1 to i32
    %sign3A_501 = arith.subi %sign3A_497, %sign3A_500 : i32
    %ne3A_502 = arith.cmpi ne, %sign3A_494, %sign3A_501 : i32
    %rem3A_503 = arith.remsi %add3A, %jit3A_486 : i32
    %ne3A_504 = arith.constant 0 : i32
    %ne3A_505 = arith.cmpi ne, %rem3A_503, %ne3A_504 : i32
    %and3A_506 = arith.andi %ne3A_502, %ne3A_505 : i1
    %sub3A_507 = arith.constant 1 : i32
    %sub3A_508 = arith.subi %div3A_487, %sub3A_507 : i32
    %select_n3A_509 = arith.select %and3A_506, %sub3A_508, %div3A_487 : i32
    %jit3A_510 = arith.constant 8 : i32
    %eq3A_511 = arith.constant 0 : i32
    %eq3A_512 = arith.cmpi eq, %jit3A_510, %eq3A_511 : i32
    %jit3A_513 = arith.constant 1 : i32
    %select_n3A_514 = arith.select %eq3A_512, %jit3A_513, %jit3A_510 : i32
    %rem3A_515 = arith.remsi %add3A, %select_n3A_514 : i32
    %ne3A_516 = arith.constant 0 : i32
    %ne3A_517 = arith.cmpi ne, %rem3A_515, %ne3A_516 : i32
    %lt3A_518 = arith.constant 0 : i32
    %lt3A_519 = arith.cmpi slt, %rem3A_515, %lt3A_518 : i32
    %lt3A_520 = arith.constant 0 : i32
    %lt3A_521 = arith.cmpi slt, %select_n3A_514, %lt3A_520 : i32
    %ne3A_522 = arith.xori %lt3A_519, %lt3A_521 : i1
    %and3A_523 = arith.andi %ne3A_522, %ne3A_517 : i1
    %add3A_524 = arith.addi %rem3A_515, %select_n3A_514 : i32
    %select_n3A_525 = arith.select %and3A_523, %add3A_524, %rem3A_515 : i32
    "tpu.region"() ({
      %run_scoped3A = tpu.sem_alloc : memref<!tpu.dma_semaphore, #tpu.memory_space<semaphore_mem>>
      %dma_start3A_526 = arith.constant 0 : i32
      %dma_start3A_527 = tpu.memref_slice %arg8[%select_n3A_509, %select_n3A_525, %dma_start3A_526] : memref<4x8x128xf32, #tpu.memory_space<hbm>> -> memref<1x1x48xf32, #tpu.memory_space<hbm>>
      %dma_start3A_528 = tpu.memref_squeeze %dma_start3A_527 : memref<1x1x48xf32, #tpu.memory_space<hbm>> -> memref<48xf32, #tpu.memory_space<hbm>>
      %dma_start3A_529 = arith.constant 0 : i32
      %dma_start3A_530 = tpu.memref_slice %arg8[%select_n3A_509, %select_n3A_525, %dma_start3A_529] : memref<4x8x128xf32, #tpu.memory_space<hbm>> -> memref<1x1x48xf32, #tpu.memory_space<hbm>>
      %dma_start3A_531 = tpu.memref_squeeze %dma_start3A_530 : memref<1x1x48xf32, #tpu.memory_space<hbm>> -> memref<48xf32, #tpu.memory_space<hbm>>
      tpu.enqueue_dma source(%arg17 : memref<48xf32, #tpu.memory_space<vmem>>) target(%dma_start3A_531 : memref<48xf32, #tpu.memory_space<hbm>>) target_semaphore(%run_scoped3A : memref<!tpu.dma_semaphore, #tpu.memory_space<semaphore_mem>>)
      %dma_wait3A_532 = arith.constant 0 : i32
      %dma_wait3A_533 = tpu.memref_slice %arg8[%select_n3A_509, %select_n3A_525, %dma_wait3A_532] : memref<4x8x128xf32, #tpu.memory_space<hbm>> -> memref<1x1x48xf32, #tpu.memory_space<hbm>>
      %dma_wait3A_534 = tpu.memref_squeeze %dma_wait3A_533 : memref<1x1x48xf32, #tpu.memory_space<hbm>> -> memref<48xf32, #tpu.memory_space<hbm>>
      %dma_wait3A_535 = arith.constant 0 : i32
      %dma_wait3A_536 = tpu.memref_slice %arg8[%select_n3A_509, %select_n3A_525, %dma_wait3A_535] : memref<4x8x128xf32, #tpu.memory_space<hbm>> -> memref<1x1x48xf32, #tpu.memory_space<hbm>>
      %dma_wait3A_537 = tpu.memref_squeeze %dma_wait3A_536 : memref<1x1x48xf32, #tpu.memory_space<hbm>> -> memref<48xf32, #tpu.memory_space<hbm>>
      tpu.wait_dma2 semaphore(%run_scoped3A : memref<!tpu.dma_semaphore, #tpu.memory_space<semaphore_mem>>) src(%arg17 : memref<48xf32, #tpu.memory_space<vmem>>) dst(%dma_wait3A_537 : memref<48xf32, #tpu.memory_space<hbm>>)
      tpu.yield
    }) : () -> ()
    return
  }
}

</mosaic_0001>

<sc_bundles>
// kernel: kernel.3.cloned.1.call-start
scs
__scs_entry_jumppad:
0x0: {  	(pc) =	sbr.rel $0x88, $3  }
0x1: {  	(tag) =	ssettag $0x0;
	lr =	simm.s32 $0x1  }
0x2: {  	[smem:$0x3F9B] =	sst lr;
	_ =	strace $0xD0000000  }
0x3: {  	_ = 	snop  }
0x4: {  	_ = 	snop  }
0x5: {  	_ = 	snop  }
0x6: {  	_ = 	snop  }
0x7: {  	_ = 	snop  }
__scs_overlays_trampoline_lowered:
0x8: {  	[smem:$0x3FAA] =	sst s0  }
0x9: {  	[smem:$0x3FAB] =	sst s1  }
0xa: {  	[smem:$0x3FAC] =	sst s2  }
0xb: {  	[smem:$0x3FAD] =	sst s3  }
0xc: {  	[smem:$0x3FAE] =	sst s4  }
0xd: {  	[smem:$0x3FAF] =	sst s5  }
0xe: {  	[smem:$0x3FB0] =	sst s6  }
0xf: {  	[smem:$0x3FB1] =	sst s7  }
0x10: {  	[smem:$0x3FB2] =	sst s8  }
0x11: {  	[smem:$0x3FB3] =	sst s9;
	s0 =	simm.s32 @!p0 $0x0  }
0x12: {  	s1 =	sld [smem:$0x3F99];
	s0 =	simm.s32 @p0 $0x1  }
0x13: {  	[smem:$0x3FB4] =	sst s0;
	s0 =	simm.s32 @!p1 $0x0  }
0x14: {  	s2 =	sld [smem:$0x3F98];
	s0 =	simm.s32 @p1 $0x1  }
0x15: {  	[smem:$0x3FB5] =	sst s0;
	s0 =	simm.s32 @!p2 $0x0  }
0x16: {  	s3 =	sld [smem:$0x3FDB];
	s0 =	simm.s32 @p2 $0x1  }
0x17: {  	s4 =	simm.s32 $0x1BF5;
	[smem:$0x3FB7] =	sst s0  }
0x18: {  	s0 =	sld [smem:$0x3F9A];
	_ =	swait.ge [sflag:s4], $0x0  }
0x19: {  	s7 =	sld [smem:$0x3F9B]  }
0x1a: {  	s8 =	sadd.s32 $0xFFFFE003, lr  }
0x1b: {  	s9 =	sadd.s32 $0xFFFFFEF7, lr;
	s5 =	simm.s32 $0xFFFFFFFF;
	p2 =	slt.u32 s8, $0xFFFFF086  }
0x1c: {  	p1 =	slt.u32 s9, $0xF7A;
	s5 =	simm.s32 @!p2 $0x0  }
0x1d: {  	s5 =	simm.s32 @p1 $0x1;
	p0 =	seq.s32 s7, s2  }
0x1e: {  	s7 =	smul.u32 @!p0 $0xF7A, s2;
	p2 =	seq.s32 @!p0 s5, $0x0  }
0x1f: {  	s9 =	smul.u32 $0xF7A, s1;
	s8 =	simm.s32 @!p0 $0x1BF5;
	p2 =	por !p2, p0  }
0x20: {  	[sflag:s8] =	ssyncset.s32 @!p0 $0xFFFFF086;
	s6 =	sadd.s32 @!p0 s3, s7;
	s7 =	simm.s32 @!p0 $0x108  }
0x21: {  	s3 =	sadd.s32 s3, s9;
	s6 =	sadd.s32 @!p0 $0x88, s6;
	s7 =	simm.s32 @p2 $0x1082  }
0x22: {  	[simem:s7], [sflag:s8] =	dma.local @!p0 [hbm:s6], $0xF7A  }
0x23: {  	s9 =	sor.u32 $0xD0000000, s2;
	s6 =	simm.s32 $0x108;
	_ =	swait.ge @!p0 [sflag:s8], $0x0  }
0x24: {  	s3 =	sadd.s32 $0x88, s3;
	s6 =	simm.s32 @!p1 $0x1082;
	[sflag:s4] =	ssyncset.s32 $0xFFFFF086  }
0x25: {  	[simem:s6], [sflag:s4] =	dma.local [hbm:s3], $0xF7A  }
0x26: {  	[smem:$0x3F9B] =	sst s1;
	(tag) =	ssettag s2;
	_ =	strace s9  }
0x27: {  	s1 =	sld [smem:$0x3FAB]  }
0x28: {  	s2 =	sld [smem:$0x3FAC]  }
0x29: {  	s4 =	sld [smem:$0x3FAE]  }
0x2a: {  	p0 =	seq.s32 s5, $0x0;
	s5 =	sld [smem:$0x3FAF]  }
0x2b: {  	s6 =	sld [smem:$0x3FB0]  }
0x2c: {  	s7 =	sld [smem:$0x3FB1]  }
0x2d: {  	s3 =	simm.s32 $0x108;
	s8 =	sld [smem:$0x3FB2]  }
0x2e: {  	s3 =	simm.s32 @!p0 $0x1082;
	s9 =	sld [smem:$0x3FB3]  }
0x2f: {  	lr =	sadd.s32 s0, s3;
	s0 =	sld [smem:$0x3FAA]  }
0x30: {  	s3 =	sld [smem:$0x3FAD]  }
0x31: {  	[smem:$0x3FB6] =	sst s10  }
0x32: {  	s10 =	sld [smem:$0x3FB4];
	_ =	sdelay $0x3  }
0x33: {  	p0 =	seq.s32 s10, $0x1;
	s10 =	sld [smem:$0x3FB6];
	_ =	sdelay $0x3  }
0x34: {  	[smem:$0x3FB6] =	sst s10  }
0x35: {  	s10 =	sld [smem:$0x3FB5];
	_ =	sdelay $0x3  }
0x36: {  	p1 =	seq.s32 s10, $0x1;
	s10 =	sld [smem:$0x3FB6];
	_ =	sdelay $0x3  }
0x37: {  	[smem:$0x3FB6] =	sst s10  }
0x38: {  	s10 =	sld [smem:$0x3FB7]  }
0x39: {  	_ = 	snop;
	(pc) =	sbr.ind lr, $3  }
0x3a: {  	_ = 	snop  }
0x3b: {  	_ = 	snop  }
0x3c: {  	p2 =	seq.s32 s10, $0x1;
	s10 =	sld [smem:$0x3FB6]  }
0x3d: {  	_ =	shalt  }
0x3e: {  	_ =	shalt  }
0x3f: {  	_ =	shalt  }
0x40: {  	_ =	shalt  }
0x41: {  	_ =	shalt  }
0x42: {  	_ =	shalt  }
0x43: {  	_ =	shalt  }
0x44: {  	_ =	shalt  }
0x45: {  	_ =	shalt  }
0x46: {  	_ =	shalt  }
0x47: {  	_ =	shalt  }
0x48: {  	_ =	shalt  }
0x49: {  	_ =	shalt  }
0x4a: {  	_ =	shalt  }
0x4b: {  	_ =	shalt  }
0x4c: {  	_ =	shalt  }
0x4d: {  	_ =	shalt  }
0x4e: {  	_ =	shalt  }
0x4f: {  	_ =	shalt  }
0x50: {  	_ =	shalt  }
0x51: {  	_ =	shalt  }
0x52: {  	_ =	shalt  }
0x53: {  	_ =	shalt  }
0x54: {  	_ =	shalt  }
0x55: {  	_ =	shalt  }
0x56: {  	_ =	shalt  }
0x57: {  	_ =	shalt  }
0x58: {  	_ =	shalt  }
0x59: {  	_ =	shalt  }
0x5a: {  	_ =	shalt  }
0x5b: {  	_ =	shalt  }
0x5c: {  	_ =	shalt  }
0x5d: {  	_ =	shalt  }
0x5e: {  	_ =	shalt  }
0x5f: {  	_ =	shalt  }
0x60: {  	_ =	shalt  }
0x61: {  	_ =	shalt  }
0x62: {  	_ =	shalt  }
0x63: {  	_ =	shalt  }
0x64: {  	_ =	shalt  }
0x65: {  	_ =	shalt  }
0x66: {  	_ =	shalt  }
0x67: {  	_ =	shalt  }
0x68: {  	_ =	shalt  }
0x69: {  	_ =	shalt  }
0x6a: {  	_ =	shalt  }
0x6b: {  	_ =	shalt  }
0x6c: {  	_ =	shalt  }
0x6d: {  	_ =	shalt  }
0x6e: {  	_ =	shalt  }
0x6f: {  	_ =	shalt  }
0x70: {  	_ =	shalt  }
0x71: {  	_ =	shalt  }
0x72: {  	_ =	shalt  }
0x73: {  	_ =	shalt  }
0x74: {  	_ =	shalt  }
0x75: {  	_ =	shalt  }
0x76: {  	_ =	shalt  }
0x77: {  	_ =	shalt  }
0x78: {  	_ =	shalt  }
0x79: {  	_ =	shalt  }
0x7a: {  	_ =	shalt  }
0x7b: {  	_ =	shalt  }
0x7c: {  	_ =	shalt  }
0x7d: {  	_ =	shalt  }
0x7e: {  	_ =	shalt  }
0x7f: {  	_ =	shalt  }
0x80: {  	_ =	shalt  }
0x81: {  	_ =	shalt  }
0x82: {  	_ =	shalt  }
0x83: {  	_ =	shalt  }
0x84: {  	_ =	shalt  }
0x85: {  	_ =	shalt  }
0x86: {  	_ =	shalt  }
0x87: {  	_ =	shalt  }
.Lfunc_end0:
.L_simem_size_0:
called_computation_lowered:
.L_overlay_start_0:
0x88: {  	s2 =	sld [smem:$0x3FD9]  }
0x89: {  	s3 =	sld [smem:$0x3FFE];
	_ =	sdelay $0x1  }
0x8a: {  	s1 =	srdreg.scid  }
0x8b: {  	s0 =	sand.u32 $0x1, s1  }
0x8c: {  	s17 =	sshll.u32 s0, $0xA;
	s2 =	sadd.s32 s3, s2  }
0x8d: {  	s2 =	sadd.s32 s2, s17  }
0x8e: {  	[smem:$0x3FC2] =	sst s2  }
0x8f: {  	_ = 	snop  }
0x90: {  	s2 =	sld [smem:$0x3FC9]  }
0x91: {  	s18 =	sld [smem:$0x3FC8]  }
0x92: {  	s4 =	sld [smem:$0x3FC7]  }
0x93: {  	s5 =	sld [smem:$0x3FC6]  }
0x94: {  	s6 =	sld [smem:$0x3FC5]  }
0x95: {  	s7 =	sld [smem:$0x3FC4];
	(tm) =	ssettm $0x1  }
0x96: {  	s8 =	sld [smem:$0x3FFB];
	_ =	sdelay $0x3  }
0x97: {  	_ =	strace s8  }
0x98: {  	s8 =	sld [smem:$0x3FFC];
	_ =	sdelay $0x3  }
0x99: {  	_ =	strace s8  }
0x9a: {  	s8 =	sld [smem:$0x3FFD];
	_ =	sdelay $0x3  }
0x9b: {  	_ =	strace s8  }
0x9c: {  	_ =	strace $0x8FFFFFFF  }
0x9d: {  	s19 =	sld [smem:$0x3FDB];
	_ =	sdelay $0x1  }
0x9e: {  	s9 =	simm.s32 $_scs_section_size  }
0x9f: {  	s10 =	simm.s32 $_size__tile_overlayer_lowered;
	s11 =	simm.s32 $_tile_overlayer_lowered  }
0xa0: {  	s22 =	simm.s32 $0x1BFF;
	s21 =	sshll.u32 s11, $0x1;
	s8 =	sadd.s32 s9, s19  }
0xa1: {  	s12 =	simm.s32 $0x0;
	s20 =	sshll.u32 s10, $0x1;
	s10 =	sadd.s32 s21, s8  }
0xa2: {  	[timem:s12], [sflag:s22] =	dma.local [hbm:s10], s20  }
0xa3: {  	_ =	swait.ge [sflag:s22], s20  }
0xa4: {  	s9 =	ssub.s32 $0x0, s20;
	[sflag:s22] =	ssyncset.done $0x0  }
0xa5: {  	[sflag:s22] =	ssyncadd.s32 s9;
	_ =	sdelay $0x1  }
0xa6: {  	s23 =	simm.s32 $0x1B8B  }
0xa7: {  	_ =	swait.ge [sflag:s23], $0x1  }
0xa8: {  	[sflag:s23] =	ssyncset.done $0x0  }
0xa9: {  	s25 =	simm.s32 $0x1B8E;
	s24 =	sld [smem:$0x3FFE];
	[sflag:s23] =	ssyncadd.s32 $0xFFFFFFFF  }
0xaa: {  	s26 =	simm.s32 $execute0_lowered;
	[smem:$0x3FD2] =	sst s25  }
0xab: {  	s10 =	sshll.u32 s26, $0x1;
	_ =	strace $0x80000046;
	[dreg:$0x1] =	wrdreg $0xFFFFFFFF  }
0xac: {  	s28 =	simm.s32 $_size_execute0_lowered;
	s8 =	sadd.s32 s8, s10;
	[dreg:$0x0] =	wrdreg $0x0  }
0xad: {  	s10 =	sshll.u32 s28, $0x1;
	[dreg:$0x2] =	wrdreg s8  }
0xae: {  	[dreg:$0x3] =	wrdreg s10  }
0xaf: {  	[dreg:$0x4] =	wrdreg $0xC0  }
0xb0: {  	_ =	task [dreg:s12], $0x5FFFF  }
0xb1: {  	[dreg:$0x1] =	wrdreg $0xFFFFFFFF  }
0xb2: {  	[dreg:$0x0] =	wrdreg $0x60  }
0xb3: {  	[dreg:$0x2] =	wrdreg s2  }
0xb4: {  	[dreg:$0x3] =	wrdreg s18  }
0xb5: {  	[dreg:$0x4] =	wrdreg s4  }
0xb6: {  	[dreg:$0x5] =	wrdreg s5  }
0xb7: {  	[dreg:$0x6] =	wrdreg s6  }
0xb8: {  	[dreg:$0x7] =	wrdreg s7  }
0xb9: {  	[dreg:$0x8] =	wrdreg s24  }
0xba: {  	[dreg:$0x9] =	wrdreg $0x9  }
0xbb: {  	_ =	task.clear_ibuf [dreg:s12], $0xAFFFF;
	_ =	strace $0x90000046  }
0xbc: {  	s29 =	simm.s32 $0x9;
	_ =	strace $0x80000048  }
0xbd: {  	_ =	swait.ge [sflag:s29], $0x1  }
0xbe: {  	[sflag:s29] =	ssyncadd.s32 $0xFFFFFFFF  }
0xbf: {  	_ =	strace $0x90000048  }
0xc0: {  	_ =	sfence  }
0xc1: {  	s30 =	sld [smem:$0x0];
	_ =	sdelay $0x2  }
0xc2: {  	s31 =	sshll.u32 s1, $0xD;
	s1 =	sshrl.u32 s1, $0x2  }
0xc3: {  	s3 =	sand.u32 $0x4000, s31;
	s1 =	sadd.s32 s1, s30  }
0xc4: {  	s0 =	sor.u32 s3, s0;
	s1 =	sshll.u32 s1, $0x11  }
0xc5: {  	s0 =	sor.u32 s1, s0  }
0xc6: {  	s0 =	sadd.s32 $0x8F2B, s0  }
0xc7: {  	[sflag:s0] =	ssyncadd.remote.s32 $0x1  }
0xc8: {  	_ =	sfence.sel $0xFFFF  }
0xc9: {  	[dreg:$0x0] =	wrdreg $0xFFFFFFFF;
	(pc) =	sbr.abs _section_cstart, $3  }
0xca: {  	[dreg:$0x1] =	wrdreg $0xFFFFFFFF  }
0xcb: {  	_ =	task.clear_ibuf [dreg:s12], $0x2FFFF;
	_ =	strace $0x9FFFFFFF  }
0xcc: {  	(tm) =	ssettm $0x7FFFFFFF  }
0xcd: {  	_ =	shalt  }
tec
execute0_lowered:
.L_overlay_start_1:
0x0: {  	(tag) =	ssettag $0x1  }
0x1: {  	vm3 =	vcmask $0x300;
	v0 =	vimm.f32 $6.999999880e-01;
	vm2 =	vcmask $0x704  }
0x2: {  	vm6 =	vcmask $0xB08;
	vm1 =	vcmask $0xF0C;
	vm0 =	vcmask $0x1310  }
0x3: {  	vm9 =	vcmask $0x1B18;
	vm8 =	vcmask $0x1F1C;
	vm7 =	vcmask $0x2320  }
0x4: {  	vm4 =	vcmask $0x2F24;
	v1 =	vimm.f32 $1.799999950e+00;
	v0 =	vsel vm3, $0x3F4CCCCD, v0  }
0x5: {  	s2 =	rddreg [dreg:$0x0];
	vm5 =	vcmask $0x3734;
	vm12 =	vcmask $0x1714;
	v0 =	vsel vm2, $0x3F666666, v0  }
0x6: {  	s0 =	rddreg [dreg:$0x1];
	vm10 =	vcmask $0x3B38;
	vm11 =	vcmask $0x2720;
	v0 =	vsel vm6, $0x3F800000, v0  }
0x7: {  	s1 =	rddreg [dreg:$0x2];
	vm13 =	vcmask $0x2B28;
	vm14 =	vcmask $0x2724;
	v0 =	vsel vm1, $0x3F99999A, v0  }
0x8: {  	s3 =	rddreg [dreg:$0x3];
	vm15 =	vcmask $0x2F2C;
	v2 =	vsel vm3, $0x40066666, v1;
	v0 =	vsel vm0, $0x3F19999A, v0  }
0x9: {  	s4 =	rddreg [dreg:$0x4];
	v1 =	vsel vm3, $0x3FD9999A, v1;
	v2 =	vsel vm2, $0x3FB33333, v2;
	v0 =	vsel vm9, $0x40000000, v0  }
0xa: {  	s5 =	rddreg [dreg:$0x5];
	v1 =	vsel vm2, $0x3F800000, v1;
	v2 =	vsel vm6, $0x3FCCCCCD, v2;
	v0 =	vsel vm8, $0x3FC00000, v0  }
0xb: {  	s9 =	stileid.u32;
	s6 =	rddreg [dreg:$0x6];
	v1 =	vsel vm6, $0x3F8CCCCD, v1;
	v2 =	vsel vm1, $0x3F4CCCCD, v2;
	v0 =	vsel vm7, $0x3F4CCCCD, v0  }
0xc: {  	s7 =	srdreg.scid;
	s15 =	simm.s32 $0x0;
	s16 =	simm.s32 $0x4800;
	v1 =	vsel vm1, $0x3F99999A, v1;
	v0 =	vsel vm4, $0x3F000000, v0;
	vm4 =	vcmask $0x3330  }
0xd: {  	s8 =	sshll.u32 s9, $0x1;
	s7 =	sand.u32 $0x1, s7;
	s9 =	sshrl.u32 s9, $0x2;
	v2 =	vsel vm0, $0x3F99999A, v2;
	v1 =	vsel vm0, $0x3FF33333, v1;
	v0 =	vsel vm4, $0x3F8CCCCD, v0  }
0xe: {  	[smem:$0x7FF] =	sst s15;
	s8 =	sand.u32 $0x6, s8;
	s10 =	sshll.u32 s9, $0xA;
	v2 =	vsel vm12, $0x3F666666, v2;
	v1 =	vsel vm12, $0x3F666666, v1;
	v0 =	vsel vm5, $0x3FA66666, v0  }
0xf: {  	_ =	strace $0x80000047;
	s25 =	sshll.u32 s9, $0x8;
	s8 =	sor.u32 s7, s8;
	v59 =	vsel vm9, $0x3F800000, v2;
	v1 =	vsel vm9, $0x3F000000, v1;
	v0 =	vsel vm10, $0x3F666666, v0  }
0x10: {  	v60 =	vimm.f32 $1.000000000e+00;
	s24 =	sshll.u32 s9, $0x7;
	s0 =	sadd.s32 s0, s25;
	s11 =	sshll.u32 s8, $0x7;
	v1 =	vsel vm8, $0x3F4CCCCD, v1;
	[tilespmem:$0x1FFC0] =	vst v0;
	v0 =	vsel vm8, $0x40133333, v59  }
0x11: {  	s28 =	sadd.s32 s1, s25;
	[dreg:$0x14] =	wrdreg s0;
	s10 =	sor.u32 s10, s11;
	v2 =	vsel vm3, $0x3FD9999A, v60;
	v1 =	vsel vm7, $0x3FCCCCCD, v1;
	v0 =	vsel vm11, $0x3FB33333, v0  }
0x12: {  	s7 =	ssub.s32 $0x2, s7;
	[dreg:$0x15] =	wrdreg s28;
	s2 =	sadd.s32 s2, s10;
	v2 =	vsel vm2, $0x40000000, v2;
	v1 =	vsel vm14, $0x40000000, v1;
	v0 =	vsel vm13, $0x3F19999A, v0  }
0x13: {  	s12 =	sshrl.u32 s7, $0x1;
	s21 =	sadd.s32 s3, s10;
	[dreg:$0x10] =	wrdreg s2;
	v2 =	vsel vm1, $0x3F8CCCCD, v2;
	v1 =	vsel vm13, $0x3FA66666, v1;
	v0 =	vsel vm15, $0x400CCCCD, v0  }
0x14: {  	s26 =	sshll.u32 s8, $0x4;
	s22 =	sadd.s32 s4, s10;
	[dreg:$0x11] =	wrdreg s21;
	v62 =	vsel vm0, $0x3F19999A, v2;
	v1 =	vsel vm15, $0x3F333333, v1;
	v0 =	vsel vm4, $0x3F333333, v0  }
0x15: {  	s7 =	ssub.s32 s7, s12;
	s23 =	sadd.s32 s5, s10;
	[dreg:$0x12] =	wrdreg s22;
	v63 =	vsel vm12, $0x3FC00000, v62;
	v1 =	vsel vm4, $0x3F666666, v1;
	v0 =	vsel vm5, $0x3F8CCCCD, v0  }
0x16: {  	s31 =	smax.u32 s7, $0x1;
	[dreg:$0x13] =	wrdreg s23;
	s2 =	sadd.s32 s6, s24;
	[tilespmem:$0x1FFF0] =	vst v63;
	v61 =	vsel vm5, $0x3F000000, v1;
	v0 =	vsel vm10, $0x3F19999A, v0  }
0x17: {  	s29 =	simm.s32 $0x12800;
	[dreg:$0x17] =	wrdreg s31;
	s30 =	sadd.s32 s26, s2;
	[tilespmem:$0x1FFD0] =	vst v0;
	v0 =	vsel vm10, $0x3F99999A, v61  }
0x18: {  	s17 =	simm.s32 $0x13000;
	s2 =	simm.s32 $0x0;
	[dreg:$0x16] =	wrdreg s30;
	[tilespmem:$0x1FFE0] =	vst v0  }
.LBB2_1:
0x19: {  	s0 =	rddreg [dreg:$0x10];
	s1 =	simm.s32 $0x400;
	s3 =	simm.s32 $0x8000  }
0x1a: {  	[tilespmem:s15], [sflag:$0x1] =	stream.strided.gather [hbm4b:s0+s1], $0x4800, s3, s1, $0x38;
	[tilespmem:$0x14D00] =	vst v63  }
0x1b: {  	s4 =	rddreg [dreg:$0x11]  }
0x1c: {  	[tilespmem:s16], [sflag:$0x2] =	stream.strided.gather [hbm4b:s4+s1], $0xD800, s3, s1, $0x38;
	[tilespmem:$0x14D00] =	vst v63  }
0x1d: {  	s5 =	rddreg [dreg:$0x12];
	s6 =	simm.s32 $0x12000  }
0x1e: {  	[tilespmem:s6], [sflag:$0x3] =	stream.linear.gather [hbm4b:s5+s15], $0x400, $0x38;
	[tilespmem:$0x14D00] =	vst v63  }
0x1f: {  	s7 =	rddreg [dreg:$0x13];
	s8 =	simm.s32 $0x12400  }
0x20: {  	v0 =	vld [tilespmem:$0x1FFC0];
	[tilespmem:s8], [sflag:$0x3] =	stream.linear.gather [hbm4b:s7+s15], $0x400, $0x38  }
0x21: {  	s9 =	rddreg [dreg:$0x14]  }
0x22: {  	[tilespmem:s29], [sflag:$0x3] =	stream.linear.gather [hbm4b:s9+s15], $0x800, $0x38;
	[tilespmem:$0x14D00] =	vst v63  }
0x23: {  	s10 =	rddreg [dreg:$0x15];
	s11 =	simm.s32 $0x800;
	s12 =	simm.s32 $0x2000  }
0x24: {  	[tilespmem:s17], [sflag:$0x3] =	stream.strided.gather [hbm4b:s10+s11], $0x1800, s12, s11, $0x38;
	[tilespmem:$0x14D00] =	vst v63  }
0x25: {  	[tilespmem:$0x14800] =	vst v0;
	v0 =	vld [tilespmem:$0x1FFD0];
	_ =	sdelay $0x4  }
0x26: {  	[tilespmem:$0x14810] =	vst v0;
	v0 =	vld [tilespmem:$0x1FFE0];
	_ =	sdelay $0x4  }
0x27: {  	[tilespmem:$0x14820] =	vst v0;
	v0 =	vld [tilespmem:$0x1FFF0];
	_ =	sdelay $0x4  }
0x28: {  	[dreg:$0x18] =	wrdreg s2;
	s13 =	simm.s32 $0x3;
	[tilespmem:$0x14830] =	vst v0  }
0x29: {  	_ =	swait.ge [sflag:s13], $0x400  }
0x2a: {  	[sflag:s13] =	ssyncset.done $0x0  }
0x2b: {  	[sflag:s13] =	ssyncadd.s32 $0xFFFFFC00  }
0x2c: {  	_ =	swait.ge [sflag:s13], $0x400  }
0x2d: {  	[sflag:s13] =	ssyncset.done $0x0  }
0x2e: {  	[sflag:s13] =	ssyncadd.s32 $0xFFFFFC00  }
0x2f: {  	_ =	swait.ge [sflag:s13], $0x800  }
0x30: {  	[sflag:s13] =	ssyncset.done $0x0  }
0x31: {  	[sflag:s13] =	ssyncadd.s32 $0xFFFFF800  }
0x32: {  	_ =	swait.ge [sflag:s13], $0x1800  }
0x33: {  	[sflag:s13] =	ssyncset.done $0x0  }
0x34: {  	s14 =	simm.s32 $0x1;
	[sflag:s13] =	ssyncadd.s32 $0xFFFFE800  }
0x35: {  	s17 =	sand.u32 $0x40, s15;
	_ =	swait.ge [sflag:s14], $0x4800  }
0x36: {  	s16 =	simm.s32 $0x0;
	s24 =	sor.u32 $0x20, s17;
	[sflag:s14] =	ssyncset.done $0x0  }
0x37: {  	s26 =	sor.u32 s16, s24;
	[sflag:s14] =	ssyncadd.s32 $0xFFFFB800  }
0x38: {  	v0 =	vld [tilespmem:s26+$0x12000]  }
0x39: {  	s6 =	sor.u32 $0x30, s17;
	s4 =	sor.u32 s17, s16  }
0x3a: {  	s18 =	sor.u32 $0x10, s17;
	s7 =	sor.u32 s16, s6;
	v3 =	vld [tilespmem:s4+$0x12000]  }
0x3b: {  	s19 =	simm.s32 $0x0;
	s5 =	sor.u32 s16, s18;
	v1 =	vld [tilespmem:s7+$0x12000]  }
0x3c: {  	v4 =	vmov s19;
	v2 =	vld [tilespmem:s5+$0x12000]  }
0x3d: {  	v4 =	vshll.u32 v4, $0x7;
	v5 =	vshll.u32 v0, $0x3  }
0x3e: {  	v7 =	vbroadcast v4, $0x0;
	v0 =	vand.u32 $0x7F, v0;
	v4 =	vand.u32 $0xFFFFFC00, v5  }
0x3f: {  	v6 =	vand.u32 $0x7F, v3;
	v0 =	vor.u32 v4, v0  }
0x40: {  	v3 =	vshll.u32 v3, $0x3;
	v5 =	vand.u32 $0x7F, v1;
	v0 =	vor.u32 v7, v0  }
0x41: {  	v1 =	vshll.u32 v1, $0x3;
	v3 =	vand.u32 $0xFFFFFC00, v3;
	v4 =	vand.u32 $0x7F, v2  }
0x42: {  	v2 =	vshll.u32 v2, $0x3;
	v1 =	vand.u32 $0xFFFFFC00, v1;
	v3 =	vor.u32 v3, v6  }
0x43: {  	v2 =	vand.u32 $0xFFFFFC00, v2;
	v1 =	vor.u32 v1, v5;
	v3 =	vor.u32 v7, v3  }
0x44: {  	[tilespmem:$0x1FE50] =	vst v7;
	v2 =	vor.u32 v2, v4;
	v1 =	vor.u32 v7, v1  }
0x45: {  	v2 =	vor.u32 v7, v2;
	v4 =	vld.idx.msk [tilespmem:v0+s29+$0x0], $0xffff;
	_ =	sdelay $0x2  }
0x46: {  	v0 =	vld.idx.msk [tilespmem:v3+s29+$0x0], $0xffff  }
0x47: {  	v5 =	vld.idx.msk [tilespmem:v1+s29+$0x0], $0xffff  }
0x48: {  	s0 =	simm.s32 $0x4400;
	v1 =	vld.idx.msk [tilespmem:v2+s29+$0x0], $0xffff;
	[tilespmem:$0x1FE60] =	vst v4  }
0x49: {  	s1 =	simm.s32 $0x4000;
	s3 =	sor.u32 s24, s0;
	[tilespmem:s26+$0x14880] =	vst v4  }
0x4a: {  	s2 =	simm.s32 $0x3C00;
	s8 =	sor.u32 s24, s1;
	v15 =	vld [tilespmem:s3+$0x0]  }
0x4b: {  	s15 =	simm.s32 $0x1C00;
	s9 =	sor.u32 s24, s2;
	v37 =	vld [tilespmem:s8+$0x0]  }
0x4c: {  	s22 =	sor.u32 s24, s15;
	s3 =	simm.s32 $0x3800;
	v36 =	vld [tilespmem:s9+$0x0]  }
0x4d: {  	s8 =	simm.s32 $0x3400;
	v19 =	vld [tilespmem:s22+$0x0];
	s10 =	sor.u32 s24, s3  }
0x4e: {  	s9 =	simm.s32 $0x3000;
	s11 =	sor.u32 s24, s8;
	v34 =	vld [tilespmem:s10+$0x0]  }
0x4f: {  	s13 =	sor.u32 s24, s9;
	s10 =	simm.s32 $0x2C00;
	v29 =	vld [tilespmem:s11+$0x0]  }
0x50: {  	s11 =	simm.s32 $0x2800;
	v25 =	vld [tilespmem:s13+$0x0];
	s14 =	sor.u32 s24, s10  }
0x51: {  	s13 =	simm.s32 $0x2400;
	s20 =	sor.u32 s24, s11;
	v23 =	vld [tilespmem:s14+$0x0]  }
0x52: {  	s21 =	sor.u32 s24, s13;
	s14 =	simm.s32 $0x2000;
	v22 =	vld [tilespmem:s20+$0x0]  }
0x53: {  	v18 =	vld [tilespmem:s21+$0x0];
	s19 =	sor.u32 s24, s14  }
0x54: {  	s20 =	simm.s32 $0x1000;
	v21 =	vld [tilespmem:s19+$0x0];
	[tilespmem:$0x1FE70] =	vst v5  }
0x55: {  	s23 =	sor.u32 s6, s20;
	[tilespmem:s7+$0x14880] =	vst v5  }
0x56: {  	v13 =	vld [tilespmem:s23+$0x0];
	_ =	sdelay $0x1  }
0x57: {  	s16 =	simm.s32 $0x1800  }
0x58: {  	s21 =	sor.u32 s24, s16  }
0x59: {  	v3 =	vld [tilespmem:s21+$0x0];
	s21 =	simm.s32 $0xC00  }
0x5a: {  	s25 =	sor.u32 s6, s21;
	[tilespmem:$0x1FF20] =	vst v13  }
0x5b: {  	v20 =	vld [tilespmem:s25+$0x0];
	_ =	sdelay $0x2  }
0x5c: {  	s19 =	simm.s32 $0x1400  }
0x5d: {  	s22 =	sor.u32 s24, s19  }
0x5e: {  	s28 =	sor.u32 s24, s20;
	s23 =	simm.s32 $0x800;
	v27 =	vld [tilespmem:s22+$0x0];
	[tilespmem:$0x1FF10] =	vst v20  }
0x5f: {  	s31 =	sor.u32 s6, s23;
	v31 =	vld [tilespmem:s28+$0x0]  }
0x60: {  	s12 =	sor.u32 s24, s21;
	s25 =	simm.s32 $0x400;
	v5 =	vld [tilespmem:s31+$0x0]  }
0x61: {  	v17 =	vld [tilespmem:s12+$0x0];
	s28 =	sor.u32 s6, s25;
	[tilespmem:$0x1FE80] =	vst v1  }
0x62: {  	s12 =	sor.u32 s24, s23;
	v8 =	vld [tilespmem:s28+$0x0]  }
0x63: {  	s31 =	sor.u32 s18, s20;
	[tilespmem:s5+$0x14880] =	vst v1;
	v54 =	vld [tilespmem:s12+$0x0]  }
0x64: {  	s28 =	sor.u32 s18, s21;
	v6 =	vld [tilespmem:s31+$0x0]  }
0x65: {  	s12 =	sor.u32 s18, s25;
	v7 =	vld [tilespmem:s28+$0x0]  }
0x66: {  	s31 =	sor.u32 s24, s25;
	v9 =	vld [tilespmem:s12+$0x0]  }
0x67: {  	v10 =	vld [tilespmem:s31+$0x0];
	[tilespmem:$0x1FE90] =	vst v0;
	s31 =	sor.u32 s18, s23  }
0x68: {  	v11 =	vld [tilespmem:s31+$0x0]  }
0x69: {  	v12 =	vld [tilespmem:s26+$0x0]  }
0x6a: {  	v2 =	vld [tilespmem:s4+$0x0]  }
0x6b: {  	v1 =	vld [tilespmem:s7+$0x0]  }
0x6c: {  	s28 =	sor.u32 s17, s25;
	[tilespmem:s4+$0x14880] =	vst v0;
	v30 =	vld [tilespmem:s5+$0x0]  }
0x6d: {  	s12 =	sor.u32 s17, s23;
	v4 =	vld [tilespmem:s28+$0x0]  }
0x6e: {  	s21 =	sor.u32 s17, s21;
	v0 =	vld [tilespmem:s12+$0x0]  }
0x6f: {  	s20 =	sor.u32 s17, s20;
	v24 =	vld [tilespmem:s21+$0x0]  }
0x70: {  	s22 =	sor.u32 s17, s16;
	v32 =	vld [tilespmem:s20+$0x0]  }
0x71: {  	s23 =	sor.u32 s17, s15;
	v35 =	vld [tilespmem:s22+$0x0]  }
0x72: {  	s21 =	sor.u32 s17, s19;
	v38 =	vld [tilespmem:s23+$0x0];
	v14 =	vmax.f32 v12, v10  }
0x73: {  	s25 =	sor.u32 s17, s14;
	v33 =	vld [tilespmem:s21+$0x0];
	v14 =	vmax.f32 v14, v54  }
0x74: {  	s31 =	sor.u32 s17, s11;
	v39 =	vld [tilespmem:s25+$0x0];
	v16 =	vmax.f32 v2, v4;
	v14 =	vmax.f32 v14, v17  }
0x75: {  	s28 =	sor.u32 s17, s13;
	v41 =	vld [tilespmem:s31+$0x0];
	v16 =	vmax.f32 v16, v0;
	v14 =	vmax.f32 v14, v31  }
0x76: {  	s12 =	sor.u32 s17, s10;
	v40 =	vld [tilespmem:s28+$0x0];
	v16 =	vmax.f32 v16, v24;
	v14 =	vmax.f32 v14, v27  }
0x77: {  	s22 =	sor.u32 s17, s8;
	v42 =	vld [tilespmem:s12+$0x0];
	v16 =	vmax.f32 v16, v32;
	v14 =	vmax.f32 v14, v3  }
0x78: {  	s23 =	sor.u32 s17, s3;
	v45 =	vld [tilespmem:s22+$0x0];
	v16 =	vmax.f32 v16, v33;
	v14 =	vmax.f32 v14, v19  }
0x79: {  	s21 =	sor.u32 s17, s9;
	v46 =	vld [tilespmem:s23+$0x0];
	v16 =	vmax.f32 v16, v35;
	v14 =	vmax.f32 v14, v21  }
0x7a: {  	s25 =	sor.u32 s17, s2;
	v43 =	vld [tilespmem:s21+$0x0];
	v44 =	vmax.f32 v1, v8;
	v16 =	vmax.f32 v16, v38;
	v14 =	vmax.f32 v14, v18  }
0x7b: {  	v48 =	vld [tilespmem:s25+$0x0];
	s28 =	sor.u32 s17, s1;
	v26 =	vmax.f32 v30, v9;
	v16 =	vmax.f32 v16, v39;
	v14 =	vmax.f32 v14, v22  }
0x7c: {  	s12 =	sor.u32 s18, s19;
	s19 =	sor.u32 s6, s19;
	v49 =	vld [tilespmem:s28+$0x0];
	v47 =	vmax.f32 v26, v11;
	v16 =	vmax.f32 v16, v40;
	v14 =	vmax.f32 v14, v23  }
0x7d: {  	v28 =	vld [tilespmem:s19+$0x0];
	v44 =	vmax.f32 v44, v5;
	v16 =	vmax.f32 v16, v41;
	v14 =	vmax.f32 v14, v25  }
0x7e: {  	s31 =	sor.u32 s17, s0;
	v26 =	vld [tilespmem:s12+$0x0];
	v44 =	vmax.f32 v44, v20;
	v16 =	vmax.f32 v16, v42;
	v14 =	vmax.f32 v14, v29  }
0x7f: {  	v50 =	vld [tilespmem:s31+$0x0];
	v47 =	vmax.f32 v47, v7;
	v16 =	vmax.f32 v16, v43;
	v14 =	vmax.f32 v14, v34  }
0x80: {  	v44 =	vmax.f32 v44, v13;
	v51 =	vmax.f32 v16, v45;
	v14 =	vmax.f32 v14, v36  }
0x81: {  	v47 =	vmax.f32 v47, v6;
	v51 =	vmax.f32 v51, v46;
	v14 =	vmax.f32 v14, v37  }
0x82: {  	v44 =	vmax.f32 v44, v28;
	v51 =	vmax.f32 v51, v48;
	v14 =	vmax.f32 v14, v15  }
0x83: {  	v53 =	vmax.f32 v47, v26;
	v51 =	vmax.f32 v51, v49;
	v52 =	vsub.f32 v15, v14  }
0x84: {  	v15 =	vmax.f32 v51, v50;
	v37 =	vsub.f32 v37, v14;
	v36 =	vsub.f32 v36, v14  }
0x85: {  	v34 =	vsub.f32 v34, v14;
	v50 =	vsub.f32 v50, v15;
	v59 =	vmul.f32 $1.442695020e+00, v52  }
0x86: {  	v29 =	vsub.f32 v29, v14;
	v25 =	vsub.f32 v25, v14;
	v37 =	vmul.f32 $1.442695020e+00, v37  }
0x87: {  	v49 =	vsub.f32 v49, v15;
	v50 =	vmul.f32 $1.442695020e+00, v50;
	(erf) = vpow2.f32 v59  }
0x88: {  	v23 =	vsub.f32 v23, v14;
	v36 =	vmul.f32 $1.442695020e+00, v36;
	(erf) = vpow2.f32 v37  }
0x89: {  	v60 =	vsub.f32 v48, v15;
	v61 =	vmul.f32 $1.442695020e+00, v49;
	(erf) = vpow2.f32 v50  }
0x8a: {  	v22 =	vsub.f32 v22, v14;
	v34 =	vmul.f32 $1.442695020e+00, v34;
	(erf) = vpow2.f32 v36  }
0x8b: {  	v62 =	vsub.f32 v46, v15;
	v37 =	vmul.f32 $1.442695020e+00, v60;
	(erf) = vpow2.f32 v61  }
0x8c: {  	v19 =	vsub.f32 v19, v14;
	v29 =	vmul.f32 $1.442695020e+00, v29;
	(erf) = vpow2.f32 v34  }
0x8d: {  	v63 =	vsub.f32 v45, v15;
	v36 =	vmul.f32 $1.442695020e+00, v62;
	(erf) = vpow2.f32 v37  }
0x8e: {  	v51 =	vsub.f32 v27, v14;
	v25 =	vmul.f32 $1.442695020e+00, v25;
	(erf) = vpow2.f32 v29  }
0x8f: {  	v34 =	vmul.f32 $1.442695020e+00, v63;
	v29 =	vsub.f32 v43, v15;
	(erf) = vpow2.f32 v36  }
0x90: {  	v31 =	vsub.f32 v31, v14;
	v23 =	vmul.f32 $1.442695020e+00, v23;
	(erf) = vpow2.f32 v25;
	v16 =	vpop (erf)  }
0x91: {  	v37 =	vmul.f32 $1.442695020e+00, v29;
	v29 =	vsub.f32 v42, v15;
	(erf) = vpow2.f32 v34;
	[tilespmem:$0x1FEA0] =	vst v16;
	v16 =	vpop (erf)  }
0x92: {  	s21 =	sor.u32 s6, s3;
	v22 =	vmul.f32 $1.442695020e+00, v22;
	v43 =	vsub.f32 v18, v14;
	(erf) = vpow2.f32 v23;
	[tilespmem:$0x1FEB0] =	vst v16;
	v16 =	vpop (erf)  }
0x93: {  	s22 =	sor.u32 s6, s8;
	v23 =	vmul.f32 $1.442695020e+00, v29;
	v29 =	vsub.f32 v41, v15;
	(erf) = vpow2.f32 v37;
	v18 =	vld [tilespmem:s21+$0x0];
	[tilespmem:$0x1FEC0] =	vst v16;
	v16 =	vpop (erf)  }
0x94: {  	s23 =	sor.u32 s6, s9;
	v46 =	vsub.f32 v21, v14;
	v45 =	vmul.f32 $1.442695020e+00, v43;
	(erf) = vpow2.f32 v22;
	v42 =	vld [tilespmem:s22+$0x0];
	[tilespmem:$0x1FED0] =	vst v16;
	v16 =	vpop (erf)  }
0x95: {  	s25 =	sor.u32 s6, s10;
	v22 =	vmul.f32 $1.442695020e+00, v29;
	v29 =	vsub.f32 v40, v15;
	(erf) = vpow2.f32 v23;
	v23 =	vld [tilespmem:s23+$0x0];
	[tilespmem:$0x1FEE0] =	vst v16;
	v16 =	vpop (erf)  }
0x96: {  	s28 =	sor.u32 s6, s11;
	v47 =	vsub.f32 v39, v15;
	v34 =	vmul.f32 $1.442695020e+00, v46;
	(erf) = vpow2.f32 v45;
	v21 =	vld [tilespmem:s25+$0x0];
	[tilespmem:$0x1FEF0] =	vst v16;
	v16 =	vpop (erf)  }
0x97: {  	s31 =	sor.u32 s6, s13;
	v49 =	vsub.f32 v3, v14;
	v29 =	vmul.f32 $1.442695020e+00, v29;
	(erf) = vpow2.f32 v22;
	v22 =	vld [tilespmem:s28+$0x0];
	[tilespmem:$0x1FF00] =	vst v16;
	v3 =	vpop (erf)  }
0x98: {  	s12 =	sor.u32 s6, s14;
	v17 =	vsub.f32 v17, v14;
	v48 =	vmul.f32 $1.442695020e+00, v19;
	(erf) = vpow2.f32 v34;
	v19 =	vld [tilespmem:s31+$0x0];
	[tilespmem:$0x1FF40] =	vst v3  }
0x99: {  	s20 =	sor.u32 s6, s15;
	v38 =	vsub.f32 v38, v15;
	v50 =	vmul.f32 $1.442695020e+00, v47;
	(erf) = vpow2.f32 v29;
	v29 =	vld [tilespmem:s12+$0x0]  }
0x9a: {  	v54 =	vsub.f32 v54, v14;
	v39 =	vmul.f32 $1.442695020e+00, v49;
	s21 =	sor.u32 s6, s16;
	v60 =	vpop (erf);
	v27 =	vld [tilespmem:s20+$0x0];
	(erf) = vpow2.f32 v48  }
0x9b: {  	v35 =	vsub.f32 v35, v15;
	s16 =	sor.u32 s18, s16;
	v3 =	vmul.f32 $1.442695020e+00, v38;
	v36 =	vpop (erf);
	v43 =	vld [tilespmem:s21+$0x0];
	(erf) = vpow2.f32 v50  }
0x9c: {  	s15 =	sor.u32 s18, s15;
	v12 =	vsub.f32 v12, v14;
	v41 =	vmul.f32 $1.442695020e+00, v51;
	v55 =	vld [tilespmem:s16+$0x0];
	v34 =	vpop (erf);
	(erf) = vpow2.f32 v39  }
0x9d: {  	s14 =	sor.u32 s18, s14;
	v35 =	vmul.f32 $1.442695020e+00, v35;
	v16 =	vsub.f32 v33, v15;
	v33 =	vld [tilespmem:s15+$0x0];
	v13 =	vpop (erf);
	(erf) = vpow2.f32 v3  }
0x9e: {  	s13 =	sor.u32 s18, s13;
	v32 =	vsub.f32 v32, v15;
	v31 =	vmul.f32 $1.442695020e+00, v31;
	v20 =	vld [tilespmem:s14+$0x0];
	v47 =	vpop (erf);
	(erf) = vpow2.f32 v41  }
0x9f: {  	s11 =	sor.u32 s18, s11;
	v57 =	vsub.f32 v2, v15;
	v52 =	vmul.f32 $1.442695020e+00, v16;
	v46 =	vpop (erf);
	v41 =	vld [tilespmem:s13+$0x0];
	(erf) = vpow2.f32 v35  }
0xa0: {  	s10 =	sor.u32 s18, s10;
	v56 =	vsub.f32 v4, v15;
	v17 =	vmul.f32 $1.442695020e+00, v17;
	v16 =	vld [tilespmem:s11+$0x0];
	v39 =	vpop (erf);
	(erf) = vpow2.f32 v31  }
0xa1: {  	s9 =	sor.u32 s18, s9;
	v3 =	vmax.f32 v53, v55;
	v58 =	vpop (erf);
	v31 =	vsub.f32 v24, v15;
	v24 =	vld [tilespmem:s10+$0x0];
	(erf) = vpow2.f32 v52  }
0xa2: {  	s8 =	sor.u32 s18, s8;
	v32 =	vmul.f32 $1.442695020e+00, v32;
	v35 =	vld [tilespmem:s9+$0x0];
	v51 =	vpop (erf);
	(erf) = vpow2.f32 v17;
	v17 =	vmax.f32 v3, v33  }
0xa3: {  	s3 =	sor.u32 s18, s3;
	v62 =	vsub.f32 v10, v14;
	v3 =	vmul.f32 $1.442695020e+00, v31;
	v31 =	vld [tilespmem:s8+$0x0];
	v17 =	vmax.f32 v17, v20  }
0xa4: {  	v61 =	vmul.f32 $1.442695020e+00, v54;
	v54 =	vmul.f32 $1.442695020e+00, v57;
	s22 =	sor.u32 s18, s2;
	v49 =	vld [tilespmem:s3+$0x0];
	v17 =	vmax.f32 v17, v41  }
0xa5: {  	s23 =	sor.u32 s18, s1;
	v44 =	vmax.f32 v44, v43;
	v52 =	vpop (erf);
	(erf) = vpow2.f32 v32;
	v32 =	vld [tilespmem:s22+$0x0];
	v17 =	vmax.f32 v17, v16  }
0xa6: {  	v63 =	vmul.f32 $1.442695020e+00, v62;
	s25 =	sor.u32 s18, s0;
	v37 =	vld [tilespmem:s23+$0x0];
	v44 =	vmax.f32 v44, v27;
	v17 =	vmax.f32 v17, v24  }
0xa7: {  	v25 =	vsub.f32 v0, v15;
	v48 =	vld [tilespmem:s25+$0x0];
	v44 =	vmax.f32 v44, v29;
	v17 =	vmax.f32 v17, v35  }
0xa8: {  	s2 =	sor.u32 s6, s2;
	v44 =	vmax.f32 v44, v19;
	v59 =	vpop (erf);
	(erf) = vpow2.f32 v61;
	v17 =	vmax.f32 v17, v31  }
0xa9: {  	s1 =	sor.u32 s6, s1;
	(erf) = vpow2.f32 v3;
	v3 =	vmax.f32 v44, v22;
	v44 =	vld [tilespmem:s2+$0x0];
	v17 =	vmax.f32 v17, v49  }
0xaa: {  	s0 =	sor.u32 s6, s0;
	v45 =	vld [tilespmem:s1+$0x0];
	v50 =	vmul.f32 $1.442695020e+00, v25;
	v40 =	vmax.f32 v3, v21;
	v17 =	vmax.f32 v17, v32  }
0xab: {  	v53 =	vld [tilespmem:s0+$0x0];
	v0 =	vpop (erf);
	(erf) = vpow2.f32 v63;
	v61 =	vmax.f32 v40, v23;
	v17 =	vmax.f32 v17, v37  }
0xac: {  	s3 =	simm.s32 $0x40;
	v2 =	vpop (erf);
	(erf) = vpow2.f32 v50;
	v50 =	vmax.f32 v61, v42;
	v17 =	vmax.f32 v17, v48  }
0xad: {  	v12 =	vmul.f32 $1.442695020e+00, v12;
	s30 =	sand.u32 $0x40, s3;
	v50 =	vmax.f32 v50, v18;
	v30 =	vsub.f32 v30, v17  }
0xae: {  	v56 =	vmul.f32 $1.442695020e+00, v56;
	s28 =	sor.u32 $0x10, s30;
	s8 =	simm.s32 $0x0;
	v4 =	vpop (erf);
	(erf) = vpow2.f32 v54;
	v50 =	vmax.f32 v50, v44  }
0xaf: {  	s22 =	sor.u32 s8, s28;
	[dreg:$0x8] =	wrdreg s28;
	v50 =	vmax.f32 v50, v45;
	v62 =	vsub.f32 v9, v17;
	v30 =	vmul.f32 $1.442695020e+00, v30  }
0xb0: {  	v57 =	vld [tilespmem:s22+$0x12000];
	v40 =	vmax.f32 v50, v53;
	v9 =	vpop (erf);
	(erf) = vpow2.f32 v56  }
0xb1: {  	s10 =	sor.u32 $0x20, s30;
	v63 =	vsub.f32 v1, v40;
	v25 =	vpop (erf);
	(erf) = vpow2.f32 v30;
	v30 =	vmul.f32 $1.442695020e+00, v62  }
0xb2: {  	s25 =	sor.u32 s8, s10;
	v11 =	vsub.f32 v11, v17;
	v38 =	vpop (erf);
	(erf) = vpow2.f32 v12  }
0xb3: {  	v56 =	vmul.f32 $1.442695020e+00, v63;
	v12 =	vpop (erf);
	(erf) = vpow2.f32 v30;
	v30 =	vld [tilespmem:s25+$0x12000]  }
0xb4: {  	v8 =	vsub.f32 v8, v40;
	v11 =	vmul.f32 $1.442695020e+00, v11  }
0xb5: {  	v50 =	vpop (erf);
	(erf) = vpow2.f32 v56;
	v56 =	vand.u32 $0x7F, v57;
	v57 =	vshll.u32 v57, $0x3  }
0xb6: {  	v8 =	vmul.f32 $1.442695020e+00, v8;
	v3 =	vpop (erf);
	v57 =	vand.u32 $0xFFFFFC00, v57  }
0xb7: {  	s11 =	sor.u32 $0x30, s30;
	v7 =	vsub.f32 v7, v17;
	v5 =	vsub.f32 v5, v40;
	v62 =	vpop (erf);
	(erf) = vpow2.f32 v11  }
0xb8: {  	s23 =	sor.u32 s8, s11;
	v11 =	vpop (erf);
	(erf) = vpow2.f32 v8;
	v8 =	vshll.u32 v30, $0x3;
	v30 =	vand.u32 $0x7F, v30  }
0xb9: {  	v61 =	vld [tilespmem:s23+$0x12000];
	v7 =	vmul.f32 $1.442695020e+00, v7;
	v56 =	vor.u32 v57, v56;
	v57 =	vpop (erf)  }
0xba: {  	v5 =	vmul.f32 $1.442695020e+00, v5;
	v8 =	vand.u32 $0xFFFFFC00, v8;
	v63 =	vpop (erf)  }
0xbb: {  	(erf) = vpow2.f32 v7;
	v10 =	vor.u32 v8, v30;
	v30 =	vpop (erf)  }
0xbc: {  	v1 =	vpop (erf);
	(erf) = vpow2.f32 v5;
	v5 =	vld [tilespmem:$0x1FF10];
	_ =	sdelay $0x1  }
0xbd: {  	v8 =	vsub.f32 v6, v17;
	v6 =	vand.u32 $0x7F, v61;
	v61 =	vshll.u32 v61, $0x3  }
0xbe: {  	v61 =	vand.u32 $0xFFFFFC00, v61  }
0xbf: {  	v8 =	vmul.f32 $1.442695020e+00, v8;
	v6 =	vor.u32 v61, v6;
	v61 =	vld [tilespmem:$0x1FF20]  }
0xc0: {  	v5 =	vsub.f32 v5, v40  }
0xc1: {  	s13 =	sor.u32 s30, s8;
	v1 =	vadd.f32 $0.0e+00, v1;
	(erf) = vpow2.f32 v8;
	v8 =	vsub.f32 v26, v17  }
0xc2: {  	v7 =	vld [tilespmem:s13+$0x12000];
	v54 =	vpop (erf);
	v5 =	vmul.f32 $1.442695020e+00, v5  }
0xc3: {  	v1 =	vadd.f32 v1, v54;
	v8 =	vmul.f32 $1.442695020e+00, v8  }
0xc4: {  	v54 =	vsub.f32 v61, v40;
	(erf) = vpow2.f32 v5;
	v5 =	vsub.f32 v55, v17;
	v55 =	vpop (erf)  }
0xc5: {  	v1 =	vadd.f32 v1, v30;
	v30 =	vpop (erf)  }
0xc6: {  	(erf) = vpow2.f32 v8;
	v8 =	vmul.f32 $1.442695020e+00, v54;
	v30 =	vadd.f32 $0.0e+00, v30  }
0xc7: {  	v28 =	vsub.f32 v28, v40;
	v26 =	vand.u32 $0x7F, v7;
	v5 =	vmul.f32 $1.442695020e+00, v5  }
0xc8: {  	v7 =	vshll.u32 v7, $0x3;
	(erf) = vpow2.f32 v8;
	v8 =	vsub.f32 v33, v17  }
0xc9: {  	v7 =	vand.u32 $0xFFFFFC00, v7;
	v61 =	vpop (erf);
	(erf) = vpow2.f32 v5;
	v5 =	vmul.f32 $1.442695020e+00, v28  }
0xca: {  	v7 =	vor.u32 v7, v26;
	v28 =	vadd.f32 v30, v63;
	v8 =	vmul.f32 $1.442695020e+00, v8;
	v30 =	vpop (erf)  }
0xcb: {  	(erf) = vpow2.f32 v5;
	v5 =	vsub.f32 v43, v40;
	v30 =	vadd.f32 $0.0e+00, v30  }
0xcc: {  	v26 =	vadd.f32 $0.0e+00, v55;
	(erf) = vpow2.f32 v8;
	v8 =	vsub.f32 v20, v17  }
0xcd: {  	v43 =	vpop (erf);
	v5 =	vmul.f32 $1.442695020e+00, v5  }
0xce: {  	v27 =	vsub.f32 v27, v40;
	v26 =	vadd.f32 v26, v61;
	v54 =	vpop (erf);
	v8 =	vmul.f32 $1.442695020e+00, v8  }
0xcf: {  	v11 =	vadd.f32 v28, v11;
	v28 =	vadd.f32 v30, v54;
	(erf) = vpow2.f32 v5;
	v30 =	vpop (erf)  }
0xd0: {  	s31 =	simm.s32 $0x0;
	v1 =	vadd.f32 v1, v57;
	(erf) = vpow2.f32 v8;
	v8 =	vmul.f32 $1.442695020e+00, v27;
	v57 =	vpop (erf)  }
0xd1: {  	v26 =	vadd.f32 v26, v43;
	v27 =	vadd.f32 v28, v57;
	v28 =	vmov s31  }
0xd2: {  	(erf) = vpow2.f32 v8;
	v8 =	vshll.u32 v28, $0x7  }
0xd3: {  	v5 =	vadd.f32 v26, v30;
	v20 =	vbroadcast v8, $0x0  }
0xd4: {  	v11 =	vadd.f32 v11, v3;
	v3 =	vimm.f32 $0.0e+00;
	v28 =	vpop (erf)  }
0xd5: {  	[tilespmem:$0x1FF30] =	vst v3;
	v28 =	vadd.f32 v5, v28;
	v5 =	vsub.f32 v53, v40;
	v3 =	vor.u32 v20, v6  }
0xd6: {  	v6 =	vsub.f32 v37, v17;
	v37 =	vor.u32 v20, v10;
	v10 =	vor.u32 v20, v56  }
0xd7: {  	[tilespmem:$0x1FF50] =	vst v3;
	v3 =	vsub.f32 v18, v40;
	v33 =	vmul.f32 $1.442695020e+00, v5;
	v5 =	vsub.f32 v23, v40  }
0xd8: {  	[tilespmem:$0x1FF60] =	vst v10;
	v10 =	vsub.f32 v49, v17  }
0xd9: {  	v56 =	vmul.f32 $1.442695020e+00, v3;
	v3 =	vmul.f32 $1.442695020e+00, v5;
	v5 =	vsub.f32 v29, v40  }
0xda: {  	[tilespmem:$0x1FF70] =	vst v20  }
0xdb: {  	v63 =	vmul.f32 $1.442695020e+00, v10;
	v10 =	vsub.f32 v16, v17;
	v16 =	vmul.f32 $1.442695020e+00, v5;
	v5 =	vld [tilespmem:s7+$0x12400];
	_ =	sdelay $0x3  }
0xdc: {  	v1 =	vadd.f32 v1, v62  }
0xdd: {  	[tilespmem:$0x1FF80] =	vst v5  }
0xde: {  	v55 =	vsub.f32 v41, v17;
	v1 =	vadd.f32 v1, v50;
	v5 =	vld [tilespmem:s26+$0x12400]  }
0xdf: {  	v61 =	vsub.f32 v48, v17  }
0xe0: {  	v1 =	vadd.f32 v1, v38;
	v26 =	vmul.f32 $1.442695020e+00, v55;
	v30 =	vsub.f32 v44, v40  }
0xe1: {  	v54 =	vmul.f32 $1.442695020e+00, v61;
	v11 =	vadd.f32 v11, v12;
	v8 =	vsub.f32 v45, v40  }
0xe2: {  	(erf) = vpow2.f32 v26;
	v45 =	vmul.f32 $1.442695020e+00, v30;
	v18 =	vsub.f32 v32, v17  }
0xe3: {  	v12 =	vpop (erf);
	v32 =	vor.u32 v20, v7;
	v7 =	vsub.f32 v42, v40;
	v42 =	vmul.f32 $1.442695020e+00, v8;
	[tilespmem:$0x1FF90] =	vst v5  }
0xe4: {  	v8 =	vsub.f32 v21, v40;
	v12 =	vadd.f32 v27, v12;
	v53 =	vmul.f32 $1.442695020e+00, v6;
	v5 =	vld [tilespmem:s5+$0x12400]  }
0xe5: {  	v6 =	vsub.f32 v31, v17;
	v61 =	vmul.f32 $1.442695020e+00, v7;
	v7 =	vsub.f32 v35, v17  }
0xe6: {  	v57 =	vmul.f32 $1.442695020e+00, v18;
	v30 =	vmul.f32 $1.442695020e+00, v8;
	v8 =	vsub.f32 v24, v17  }
0xe7: {  	v23 =	vmul.f32 $1.442695020e+00, v6;
	v50 =	vmul.f32 $1.442695020e+00, v7;
	v7 =	vsub.f32 v19, v40  }
0xe8: {  	v6 =	vsub.f32 v22, v40;
	v10 =	vmul.f32 $1.442695020e+00, v10;
	v18 =	vpop (erf);
	v22 =	vmul.f32 $1.442695020e+00, v8  }
0xe9: {  	v62 =	vmul.f32 $1.442695020e+00, v7;
	v7 =	vadd.f32 v11, v25;
	(erf) = vpow2.f32 v16;
	[tilespmem:$0x1FFA0] =	vst v5;
	v5 =	vpop (erf)  }
0xea: {  	v48 =	vld [tilespmem:$0x1FF40];
	(erf) = vpow2.f32 v10;
	v11 =	vadd.f32 v12, v5;
	v5 =	vimm.f32 $0.0e+00  }
0xeb: {  	v21 =	vmul.f32 $1.442695020e+00, v6;
	v6 =	vadd.f32 v28, v18;
	(erf) = vpow2.f32 v62;
	v20 =	vld [tilespmem:s4+$0x12400];
	s4 =	simm.s32 $0x4;
	v12 =	vpop (erf);
	[tilespmem:$0x1FFB0] =	vst v5  }
.LBB2_2:
0xec: {  	v5 =	vld [tilespmem:s25+$0x0];
	_ =	sdelay $0x2  }
0xed: {  	v1 =	vadd.f32 v1, v9;
	(erf) = vpow2.f32 v22;
	v9 =	vpop (erf);
	v6 =	vadd.f32 v6, v12  }
0xee: {  	v4 =	vadd.f32 v7, v4;
	v8 =	vadd.f32 v11, v9;
	v9 =	vpop (erf);
	(erf) = vpow2.f32 v21  }
0xef: {  	v1 =	vadd.f32 v1, v2;
	(erf) = vpow2.f32 v50;
	v2 =	vadd.f32 v6, v9;
	[tilespmem:$0x1FC70] =	vst v5;
	v5 =	vpop (erf)  }
0xf0: {  	v0 =	vadd.f32 v4, v0;
	v4 =	vadd.f32 v8, v5;
	v5 =	vpop (erf);
	(erf) = vpow2.f32 v30  }
0xf1: {  	v5 =	vadd.f32 v2, v5;
	(erf) = vpow2.f32 v23;
	v7 =	vpop (erf);
	v2 =	vld [tilespmem:$0x1FF50]  }
0xf2: {  	v4 =	vadd.f32 v4, v7;
	v7 =	vpop (erf)  }
0xf3: {  	v5 =	vadd.f32 v5, v7;
	v7 =	vpop (erf)  }
0xf4: {  	v1 =	vadd.f32 v1, v59;
	v4 =	vadd.f32 v4, v7;
	v7 =	vpop (erf)  }
0xf5: {  	v0 =	vadd.f32 v0, v52;
	v7 =	vadd.f32 v5, v7;
	v9 =	vpop (erf)  }
0xf6: {  	v1 =	vadd.f32 v1, v51;
	(erf) = vpow2.f32 v3;
	v3 =	vld [tilespmem:$0x1FF60];
	v4 =	vadd.f32 v4, v9;
	v9 =	vpop (erf)  }
0xf7: {  	v49 =	vld [tilespmem:s23+$0x0];
	v0 =	vadd.f32 v0, v58;
	v7 =	vadd.f32 v7, v9;
	v9 =	vpop (erf)  }
0xf8: {  	s4 =	sadd.s32 $0x4, s4;
	s3 =	sadd.s32 $0x40, s3;
	v6 =	vld [tilespmem:s13+$0x0];
	v1 =	vadd.f32 v1, v39;
	v4 =	vadd.f32 v4, v9;
	v9 =	vpop (erf)  }
0xf9: {  	s0 =	smov.u32 s23;
	s2 =	sshrl.u32 s4, $0x3;
	s23 =	sand.u32 $0x40, s3;
	v0 =	vadd.f32 v0, v46;
	v2 =	vld.idx.msk [tilespmem:v2+s29+$0x0], $0xffff;
	v12 =	vadd.f32 v7, v9;
	v9 =	vpop (erf)  }
0xfa: {  	v43 =	vld [tilespmem:s22+$0x0];
	s26 =	sshll.u32 s2, $0x7;
	s28 =	sor.u32 $0x20, s23;
	v1 =	vadd.f32 v1, v47;
	v4 =	vadd.f32 v4, v9;
	v9 =	vpop (erf)  }
0xfb: {  	s19 =	sor.u32 $0x30, s23;
	s14 =	sor.u32 s26, s28;
	v0 =	vadd.f32 v0, v13;
	v13 =	vadd.f32 v12, v9;
	v12 =	vld [tilespmem:$0x1FF00]  }
0xfc: {  	[dreg:$0xd] =	wrdreg s0;
	s1 =	sor.u32 s26, s19;
	v18 =	vld [tilespmem:s14+$0x12000];
	v1 =	vadd.f32 v1, v34  }
0xfd: {  	[dreg:$0xa] =	wrdreg s14;
	s14 =	sadd.s32 $0x4400, s8;
	[tilespmem:$0x1FC60] =	vst v6;
	v6 =	vld [tilespmem:s1+$0x12000]  }
0xfe: {  	s16 =	sor.u32 s11, s14;
	v1 =	vadd.f32 v1, v60;
	v10 =	vld.idx.msk [tilespmem:v3+s29+$0x0], $0xffff;
	[tilespmem:s0+$0x14880] =	vst v2;
	s0 =	smov.u32 s22;
	s22 =	sadd.s32 $0x3800, s8  }
0xff: {  	(erf) = vpow2.f32 v63;
	v3 =	vld [tilespmem:s16+$0x0];
	s7 =	sor.u32 s11, s22  }
0x100: {  	(erf) = vpow2.f32 v61;
	v1 =	vadd.f32 v1, v12;
	v12 =	vld [tilespmem:s7+$0x0]  }
0x101: {  	s15 =	sor.u32 s23, s26;
	v8 =	vld.idx.msk [tilespmem:v37+s29+$0x0], $0xffff;
	(erf) = vpow2.f32 v57  }
0x102: {  	[dreg:$0xb] =	wrdreg s15;
	v5 =	vld [tilespmem:s15+$0x12000];
	s15 =	sadd.s32 $0x4000, s8  }
0x103: {  	s9 =	sor.u32 s11, s15  }
0x104: {  	[tilespmem:$0x1FCF0] =	vst v3;
	v3 =	vld [tilespmem:s9+$0x0]  }
0x105: {  	[tilespmem:$0x1FCC0] =	vst v12;
	v12 =	vld [tilespmem:$0x1FEF0]  }
0x106: {  	s21 =	sadd.s32 $0x3C00, s8;
	v0 =	vadd.f32 v0, v36  }
0x107: {  	[dreg:$0xe] =	wrdreg s25;
	[tilespmem:s25+$0x14880] =	vst v8;
	s25 =	sor.u32 s11, s21;
	v7 =	vpop (erf)  }
0x108: {  	v0 =	vadd.f32 v0, v48;
	v4 =	vadd.f32 v4, v7;
	v7 =	vpop (erf);
	v9 =	vld [tilespmem:s25+$0x0]  }
0x109: {  	v7 =	vadd.f32 v13, v7;
	s25 =	sadd.s32 $0x3400, s8;
	[tilespmem:$0x1FCE0] =	vst v3;
	v3 =	vpop (erf)  }
0x10a: {  	s12 =	sor.u32 s11, s25;
	v0 =	vadd.f32 v0, v12;
	v12 =	vpop (erf)  }
0x10b: {  	(erf) = vpow2.f32 v56;
	v7 =	vadd.f32 v7, v12;
	v12 =	vld [tilespmem:s12+$0x0]  }
0x10c: {  	(erf) = vpow2.f32 v53  }
0x10d: {  	[tilespmem:$0x1FCD0] =	vst v9;
	v9 =	vmov s2  }
0x10e: {  	v9 =	vshll.u32 v9, $0x7  }
0x10f: {  	v4 =	vadd.f32 v4, v3;
	v3 =	vbroadcast v9, $0x0;
	v9 =	vld [tilespmem:$0x1FEE0]  }
0x110: {  	[tilespmem:$0x1FCB0] =	vst v12;
	v12 =	vld [tilespmem:$0x1FED0];
	_ =	sdelay $0x1  }
0x111: {  	s31 =	sor.u32 $0x10, s23;
	(erf) = vpow2.f32 v45  }
0x112: {  	v16 =	vld [tilespmem:$0x1FEB0];
	s5 =	sor.u32 s26, s31;
	(erf) = vpow2.f32 v54  }
0x113: {  	v25 =	vld [tilespmem:s5+$0x12000];
	v1 =	vadd.f32 v1, v9;
	v9 =	vpop (erf)  }
0x114: {  	v4 =	vadd.f32 v4, v9;
	v9 =	vpop (erf);
	v19 =	vadd.f32 v0, v12;
	v12 =	vld [tilespmem:$0x1FEC0]  }
0x115: {  	v7 =	vadd.f32 v7, v9;
	v9 =	vld [tilespmem:$0x1FE70]  }
0x116: {  	v11 =	vld.idx.msk [tilespmem:v32+s29+$0x0], $0xffff;
	s20 =	sor.u32 s10, s14;
	(erf) = vpow2.f32 v42  }
0x117: {  	[dreg:$0xc] =	wrdreg s5;
	v47 =	vld [tilespmem:s20+$0x0];
	s5 =	sor.u32 s10, s15  }
0x118: {  	v48 =	vld [tilespmem:s5+$0x0];
	(erf) = vpow2.f32 v33  }
0x119: {  	v13 =	vld [tilespmem:$0x1FE60];
	s16 =	sor.u32 s10, s22;
	v1 =	vadd.f32 v1, v12  }
0x11a: {  	v46 =	vld [tilespmem:s16+$0x0];
	s9 =	sor.u32 s10, s21;
	v12 =	vshll.u32 v9, $0xA;
	v9 =	vpop (erf)  }
0x11b: {  	s20 =	sadd.s32 $0x3000, s8;
	v53 =	vld [tilespmem:s9+$0x0];
	v21 =	vadd.f32 v19, v16;
	v19 =	vadd.f32 v4, v9;
	v0 =	vpop (erf);
	v9 =	vand.u32 $0x7FFFFF, v1  }
0x11c: {  	s2 =	sor.u32 s11, s20;
	v7 =	vadd.f32 v7, v0;
	v0 =	vor.u32 $0x3F800000, v9;
	v9 =	vld [tilespmem:$0x1FEA0]  }
0x11d: {  	[dreg:$0xf] =	wrdreg s0;
	v39 =	vld [tilespmem:s2+$0x0];
	s2 =	sadd.s32 $0x2C00, s8  }
0x11e: {  	[tilespmem:s0+$0x14880] =	vst v10;
	s0 =	rddreg [dreg:$0x8];
	s9 =	sor.u32 s11, s2;
	v16 =	vld [tilespmem:$0x1FE80];
	v4 =	vmov v2;
	v2 =	vmov v8  }
0x11f: {  	s5 =	sor.u32 s0, s21;
	v24 =	vpop (erf);
	[tilespmem:$0x1FE60] =	vst v2;
	v2 =	vld [tilespmem:s9+$0x0];
	v8 =	vmul.f32 $2.482561020e-02, v0  }
0x120: {  	s7 =	sor.u32 s10, s25;
	v23 =	vld [tilespmem:s5+$0x0];
	v24 =	vadd.f32 v19, v24  }
0x121: {  	s16 =	sadd.s32 $0x2800, s8;
	s29 =	sor.u32 s0, s25;
	v30 =	vld [tilespmem:s7+$0x0];
	v27 =	vpop (erf);
	v8 =	vsub.f32 $2.668588160e-01, v8;
	v9 =	vadd.f32 v21, v9  }
0x122: {  	s5 =	sor.u32 s11, s16;
	v56 =	vld [tilespmem:s29+$0x0];
	v13 =	vshll.u32 v13, $0xA;
	v31 =	vadd.f32 v24, v27  }
0x123: {  	v22 =	vshll.u32 v16, $0xA;
	v16 =	vmovc v10;
	v10 =	vld [tilespmem:s5+$0x0];
	v41 =	vmul.f32 v0, v8;
	v28 =	vand.u32 $0x7FFFFF, v9  }
0x124: {  	s29 =	sor.u32 s0, s20;
	v13 =	vor.u32 s24, v13;
	[tilespmem:$0x1FCA0] =	vst v2;
	v2 =	vld [tilespmem:$0x1FE90];
	v24 =	vand.u32 $0x7FFFFF, v31;
	v28 =	vor.u32 $0x3F800000, v28  }
0x125: {  	v38 =	vmovc v11;
	v60 =	vld [tilespmem:s29+$0x0];
	s12 =	sor.u32 s10, s20;
	v29 =	vor.u32 $0x3F800000, v24;
	v32 =	vadd.f32 $-1.234263180e+00, v41;
	v11 =	vmul.f32 $2.482561020e-02, v28  }
0x126: {  	s24 =	smov.u32 s10;
	v50 =	vld [tilespmem:s12+$0x0];
	v12 =	vor.u32 s6, v12;
	[tilespmem:$0x1FE70] =	vst v4;
	v4 =	vand.u32 $0x7FFFFF, v7;
	v42 =	vmul.f32 $2.482561020e-02, v29  }
0x127: {  	s7 =	sor.u32 s10, s2;
	s10 =	smov.u32 s28;
	s28 =	sor.u32 s24, s16;
	[tilespmem:$0x1FE80] =	vst v16;
	v4 =	vor.u32 $0x3F800000, v4;
	v8 =	vld [tilespmem:$0x1FE50];
	v32 =	vmul.f32 v0, v32;
	v11 =	vsub.f32 $2.668588160e-01, v11  }
0x128: {  	s6 =	smov.u32 s11;
	s11 =	smov.u32 s19;
	s19 =	sadd.s32 $0x2000, s8;
	v16 =	vld [tilespmem:s7+$0x0];
	v44 =	vor.u32 s18, v22;
	[tilespmem:$0x1FC80] =	vst v10;
	v10 =	vmul.f32 $2.482561020e-02, v4;
	v33 =	vsub.f32 $2.668588160e-01, v42  }
0x129: {  	s9 =	sadd.s32 $0x2400, s8;
	s5 =	sor.u32 s6, s19;
	v22 =	vld [tilespmem:s28+$0x0];
	v2 =	vshll.u32 v2, $0xA;
	v32 =	vadd.f32 $3.218832730e+00, v32;
	v11 =	vmul.f32 v28, v11  }
0x12a: {  	v1 =	vshra.s32 v1, $0x17;
	s12 =	sor.u32 s6, s9;
	v58 =	vld [tilespmem:s5+$0x0];
	v10 =	vsub.f32 $2.668588160e-01, v10;
	v2 =	vor.u32 s17, v2  }
0x12b: {  	s18 =	smov.u32 s0;
	s7 =	sor.u32 s24, s9;
	s28 =	smov.u32 s31;
	v45 =	vld [tilespmem:s12+$0x0];
	v33 =	vmul.f32 v29, v33;
	v32 =	vmul.f32 v0, v32;
	v11 =	vadd.f32 $-1.234263180e+00, v11  }
0x12c: {  	v1 =	vadd.s32 $0xFFFFFF81, v1;
	s12 =	smov.u32 s13;
	s13 =	smov.u32 s23;
	v52 =	vld [tilespmem:s7+$0x0];
	s7 =	sor.u32 s18, s16;
	v10 =	vmul.f32 v4, v10;
	v59 =	vadd.s32 v2, v8  }
0x12d: {  	s23 =	sadd.s32 $0x1C00, s8;
	[dreg:$0x8] =	wrdreg s28;
	s28 =	sor.u32 s24, s19;
	v55 =	vld [tilespmem:s7+$0x0];
	v32 =	vadd.f32 $-5.264110570e+00, v32;
	v2 =	vmul.f32 v28, v11;
	v11 =	vadd.f32 $-1.234263180e+00, v33  }
0x12e: {  	v1 =	vcvt.s32.f32 v1;
	s5 =	sor.u32 s6, s23;
	v62 =	vld [tilespmem:s28+$0x0];
	[tilespmem:$0x1FC90] =	vst v16;
	v16 =	vadd.f32 $-1.234263180e+00, v10  }
0x12f: {  	v51 =	vld [tilespmem:s5+$0x0];
	s5 =	sor.u32 s24, s23;
	v12 =	vadd.s32 v12, v8;
	v32 =	vmul.f32 v0, v32;
	v11 =	vmul.f32 v29, v11  }
0x130: {  	s29 =	sor.u32 s18, s9;
	v54 =	vld [tilespmem:s5+$0x0];
	v13 =	vadd.s32 v13, v8;
	v34 =	vadd.s32 v44, v8;
	v35 =	vmul.f32 v4, v16  }
0x131: {  	s31 =	sadd.s32 $0x1800, s8;
	v21 =	vld [tilespmem:s29+$0x0];
	v42 =	vmovc v3;
	v3 =	vlaneseq.u32;
	v32 =	vadd.f32 $6.065830230e+00, v32;
	v11 =	vadd.f32 $3.218832730e+00, v11  }
0x132: {  	s17 =	smov.u32 s30;
	s30 =	sor.u32 s24, s31;
	v8 =	vld [tilespmem:$0x1FF70];
	v12 =	vor.u32 v3, v12;
	v63 =	vadd.f32 $3.218832730e+00, v35;
	v24 =	vadd.f32 $3.218832730e+00, v2  }
0x133: {  	s0 =	sor.u32 s6, s31;
	s28 =	sadd.s32 $0x1400, s8;
	v19 =	vld [tilespmem:s30+$0x0];
	v36 =	vor.u32 v3, v59;
	v0 =	vmul.f32 v0, v32;
	v11 =	vmul.f32 v29, v11  }
0x134: {  	s7 =	sor.u32 s6, s28;
	v34 =	vor.u32 v3, v34;
	v16 =	vld [tilespmem:s0+$0x0];
	v33 =	vmul.f32 v4, v63;
	v37 =	vmul.f32 v28, v24  }
0x135: {  	s29 =	sadd.s32 $0x1000, s8;
	v35 =	vor.u32 v3, v13;
	v3 =	vld [tilespmem:s7+$0x0];
	s7 =	sor.u32 s24, s28;
	v0 =	vadd.f32 $-3.028317450e+00, v0;
	v11 =	vadd.f32 $-5.264110570e+00, v11  }
0x136: {  	v13 =	vld [tilespmem:s7+$0x0];
	s7 =	sor.u32 s24, s29;
	v33 =	vadd.f32 $-5.264110570e+00, v33;
	v37 =	vadd.f32 $-5.264110570e+00, v37  }
0x137: {  	v0 =	vadd.f32 v1, v0;
	v63 =	vmul.f32 v29, v11;
	v11 =	vld [tilespmem:s7+$0x0];
	s7 =	simm.s32 $0x0  }
0x138: {  	s0 =	sor.u32 s6, s29;
	v33 =	vmul.f32 v4, v33;
	v44 =	vmul.f32 v28, v37;
	v36 =	vld.idx.msk [tilespmem:v36+s7+$0x0], $0xffff  }
0x139: {  	v10 =	vmov v8;
	v8 =	vld [tilespmem:s0+$0x0];
	v0 =	vmul.f32 $6.931471820e-01, v0  }
0x13a: {  	s5 =	sor.u32 s18, s23;
	v2 =	vld [tilespmem:$0x1FF30];
	v27 =	vadd.f32 $6.065830230e+00, v33;
	v61 =	vadd.f32 $6.065830230e+00, v44  }
0x13b: {  	v7 =	vshra.s32 v7, $0x17;
	v41 =	vshra.s32 v9, $0x17;
	s30 =	sadd.s32 $0xC00, s8;
	v24 =	vld [tilespmem:s5+$0x0];
	s5 =	sor.u32 s18, s31;
	v0 =	vadd.f32 v0, v15  }
0x13c: {  	[dreg:$0x9] =	wrdreg s1;
	s1 =	sor.u32 s6, s30;
	v59 =	vld [tilespmem:s5+$0x0];
	v33 =	vadd.s32 $0xFFFFFF81, v41;
	v32 =	vmul.f32 v4, v27;
	v28 =	vmul.f32 v28, v61  }
0x13d: {  	v7 =	vadd.s32 $0xFFFFFF81, v7;
	s0 =	sor.u32 s24, s30;
	v57 =	vcvt.s32.f32 v33;
	v37 =	vld [tilespmem:s1+$0x0];
	s1 =	sadd.s32 $0x800, s8;
	v0 =	vsub.f32 v0, v36  }
0x13e: {  	v1 =	vcvt.s32.f32 v7;
	v27 =	vld [tilespmem:s0+$0x0];
	s5 =	sor.u32 s6, s1;
	v7 =	vadd.f32 $-3.028317450e+00, v32;
	v28 =	vadd.f32 $-3.028317450e+00, v28  }
0x13f: {  	v31 =	vshra.s32 v31, $0x17;
	v4 =	vld [tilespmem:s5+$0x0];
	v0 =	vmul.f32 v0, v20  }
0x140: {  	v1 =	vadd.f32 v1, v7;
	v7 =	vadd.s32 $0xFFFFFF81, v31;
	v31 =	vld.idx.msk [tilespmem:v35+s7+$0x0], $0xffff;
	v28 =	vadd.f32 v57, v28  }
0x141: {  	v44 =	vadd.f32 $6.065830230e+00, v63;
	v0 =	vadd.f32 v0, v2;
	v2 =	vld [tilespmem:$0x1FFB0]  }
0x142: {  	v26 =	vand.u32 $0x7F, v6;
	v41 =	vshll.u32 v6, $0x3;
	s5 =	sadd.s32 $0x400, s8;
	v12 =	vld.idx.msk [tilespmem:v12+s7+$0x0], $0xffff;
	v6 =	vmul.f32 $6.931471820e-01, v28  }
0x143: {  	s8 =	smov.u32 s26;
	s26 =	sor.u32 s6, s5;
	v61 =	vld.idx.msk [tilespmem:v34+s7+$0x0], $0xffff;
	v29 =	vmul.f32 v29, v44  }
0x144: {  	s7 =	sor.u32 s18, s29;
	v44 =	vld [tilespmem:s26+$0x0];
	v14 =	vadd.f32 v6, v14  }
0x145: {  	v63 =	vcvt.s32.f32 v7;
	v7 =	vld [tilespmem:s7+$0x0];
	v1 =	vmul.f32 $6.931471820e-01, v1;
	v29 =	vadd.f32 $-3.028317450e+00, v29  }
0x146: {  	v15 =	vand.u32 $0x7F, v18;
	s26 =	sor.u32 s24, s1;
	v14 =	vsub.f32 v14, v31;
	v31 =	vadd.f32 v20, v2;
	v2 =	vld [tilespmem:$0x1FFA0]  }
0x147: {  	s7 =	sor.u32 s18, s30;
	v1 =	vadd.f32 v1, v17;
	v36 =	vld [tilespmem:s26+$0x0];
	v28 =	vadd.f32 v63, v29;
	v29 =	vshll.u32 v18, $0x3  }
0x148: {  	v17 =	vand.u32 $0x7F, v25;
	v57 =	vand.u32 $0x7F, v5;
	v29 =	vand.u32 $0xFFFFFC00, v29;
	v6 =	vld [tilespmem:s7+$0x0]  }
0x149: {  	[tilespmem:$0x1FD90] =	vst v49;
	v1 =	vsub.f32 v1, v61;
	s7 =	sor.u32 s24, s5;
	v63 =	vor.u32 v29, v15;
	v15 =	vmax.f32 v49, v44;
	v49 =	vld [tilespmem:$0x1FCA0]  }
0x14a: {  	v18 =	vmul.f32 $6.931471820e-01, v28;
	v28 =	vshll.u32 v25, $0x3;
	v25 =	vand.u32 $0xFFFFFC00, v41;
	v33 =	vld [tilespmem:s7+$0x0]  }
0x14b: {  	s26 =	sor.u32 s18, s5;
	v5 =	vshll.u32 v5, $0x3;
	s7 =	sor.u32 s17, s5;
	s5 =	sor.u32 s18, s1;
	v9 =	vor.u32 v25, v26;
	v25 =	vld [tilespmem:$0x1FC60];
	v1 =	vmul.f32 v1, v2  }
0x14c: {  	[tilespmem:$0x1FE50] =	vst v10;
	v10 =	vand.u32 $0xFFFFFC00, v5;
	v5 =	vld [tilespmem:s5+$0x0]  }
0x14d: {  	[tilespmem:s12+$0x14880] =	vst v38;
	s1 =	sor.u32 s17, s1;
	v0 =	vadd.f32 v1, v0;
	v1 =	vadd.f32 v2, v31;
	v2 =	vld [tilespmem:$0x1FF90]  }
0x14e: {  	[tilespmem:$0x1FE90] =	vst v38;
	v15 =	vmax.f32 v15, v4;
	v38 =	vld [tilespmem:s1+$0x0]  }
0x14f: {  	[tilespmem:$0x1FDF0] =	vst v37;
	s1 =	sor.u32 s17, s31;
	v15 =	vmax.f32 v15, v37;
	v37 =	vld [tilespmem:$0x1FCB0]  }
0x150: {  	v18 =	vadd.f32 v18, v40;
	s5 =	sor.u32 s17, s23;
	s23 =	sor.u32 s17, s16;
	v35 =	vld [tilespmem:s1+$0x0]  }
0x151: {  	v32 =	vld [tilespmem:s23+$0x0]  }
0x152: {  	[tilespmem:$0x1FD70] =	vst v43;
	v12 =	vsub.f32 v18, v12;
	v18 =	vld [tilespmem:s7+$0x0];
	v14 =	vmul.f32 v14, v2  }
0x153: {  	[tilespmem:$0x1FD00] =	vst v19;
	v20 =	vld [tilespmem:s26+$0x0]  }
0x154: {  	[tilespmem:$0x1FE20] =	vst v3;
	s7 =	sor.u32 s17, s30;
	v0 =	vadd.f32 v14, v0;
	v14 =	vadd.f32 v2, v1;
	v1 =	vld [tilespmem:$0x1FF80]  }
0x155: {  	[tilespmem:$0x1FD10] =	vst v13;
	s30 =	smov.u32 s13;
	s13 =	sor.u32 s17, s29;
	v26 =	vld [tilespmem:s7+$0x0]  }
0x156: {  	[tilespmem:$0x1FE10] =	vst v8;
	v29 =	vld [tilespmem:s13+$0x0];
	s26 =	sor.u32 s18, s28;
	s28 =	sor.u32 s17, s28  }
0x157: {  	[tilespmem:$0x1FD30] =	vst v27;
	s7 =	sor.u32 s18, s19;
	v41 =	vld [tilespmem:s28+$0x0]  }
0x158: {  	[tilespmem:$0x1FD20] =	vst v11;
	v34 =	vld [tilespmem:s7+$0x0];
	s28 =	sor.u32 s17, s2  }
0x159: {  	[tilespmem:$0x1FDB0] =	vst v44;
	s7 =	sor.u32 s17, s21;
	v44 =	vld [tilespmem:s28+$0x0];
	v12 =	vmul.f32 v12, v1  }
0x15a: {  	[tilespmem:$0x1FDD0] =	vst v4;
	v4 =	vld [tilespmem:s7+$0x0]  }
0x15b: {  	[tilespmem:$0x1FDE0] =	vst v7;
	s13 =	sor.u32 s17, s19;
	s19 =	sor.u32 s17, s9;
	v31 =	vand.u32 $0xFFFFFC00, v28;
	v0 =	vadd.f32 v12, v0;
	v12 =	vmax.f32 v43, v20;
	v43 =	vld [tilespmem:$0x1FC70]  }
0x15c: {  	[tilespmem:$0x1FD40] =	vst v36;
	s9 =	sor.u32 s18, s15;
	v61 =	vor.u32 v31, v17;
	v31 =	vld [tilespmem:s19+$0x0]  }
0x15d: {  	v57 =	vor.u32 v10, v57;
	v15 =	vmax.f32 v15, v8;
	[tilespmem:$0x1FDC0] =	vst v6;
	v2 =	vld [tilespmem:s9+$0x0]  }
0x15e: {  	v15 =	vmax.f32 v15, v3;
	v12 =	vmax.f32 v12, v5;
	[tilespmem:$0x1FF30] =	vst v0;
	v0 =	vadd.f32 v1, v14;
	v1 =	vld [tilespmem:s26+$0x0];
	s26 =	sor.u32 s18, s2  }
0x15f: {  	v9 =	vor.u32 v42, v9;
	s1 =	sor.u32 s17, s25;
	v15 =	vmax.f32 v15, v16;
	[tilespmem:$0x1FD50] =	vst v33;
	v12 =	vmax.f32 v12, v6;
	v8 =	vld [tilespmem:s26+$0x0]  }
0x160: {  	v15 =	vmax.f32 v15, v51;
	[tilespmem:$0x1FDA0] =	vst v5;
	s2 =	sor.u32 s18, s22;
	v12 =	vmax.f32 v12, v7;
	v7 =	vld [tilespmem:s1+$0x0];
	v14 =	vmax.f32 v43, v33  }
0x161: {  	v15 =	vmax.f32 v15, v58;
	v5 =	vld [tilespmem:s2+$0x0];
	[tilespmem:$0x1FFB0] =	vst v0;
	v0 =	vmax.f32 v25, v18;
	v14 =	vmax.f32 v14, v36  }
0x162: {  	v15 =	vmax.f32 v15, v45;
	[tilespmem:$0x1FD60] =	vst v18;
	v0 =	vmax.f32 v0, v38;
	v36 =	vld [tilespmem:s5+$0x0];
	v14 =	vmax.f32 v14, v27  }
0x163: {  	[tilespmem:$0x1FD80] =	vst v20;
	v33 =	vld [tilespmem:s13+$0x0];
	s13 =	sor.u32 s17, s15;
	v0 =	vmax.f32 v0, v26;
	v12 =	vmax.f32 v12, v1;
	v14 =	vmax.f32 v14, v11  }
0x164: {  	v28 =	vmovc v16;
	s5 =	sor.u32 s17, s22;
	v3 =	vld [tilespmem:s13+$0x0];
	v0 =	vmax.f32 v0, v29;
	v12 =	vmax.f32 v12, v59;
	v14 =	vmax.f32 v14, v13  }
0x165: {  	v27 =	vmovc v24;
	v6 =	vld [tilespmem:s5+$0x0];
	v0 =	vmax.f32 v0, v41;
	v12 =	vmax.f32 v12, v24;
	v14 =	vmax.f32 v14, v19  }
0x166: {  	s31 =	sor.u32 s17, s20;
	v0 =	vmax.f32 v0, v35;
	v40 =	vmax.f32 v12, v34;
	v19 =	vmovc v58;
	v58 =	vld [tilespmem:$0x1FC80];
	v14 =	vmax.f32 v14, v54  }
0x167: {  	v24 =	vmovc v54;
	v12 =	vld [tilespmem:s31+$0x0];
	v17 =	vmax.f32 v0, v36;
	v54 =	vmax.f32 v40, v21;
	v14 =	vmax.f32 v14, v62  }
0x168: {  	v18 =	vmovc v52;
	s15 =	sor.u32 s18, s14;
	v17 =	vmax.f32 v17, v33;
	v54 =	vmax.f32 v54, v55;
	v14 =	vmax.f32 v14, v52;
	v52 =	vld [tilespmem:$0x1FC90]  }
0x169: {  	v16 =	vmovc v62;
	[tilespmem:$0x1FE00] =	vst v1;
	v1 =	vld [tilespmem:s15+$0x0];
	v11 =	vmov v45;
	v17 =	vmax.f32 v17, v31;
	v54 =	vmax.f32 v54, v8  }
0x16a: {  	v45 =	vld [tilespmem:$0x1FCC0];
	v13 =	vmovc v21;
	v17 =	vmax.f32 v17, v32;
	v14 =	vmax.f32 v14, v22;
	v54 =	vmax.f32 v54, v60  }
0x16b: {  	v21 =	vmovc v60;
	v60 =	vld [tilespmem:$0x1FCD0];
	v15 =	vmax.f32 v15, v58;
	v17 =	vmax.f32 v17, v44;
	v54 =	vmax.f32 v54, v56  }
0x16c: {  	v20 =	vmovc v51;
	v62 =	vld [tilespmem:$0x1FCE0];
	v15 =	vmax.f32 v15, v49;
	v17 =	vmax.f32 v17, v12;
	v54 =	vmax.f32 v54, v5  }
0x16d: {  	v51 =	vmovc v39;
	v15 =	vmax.f32 v15, v39;
	v17 =	vmax.f32 v17, v7;
	v39 =	vld [tilespmem:$0x1FCF0];
	v14 =	vmax.f32 v14, v52  }
0x16e: {  	s16 =	sor.u32 s17, s14;
	v54 =	vmax.f32 v54, v23;
	v15 =	vmax.f32 v15, v37;
	v14 =	vmax.f32 v14, v50  }
0x16f: {  	v0 =	vld [tilespmem:s16+$0x0];
	v17 =	vmax.f32 v17, v6;
	v15 =	vmax.f32 v15, v45;
	v14 =	vmax.f32 v14, v30  }
0x170: {  	v54 =	vmax.f32 v54, v2;
	v15 =	vmax.f32 v15, v60;
	v14 =	vmax.f32 v14, v46  }
0x171: {  	v17 =	vmax.f32 v17, v4;
	v15 =	vmax.f32 v15, v62;
	v14 =	vmax.f32 v14, v53  }
0x172: {  	v40 =	vmax.f32 v15, v39;
	v15 =	vmax.f32 v17, v3;
	v17 =	vmax.f32 v54, v1  }
0x173: {  	v14 =	vmax.f32 v14, v48;
	v39 =	vsub.f32 v39, v40;
	v1 =	vsub.f32 v1, v17  }
0x174: {  	v15 =	vmax.f32 v15, v0;
	v10 =	vsub.f32 v60, v40;
	v2 =	vsub.f32 v2, v17  }
0x175: {  	v60 =	vor.u32 v42, v63;
	v63 =	vsub.f32 v45, v40;
	v23 =	vsub.f32 v23, v17  }
0x176: {  	v45 =	vor.u32 v42, v61;
	v5 =	vsub.f32 v5, v17;
	v0 =	vsub.f32 v0, v15  }
0x177: {  	[tilespmem:$0x1FF70] =	vst v42;
	v42 =	vor.u32 v42, v57;
	v3 =	vsub.f32 v3, v15;
	v4 =	vsub.f32 v4, v15  }
0x178: {  	v14 =	vmax.f32 v14, v47;
	v6 =	vsub.f32 v6, v15;
	v7 =	vsub.f32 v7, v15  }
0x179: {  	[tilespmem:$0x1FF50] =	vst v9;
	v12 =	vsub.f32 v12, v15;
	v54 =	vsub.f32 v47, v14;
	v39 =	vmul.f32 $1.442695020e+00, v39  }
0x17a: {  	[tilespmem:$0x1FF60] =	vst v45;
	v9 =	vsub.f32 v53, v14;
	v45 =	vmul.f32 $1.442695020e+00, v10;
	v53 =	vmul.f32 $1.442695020e+00, v2  }
0x17b: {  	v2 =	vsub.f32 v56, v17;
	v56 =	vmul.f32 $1.442695020e+00, v63;
	v57 =	vmul.f32 $1.442695020e+00, v23  }
0x17c: {  	v47 =	vsub.f32 v62, v40;
	v63 =	vmul.f32 $1.442695020e+00, v5;
	v0 =	vmul.f32 $1.442695020e+00, v0  }
0x17d: {  	v48 =	vsub.f32 v48, v14;
	v10 =	vmul.f32 $1.442695020e+00, v3;
	v4 =	vmul.f32 $1.442695020e+00, v4  }
0x17e: {  	v61 =	vsub.f32 v46, v14;
	v6 =	vmul.f32 $1.442695020e+00, v6;
	v7 =	vmul.f32 $1.442695020e+00, v7  }
0x17f: {  	v46 =	vsub.f32 v37, v40;
	v62 =	vmul.f32 $1.442695020e+00, v54;
	v54 =	vmul.f32 $1.442695020e+00, v1  }
0x180: {  	v50 =	vsub.f32 v50, v14;
	v48 =	vmul.f32 $1.442695020e+00, v48;
	v9 =	vmul.f32 $1.442695020e+00, v9  }
0x181: {  	v37 =	vmovc v60;
	v5 =	vsub.f32 v21, v17;
	v60 =	vmul.f32 $1.442695020e+00, v61;
	v23 =	vmul.f32 $1.442695020e+00, v2  }
0x182: {  	[tilespmem:$0x1FE30] =	vst v39;
	v1 =	vsub.f32 v30, v14;
	v39 =	vmul.f32 $1.442695020e+00, v50;
	(erf) = vpow2.f32 v62  }
0x183: {  	v2 =	vsub.f32 v52, v14;
	v50 =	vmul.f32 $1.442695020e+00, v5;
	(erf) = vpow2.f32 v48  }
0x184: {  	v5 =	vsub.f32 v8, v17;
	v8 =	vmul.f32 $1.442695020e+00, v12;
	(erf) = vpow2.f32 v0  }
0x185: {  	v44 =	vsub.f32 v44, v15;
	v1 =	vmul.f32 $1.442695020e+00, v1;
	(erf) = vpow2.f32 v9  }
0x186: {  	v12 =	vsub.f32 v22, v14;
	v2 =	vmul.f32 $1.442695020e+00, v2;
	(erf) = vpow2.f32 v10  }
0x187: {  	v30 =	vsub.f32 v51, v40;
	v22 =	vmul.f32 $1.442695020e+00, v5;
	(erf) = vpow2.f32 v60  }
0x188: {  	v51 =	vsub.f32 v49, v40;
	v12 =	vmul.f32 $1.442695020e+00, v12;
	(erf) = vpow2.f32 v4  }
0x189: {  	v62 =	vsub.f32 v18, v14;
	v4 =	vsub.f32 v13, v17;
	(erf) = vpow2.f32 v1  }
0x18a: {  	v0 =	vsub.f32 v55, v17;
	v9 =	vmul.f32 $1.442695020e+00, v44;
	(erf) = vpow2.f32 v6  }
0x18b: {  	v5 =	vsub.f32 v11, v40;
	v44 =	vmul.f32 $1.442695020e+00, v62;
	(erf) = vpow2.f32 v39;
	v6 =	vpop (erf)  }
0x18c: {  	v49 =	vmul.f32 $1.442695020e+00, v0;
	v0 =	vsub.f32 v19, v40;
	(erf) = vpow2.f32 v7;
	v7 =	vpop (erf)  }
0x18d: {  	v10 =	vsub.f32 v32, v15;
	v55 =	vmul.f32 $1.442695020e+00, v4;
	v4 =	vpop (erf);
	(erf) = vpow2.f32 v2  }
0x18e: {  	v62 =	vmul.f32 $1.442695020e+00, v0;
	v1 =	vsub.f32 v16, v14;
	[tilespmem:$0x1FEA0] =	vst v6;
	(erf) = vpow2.f32 v8;
	v6 =	vpop (erf)  }
0x18f: {  	v11 =	vsub.f32 v31, v15;
	v0 =	vmul.f32 $1.442695020e+00, v10;
	[tilespmem:$0x1FEB0] =	vst v7;
	v7 =	vpop (erf);
	(erf) = vpow2.f32 v12  }
0x190: {  	v1 =	vmul.f32 $1.442695020e+00, v1;
	[tilespmem:$0x1FEE0] =	vst v7;
	v7 =	vsub.f32 v33, v15;
	(erf) = vpow2.f32 v9;
	v8 =	vpop (erf)  }
0x191: {  	v2 =	vmul.f32 $1.442695020e+00, v11;
	[tilespmem:$0x1FED0] =	vst v6;
	v6 =	vpop (erf);
	(erf) = vpow2.f32 v44  }
0x192: {  	[tilespmem:$0x1FF00] =	vst v6;
	v6 =	vmul.f32 $1.442695020e+00, v7;
	v7 =	vld [tilespmem:$0x1FD00];
	(erf) = vpow2.f32 v0;
	v48 =	vpop (erf)  }
0x193: {  	v60 =	vpop (erf);
	(erf) = vpow2.f32 v1  }
0x194: {  	(erf) = vpow2.f32 v2;
	v2 =	vld [tilespmem:$0x1FD10]  }
0x195: {  	[tilespmem:$0x1FEC0] =	vst v4;
	v4 =	vsub.f32 v24, v14  }
0x196: {  	v13 =	vsub.f32 v34, v17  }
0x197: {  	[tilespmem:$0x1FE40] =	vst v42;
	v42 =	vmul.f32 $1.442695020e+00, v47;
	v4 =	vmul.f32 $1.442695020e+00, v4;
	v7 =	vsub.f32 v7, v14  }
0x198: {  	v61 =	vmul.f32 $1.442695020e+00, v46;
	v32 =	vmul.f32 $1.442695020e+00, v13;
	v0 =	vsub.f32 v36, v15;
	v36 =	vpop (erf)  }
0x199: {  	v34 =	vpop (erf);
	(erf) = vpow2.f32 v4;
	v7 =	vmul.f32 $1.442695020e+00, v7;
	v2 =	vsub.f32 v2, v14  }
0x19a: {  	v0 =	vmul.f32 $1.442695020e+00, v0;
	v4 =	vsub.f32 v35, v15;
	(erf) = vpow2.f32 v6;
	v13 =	vpop (erf);
	v6 =	vld [tilespmem:$0x1FD20]  }
0x19b: {  	v47 =	vpop (erf);
	v2 =	vmul.f32 $1.442695020e+00, v2;
	(erf) = vpow2.f32 v7  }
0x19c: {  	v4 =	vmul.f32 $1.442695020e+00, v4;
	v46 =	vpop (erf);
	(erf) = vpow2.f32 v0;
	v0 =	vld [tilespmem:$0x1FD30]  }
0x19d: {  	v39 =	vpop (erf);
	(erf) = vpow2.f32 v2  }
0x19e: {  	v10 =	vsub.f32 v20, v40;
	(erf) = vpow2.f32 v4;
	v4 =	vld [tilespmem:$0x1FD40]  }
0x19f: {  	v21 =	vsub.f32 v58, v40;
	v3 =	vmul.f32 $1.442695020e+00, v30;
	v6 =	vsub.f32 v6, v14  }
0x1a0: {  	v31 =	vmul.f32 $1.442695020e+00, v10;
	v10 =	vsub.f32 v28, v40;
	v7 =	vsub.f32 v41, v15  }
0x1a1: {  	v30 =	vmul.f32 $1.442695020e+00, v51;
	v6 =	vmul.f32 $1.442695020e+00, v6;
	v0 =	vsub.f32 v0, v14  }
0x1a2: {  	v33 =	vmul.f32 $1.442695020e+00, v10;
	v58 =	vpop (erf);
	v2 =	vsub.f32 v29, v15;
	v7 =	vmul.f32 $1.442695020e+00, v7  }
0x1a3: {  	v51 =	vpop (erf);
	(erf) = vpow2.f32 v6;
	v4 =	vsub.f32 v4, v14;
	v9 =	vmul.f32 $1.442695020e+00, v0  }
0x1a4: {  	v52 =	vpop (erf);
	v10 =	vmul.f32 $1.442695020e+00, v2;
	(erf) = vpow2.f32 v7;
	v7 =	vld [tilespmem:$0x1FD50]  }
0x1a5: {  	v1 =	vsub.f32 v59, v17;
	v59 =	vpop (erf);
	v4 =	vmul.f32 $1.442695020e+00, v4;
	(erf) = vpow2.f32 v9  }
0x1a6: {  	v0 =	vpop (erf);
	v9 =	vsub.f32 v25, v15;
	(erf) = vpow2.f32 v10  }
0x1a7: {  	v2 =	vpop (erf);
	(erf) = vpow2.f32 v4;
	v4 =	vld [tilespmem:$0x1FD60]  }
0x1a8: {  	[tilespmem:$0x1FEF0] =	vst v8;
	v8 =	vsub.f32 v27, v17;
	v6 =	vsub.f32 v26, v15;
	v16 =	vmul.f32 $1.442695020e+00, v9;
	v9 =	vld [tilespmem:$0x1FD70]  }
0x1a9: {  	v7 =	vsub.f32 v7, v14  }
0x1aa: {  	v44 =	vmul.f32 $1.442695020e+00, v8;
	v8 =	vsub.f32 v38, v15;
	v6 =	vmul.f32 $1.442695020e+00, v6  }
0x1ab: {  	v7 =	vmul.f32 $1.442695020e+00, v7  }
0x1ac: {  	v12 =	vmul.f32 $1.442695020e+00, v8;
	(erf) = vpow2.f32 v6;
	v10 =	vsub.f32 v4, v15;
	v4 =	vpop (erf)  }
0x1ad: {  	v11 =	vsub.f32 v9, v17;
	v9 =	vpop (erf);
	(erf) = vpow2.f32 v7  }
0x1ae: {  	v18 =	vmul.f32 $1.442695020e+00, v10;
	(erf) = vpow2.f32 v12;
	v12 =	vld [tilespmem:$0x1FD80]  }
0x1af: {  	v8 =	vpop (erf);
	(erf) = vpow2.f32 v16;
	v16 =	vld [tilespmem:$0x1FD90]  }
0x1b0: {  	v6 =	vpop (erf);
	(erf) = vpow2.f32 v18;
	v18 =	vld [tilespmem:$0x1FDA0]  }
0x1b1: {  	v10 =	vsub.f32 v43, v14  }
0x1b2: {  	v11 =	vmul.f32 $1.442695020e+00, v11  }
0x1b3: {  	v20 =	vmul.f32 $1.442695020e+00, v10;
	v7 =	vpop (erf);
	v12 =	vsub.f32 v12, v17  }
0x1b4: {  	v19 =	vpop (erf);
	(erf) = vpow2.f32 v11;
	v16 =	vsub.f32 v16, v40  }
0x1b5: {  	(erf) = vpow2.f32 v20;
	v20 =	vld [tilespmem:$0x1FDC0];
	v12 =	vmul.f32 $1.442695020e+00, v12;
	v18 =	vsub.f32 v18, v17  }
0x1b6: {  	v10 =	vpop (erf);
	v11 =	vmul.f32 $1.442695020e+00, v16;
	v16 =	vld [tilespmem:$0x1FDB0]  }
0x1b7: {  	v25 =	vpop (erf);
	v18 =	vmul.f32 $1.442695020e+00, v18;
	(erf) = vpow2.f32 v12  }
0x1b8: {  	v26 =	vpop (erf);
	(erf) = vpow2.f32 v11  }
0x1b9: {  	v28 =	vpop (erf);
	(erf) = vpow2.f32 v18;
	v18 =	vld [tilespmem:$0x1FDF0]  }
0x1ba: {  	v20 =	vsub.f32 v20, v17  }
0x1bb: {  	v16 =	vsub.f32 v16, v40  }
0x1bc: {  	v11 =	vmul.f32 $1.442695020e+00, v20;
	v20 =	vld [tilespmem:$0x1FDE0]  }
0x1bd: {  	v12 =	vmul.f32 $1.442695020e+00, v16;
	v16 =	vld [tilespmem:$0x1FDD0]  }
0x1be: {  	v18 =	vsub.f32 v18, v40  }
0x1bf: {  	v29 =	vpop (erf);
	(erf) = vpow2.f32 v12  }
0x1c0: {  	v35 =	vpop (erf);
	(erf) = vpow2.f32 v11;
	v11 =	vmul.f32 $1.442695020e+00, v18;
	v18 =	vld [tilespmem:$0x1FE10]  }
0x1c1: {  	v20 =	vsub.f32 v20, v17  }
0x1c2: {  	v16 =	vsub.f32 v16, v40  }
0x1c3: {  	v12 =	vmul.f32 $1.442695020e+00, v20;
	v20 =	vld [tilespmem:$0x1FE00]  }
0x1c4: {  	v16 =	vmul.f32 $1.442695020e+00, v16  }
0x1c5: {  	v18 =	vsub.f32 v18, v40  }
0x1c6: {  	v24 =	vpop (erf);
	(erf) = vpow2.f32 v16  }
0x1c7: {  	v38 =	vpop (erf);
	(erf) = vpow2.f32 v12;
	v12 =	vmul.f32 $1.442695020e+00, v18;
	v18 =	vld [tilespmem:$0x1FE20]  }
0x1c8: {  	v20 =	vsub.f32 v20, v17  }
0x1c9: {  	v16 =	vadd.f32 $0.0e+00, v24  }
0x1ca: {  	v1 =	vmul.f32 $1.442695020e+00, v1;
	v24 =	vmul.f32 $1.442695020e+00, v20  }
0x1cb: {  	v27 =	vpop (erf);
	(erf) = vpow2.f32 v11;
	v11 =	vadd.f32 v16, v38  }
0x1cc: {  	v16 =	vadd.f32 $0.0e+00, v27;
	(erf) = vpow2.f32 v24;
	v20 =	vpop (erf);
	v18 =	vsub.f32 v18, v40  }
0x1cd: {  	v24 =	vadd.f32 $0.0e+00, v20;
	v43 =	vpop (erf);
	(erf) = vpow2.f32 v12  }
0x1ce: {  	v12 =	vadd.f32 v16, v43;
	(erf) = vpow2.f32 v1;
	v1 =	vpop (erf)  }
0x1cf: {  	v16 =	vadd.f32 v24, v29;
	v1 =	vadd.f32 $0.0e+00, v1;
	v20 =	vpop (erf)  }
0x1d0: {  	v11 =	vadd.f32 v11, v35;
	v12 =	vadd.f32 v12, v20;
	v41 =	vmul.f32 $1.442695020e+00, v18;
	v18 =	vpop (erf)  }
0x1d1: {  	v20 =	vadd.f32 v16, v26;
	v1 =	vadd.f32 v1, v18;
	v18 =	vpop (erf)  }
0x1d2: {  	v12 =	vadd.f32 v12, v18;
	v18 =	vpop (erf)  }
0x1d3: {  	s19 =	rddreg [dreg:$0xd];
	v11 =	vadd.f32 v11, v28;
	v10 =	vadd.f32 v20, v10;
	v16 =	vpop (erf)  }
0x1d4: {  	s21 =	rddreg [dreg:$0xe];
	v1 =	vadd.f32 v1, v18;
	v18 =	vadd.f32 v12, v16;
	v16 =	vld [tilespmem:s19+$0x12400]  }
0x1d5: {  	v7 =	vadd.f32 v10, v7;
	v10 =	vld [tilespmem:s21+$0x12400]  }
0x1d6: {  	v11 =	vadd.f32 v11, v25;
	_ =	sdelay $0x1  }
0x1d7: {  	(erf) = vpow2.f32 v41;
	v11 =	vadd.f32 v11, v19  }
0x1d8: {  	s26 =	rddreg [dreg:$0xf];
	(erf) = vpow2.f32 v44;
	[tilespmem:$0x1FF80] =	vst v16;
	v16 =	vpop (erf)  }
0x1d9: {  	(erf) = vpow2.f32 v33;
	[tilespmem:$0x1FF90] =	vst v10;
	v10 =	vadd.f32 v1, v16;
	v1 =	vadd.f32 v11, v6;
	v11 =	vld [tilespmem:s26+$0x12400]  }
0x1da: {  	p0 =	slt.u32 s4, $0x3C;
	(erf) = vpow2.f32 v32  }
.Ltmp0:
0x1db: {  	s20 =	rddreg [dreg:$0x9];
	(erf) = vpow2.f32 v31;
	(pc) =	sbr.rel @p0 .LBB2_2-.Ltmp0, $4  }
0x1dc: {  	s28 =	rddreg [dreg:$0xc];
	(erf) = vpow2.f32 v55  }
0x1dd: {  	s22 =	rddreg [dreg:$0xa];
	v5 =	vmul.f32 $1.442695020e+00, v5;
	v20 =	vld [tilespmem:s12+$0x12400];
	v16 =	vpop (erf);
	(erf) = vpow2.f32 v62  }
0x1de: {  	s23 =	smov.u32 s20;
	s29 =	simm.s32 $0x12800;
	s31 =	rddreg [dreg:$0xb];
	v21 =	vmul.f32 $1.442695020e+00, v21;
	v33 =	vld [tilespmem:$0x1FE30];
	v7 =	vadd.f32 v7, v8;
	(erf) = vpow2.f32 v49;
	[tilespmem:$0x1FFA0] =	vst v11;
	v11 =	vpop (erf)  }
0x1df: {  	s25 =	smov.u32 s22;
	s22 =	smov.u32 s28;
	s13 =	smov.u32 s31;
	v32 =	vld [tilespmem:$0x1FE40];
	v6 =	vadd.f32 v18, v16;
	v11 =	vadd.f32 v10, v11;
	v12 =	vpop (erf);
	(erf) = vpow2.f32 v5  }
0x1e0: {  	v1 =	vadd.f32 v1, v9;
	_ =	sdelay $0x1  }
0x1e1: {  	v1 =	vadd.f32 v1, v2  }
0x1e2: {  	v5 =	vadd.f32 v6, v12  }
0x1e3: {  	v1 =	vadd.f32 v1, v59  }
0x1e4: {  	v4 =	vadd.f32 v7, v4;
	v6 =	vpop (erf)  }
0x1e5: {  	v6 =	vadd.f32 v11, v6;
	v7 =	vpop (erf);
	v1 =	vadd.f32 v1, v51  }
0x1e6: {  	v0 =	vadd.f32 v4, v0;
	v2 =	vadd.f32 v5, v7;
	v5 =	vpop (erf)  }
0x1e7: {  	v4 =	vadd.f32 v6, v5;
	v5 =	vpop (erf);
	v1 =	vadd.f32 v1, v39  }
0x1e8: {  	v0 =	vadd.f32 v0, v52;
	v2 =	vadd.f32 v2, v5;
	v5 =	vpop (erf)  }
0x1e9: {  	v4 =	vadd.f32 v4, v5;
	v5 =	vpop (erf);
	v1 =	vadd.f32 v1, v47  }
0x1ea: {  	v0 =	vadd.f32 v0, v58;
	v2 =	vadd.f32 v2, v5;
	v5 =	vld [tilespmem:$0x1FF00]  }
0x1eb: {  	v1 =	vadd.f32 v1, v34  }
0x1ec: {  	v0 =	vadd.f32 v0, v46  }
0x1ed: {  	(erf) = vpow2.f32 v22;
	v1 =	vadd.f32 v1, v60  }
0x1ee: {  	(erf) = vpow2.f32 v21;
	v0 =	vadd.f32 v0, v13  }
0x1ef: {  	(erf) = vpow2.f32 v50;
	v1 =	vadd.f32 v1, v5;
	v5 =	vld [tilespmem:$0x1FEF0]  }
0x1f0: {  	(erf) = vpow2.f32 v30;
	v0 =	vadd.f32 v0, v36  }
0x1f1: {  	(erf) = vpow2.f32 v23  }
0x1f2: {  	(erf) = vpow2.f32 v3;
	v0 =	vadd.f32 v0, v48  }
0x1f3: {  	(erf) = vpow2.f32 v63;
	v3 =	vpop (erf)  }
0x1f4: {  	v3 =	vadd.f32 v4, v3;
	(erf) = vpow2.f32 v61;
	v4 =	vpop (erf);
	v0 =	vadd.f32 v0, v5;
	v5 =	vld [tilespmem:$0x1FEE0]  }
0x1f5: {  	(erf) = vpow2.f32 v57;
	v2 =	vadd.f32 v2, v4;
	v4 =	vpop (erf)  }
0x1f6: {  	v3 =	vadd.f32 v3, v4;
	v4 =	vpop (erf);
	(erf) = vpow2.f32 v56  }
0x1f7: {  	v6 =	vld.idx.msk [tilespmem:v37+s29+$0x0], $0xffff;
	v2 =	vadd.f32 v2, v4;
	v4 =	vpop (erf)  }
0x1f8: {  	v3 =	vadd.f32 v3, v4;
	v4 =	vpop (erf)  }
0x1f9: {  	(erf) = vpow2.f32 v53;
	v2 =	vadd.f32 v2, v4;
	v4 =	vpop (erf);
	v1 =	vadd.f32 v1, v5;
	v5 =	vld [tilespmem:$0x1FED0]  }
0x1fa: {  	(erf) = vpow2.f32 v45;
	v3 =	vadd.f32 v3, v4;
	v4 =	vpop (erf)  }
0x1fb: {  	(erf) = vpow2.f32 v54;
	v2 =	vadd.f32 v2, v4;
	v4 =	vpop (erf)  }
0x1fc: {  	[tilespmem:$0x1FC30] =	vst v6;
	v3 =	vadd.f32 v3, v4;
	v4 =	vpop (erf)  }
0x1fd: {  	v63 =	vld [tilespmem:s25+$0x0];
	v2 =	vadd.f32 v2, v4;
	v4 =	vpop (erf)  }
0x1fe: {  	v3 =	vadd.f32 v3, v4;
	v4 =	vpop (erf);
	v0 =	vadd.f32 v0, v5;
	v5 =	vld [tilespmem:$0x1FEC0]  }
0x1ff: {  	v2 =	vadd.f32 v2, v4;
	v4 =	vpop (erf)  }
0x200: {  	v3 =	vadd.f32 v3, v4  }
0x201: {  	(erf) = vpow2.f32 v42  }
0x202: {  	v4 =	vpop (erf)  }
0x203: {  	[tilespmem:$0x1FB60] =	vst v63;
	(erf) = vpow2.f32 v33;
	v9 =	vadd.f32 v1, v5;
	v1 =	vadd.f32 v2, v4;
	v2 =	vpop (erf);
	v4 =	vld [tilespmem:$0x1FEB0]  }
0x204: {  	v19 =	vld.idx.msk [tilespmem:v32+s29+$0x0], $0xffff;
	v2 =	vadd.f32 v3, v2;
	v3 =	vpop (erf)  }
0x205: {  	v12 =	vadd.f32 v1, v3;
	v3 =	vld [tilespmem:$0x1FEA0];
	_ =	sdelay $0x2  }
0x206: {  	v0 =	vadd.f32 v0, v4  }
0x207: {  	v5 =	vand.u32 $0x7FFFFF, v9;
	v4 =	vld [tilespmem:$0x1FE70]  }
0x208: {  	s3 =	sadd.s32 $0x4400, s8;
	v21 =	vld [tilespmem:s13+$0x0];
	[tilespmem:$0x1FC50] =	vst v19;
	v9 =	vshra.s32 v9, $0x17;
	v16 =	vor.u32 $0x3F800000, v5;
	v1 =	vpop (erf);
	v23 =	vadd.f32 v0, v3  }
0x209: {  	v0 =	vadd.f32 v2, v1;
	v1 =	vld [tilespmem:$0x1FE60];
	v2 =	vmul.f32 $2.482561020e-02, v16;
	v3 =	vand.u32 $0x7FFFFF, v12;
	[tilespmem:s25+$0x14880] =	vst v6  }
0x20a: {  	s1 =	sor.u32 s10, s3;
	v9 =	vadd.s32 $0xFFFFFF81, v9;
	v5 =	vpop (erf);
	v26 =	vor.u32 $0x3F800000, v3;
	v11 =	vld [tilespmem:$0x1FE90]  }
0x20b: {  	s4 =	sadd.s32 $0x4000, s8;
	v7 =	vld [tilespmem:s1+$0x0];
	v3 =	vand.u32 $0x7FFFFF, v23;
	v27 =	vadd.f32 v0, v5;
	v0 =	vsub.f32 $2.668588160e-01, v2  }
0x20c: {  	s0 =	sadd.s32 $0x3C00, s8;
	s2 =	sor.u32 s10, s4;
	v2 =	vmul.f32 $2.482561020e-02, v26;
	v4 =	vshll.u32 v4, $0xA;
	v28 =	vor.u32 $0x3F800000, v3;
	v3 =	vld [tilespmem:$0x1FE80]  }
0x20d: {  	s9 =	sor.u32 s10, s0;
	v8 =	vld [tilespmem:s2+$0x0];
	v5 =	vmul.f32 $2.482561020e-02, v28;
	v6 =	vand.u32 $0x7FFFFF, v27;
	v0 =	vmul.f32 v16, v0  }
0x20e: {  	s16 =	sadd.s32 $0x3400, s8;
	v10 =	vld [tilespmem:s9+$0x0];
	v2 =	vsub.f32 $2.668588160e-01, v2;
	v4 =	vor.u32 s6, v4;
	v1 =	vshll.u32 v1, $0xA  }
0x20f: {  	s19 =	sadd.s32 $0x3000, s8;
	s14 =	sor.u32 s10, s16;
	v22 =	vld [tilespmem:$0x1FE50];
	v6 =	vor.u32 $0x3F800000, v6;
	v25 =	vshll.u32 v11, $0xA;
	v5 =	vsub.f32 $2.668588160e-01, v5  }
0x210: {  	s15 =	sor.u32 s10, s19;
	s1 =	sadd.s32 $0x3800, s8;
	v18 =	vld [tilespmem:s14+$0x0];
	v11 =	vmul.f32 $2.482561020e-02, v6;
	v0 =	vadd.f32 $-1.234263180e+00, v0;
	v2 =	vmul.f32 v26, v2  }
0x211: {  	s7 =	sadd.s32 $0x2C00, s8;
	v13 =	vld [tilespmem:s15+$0x0];
	s12 =	sor.u32 s10, s1;
	v29 =	vor.u32 s24, v1;
	v3 =	vshll.u32 v3, $0xA;
	v1 =	vmul.f32 v28, v5  }
0x212: {  	s20 =	sadd.s32 $0x2800, s8;
	s21 =	sor.u32 s10, s7;
	v24 =	vld [tilespmem:s12+$0x0];
	v5 =	vsub.f32 $2.668588160e-01, v11;
	v30 =	vor.u32 s18, v3;
	v3 =	vmul.f32 v16, v0  }
0x213: {  	s26 =	sor.u32 s10, s20;
	s6 =	sadd.s32 $0x2400, s8;
	v25 =	vor.u32 s17, v25;
	v11 =	vld [tilespmem:s21+$0x0];
	v31 =	vadd.f32 $-1.234263180e+00, v2;
	v1 =	vadd.f32 $-1.234263180e+00, v1  }
0x214: {  	s12 =	sadd.s32 $0x2000, s8;
	s28 =	sor.u32 s10, s6;
	v2 =	vld [tilespmem:s26+$0x0];
	v5 =	vmul.f32 v6, v5;
	v45 =	vadd.f32 $3.218832730e+00, v3;
	v3 =	vadd.s32 v4, v22  }
0x215: {  	s5 =	sor.u32 s10, s12;
	s17 =	sadd.s32 $0x1C00, s8;
	v25 =	vadd.s32 v25, v22;
	v0 =	vld [tilespmem:s28+$0x0];
	v31 =	vmul.f32 v26, v31;
	[tilespmem:$0x1FB50] =	vst v3;
	v3 =	vlaneseq.u32  }
0x216: {  	s2 =	sadd.s32 $0x1800, s8;
	s31 =	sor.u32 s10, s17;
	v46 =	vmul.f32 v28, v1;
	v1 =	vld [tilespmem:s5+$0x0];
	v47 =	vor.u32 v3, v25;
	v25 =	vadd.f32 $-1.234263180e+00, v5  }
0x217: {  	v9 =	vcvt.s32.f32 v9;
	s14 =	sadd.s32 $0x1400, s8;
	s9 =	sor.u32 s10, s2;
	v31 =	vadd.f32 $3.218832730e+00, v31;
	v32 =	vmul.f32 v16, v45;
	v4 =	vld [tilespmem:s31+$0x0]  }
0x218: {  	v12 =	vshra.s32 v12, $0x17;
	s18 =	sor.u32 s10, s14;
	v5 =	vld [tilespmem:s9+$0x0];
	s9 =	sadd.s32 $0xC00, s8;
	v33 =	vadd.f32 $3.218832730e+00, v46;
	v35 =	vmul.f32 v6, v25  }
0x219: {  	s15 =	sadd.s32 $0x1000, s8;
	v29 =	vadd.s32 v29, v22;
	v31 =	vmul.f32 v26, v31;
	s24 =	sor.u32 s10, s9;
	v57 =	vadd.f32 $-5.264110570e+00, v32;
	v25 =	vld [tilespmem:s18+$0x0]  }
0x21a: {  	s21 =	sor.u32 s10, s15;
	v54 =	vor.u32 v3, v29;
	s18 =	sadd.s32 $0x400, s8;
	v37 =	vld [tilespmem:s24+$0x0];
	v29 =	vmul.f32 v28, v33;
	v35 =	vadd.f32 $3.218832730e+00, v35  }
0x21b: {  	v12 =	vadd.s32 $0xFFFFFF81, v12;
	s8 =	sadd.s32 $0x800, s8;
	v33 =	vld [tilespmem:s21+$0x0];
	v31 =	vadd.f32 $-5.264110570e+00, v31;
	s26 =	sor.u32 s10, s18;
	v36 =	vmul.f32 v16, v57  }
0x21c: {  	v58 =	vshra.s32 v27, $0x17;
	s28 =	sor.u32 s10, s8;
	v27 =	vadd.f32 $-5.264110570e+00, v29;
	v29 =	vmul.f32 v6, v35;
	v35 =	vld [tilespmem:s26+$0x0]  }
0x21d: {  	v23 =	vshra.s32 v23, $0x17;
	[tilespmem:s13+$0x14880] =	vst v19;
	s31 =	sor.u32 s30, s18;
	v41 =	vld [tilespmem:s28+$0x0];
	v31 =	vmul.f32 v26, v31;
	v59 =	vadd.f32 $6.065830230e+00, v36  }
0x21e: {  	v12 =	vcvt.s32.f32 v12;
	v23 =	vadd.s32 $0xFFFFFF81, v23;
	s24 =	sor.u32 s30, s8;
	v60 =	vmul.f32 v28, v27;
	v27 =	vld [tilespmem:s31+$0x0]  }
0x21f: {  	v23 =	vcvt.s32.f32 v23;
	v34 =	vld [tilespmem:s24+$0x0];
	s26 =	sor.u32 s30, s9;
	v31 =	vadd.f32 $6.065830230e+00, v31;
	v16 =	vmul.f32 v16, v59  }
0x220: {  	v39 =	vadd.s32 $0xFFFFFF81, v58;
	v30 =	vadd.s32 v30, v22;
	s28 =	sor.u32 s30, s15;
	v43 =	vld [tilespmem:s26+$0x0];
	v36 =	vadd.f32 $6.065830230e+00, v60  }
0x221: {  	v44 =	vld [tilespmem:s28+$0x0];
	s31 =	sor.u32 s30, s14;
	v26 =	vmul.f32 v26, v31;
	v16 =	vadd.f32 $-3.028317450e+00, v16;
	v31 =	vmax.f32 v63, v35  }
0x222: {  	s24 =	sor.u32 s30, s2;
	v29 =	vadd.f32 $-5.264110570e+00, v29;
	v45 =	vld [tilespmem:s31+$0x0];
	v36 =	vmul.f32 v28, v36;
	v31 =	vmax.f32 v31, v41  }
0x223: {  	s26 =	sor.u32 s30, s17;
	v28 =	vld [tilespmem:s24+$0x0];
	v16 =	vadd.f32 v9, v16;
	v9 =	vmax.f32 v21, v27;
	v31 =	vmax.f32 v31, v37  }
0x224: {  	s28 =	sor.u32 s30, s12;
	v61 =	vld [tilespmem:s26+$0x0];
	v29 =	vmul.f32 v6, v29;
	v9 =	vmax.f32 v9, v34;
	v31 =	vmax.f32 v31, v33  }
0x225: {  	v49 =	vor.u32 v3, v30;
	v22 =	vld [tilespmem:s28+$0x0];
	s31 =	sor.u32 s30, s6;
	v9 =	vmax.f32 v9, v43;
	v31 =	vmax.f32 v31, v25  }
0x226: {  	s24 =	sor.u32 s30, s20;
	v29 =	vadd.f32 $6.065830230e+00, v29;
	v19 =	vmax.f32 v9, v44;
	v9 =	vld [tilespmem:s31+$0x0];
	v31 =	vmax.f32 v31, v5  }
0x227: {  	s26 =	sor.u32 s30, s7;
	v26 =	vadd.f32 $-3.028317450e+00, v26;
	v62 =	vld [tilespmem:s24+$0x0];
	v19 =	vmax.f32 v19, v45;
	v31 =	vmax.f32 v31, v4  }
0x228: {  	s28 =	sor.u32 s30, s19;
	v6 =	vmul.f32 v6, v29;
	v29 =	vmax.f32 v19, v28;
	v19 =	vld [tilespmem:s26+$0x0];
	v31 =	vmax.f32 v31, v1  }
0x229: {  	v63 =	vld [tilespmem:s28+$0x0];
	v36 =	vadd.f32 $-3.028317450e+00, v36;
	s31 =	sor.u32 s30, s16;
	v29 =	vmax.f32 v29, v61;
	v31 =	vmax.f32 v31, v0  }
0x22a: {  	s24 =	sor.u32 s30, s1;
	v12 =	vadd.f32 v12, v26;
	v26 =	vmax.f32 v29, v22;
	v29 =	vld [tilespmem:s31+$0x0];
	v31 =	vmax.f32 v31, v2  }
0x22b: {  	v30 =	vld [tilespmem:s24+$0x0];
	v16 =	vmul.f32 $6.931471820e-01, v16;
	s26 =	sor.u32 s30, s0;
	v26 =	vmax.f32 v26, v9;
	v31 =	vmax.f32 v31, v11  }
0x22c: {  	s28 =	sor.u32 s30, s4;
	v23 =	vadd.f32 v23, v36;
	v56 =	vld [tilespmem:s26+$0x0];
	v26 =	vmax.f32 v26, v62;
	v31 =	vmax.f32 v31, v13  }
0x22d: {  	v57 =	vld [tilespmem:s28+$0x0];
	v58 =	vadd.f32 $-3.028317450e+00, v6;
	v26 =	vmax.f32 v26, v19;
	v31 =	vmax.f32 v31, v18  }
0x22e: {  	s21 =	simm.s32 $0x0;
	v15 =	vadd.f32 v16, v15;
	v6 =	vmax.f32 v26, v63;
	v26 =	vmax.f32 v31, v24  }
0x22f: {  	v38 =	vld.idx.msk [tilespmem:v47+s21+$0x0], $0xffff;
	v23 =	vmul.f32 $6.931471820e-01, v23;
	v6 =	vmax.f32 v6, v29;
	v16 =	vmax.f32 v26, v10  }
0x230: {  	v6 =	vmax.f32 v6, v30;
	v16 =	vmax.f32 v16, v8  }
0x231: {  	v23 =	vadd.f32 v23, v14;
	v14 =	vld [tilespmem:$0x1FF50];
	v26 =	vmax.f32 v6, v56;
	v6 =	vmax.f32 v16, v7  }
0x232: {  	v39 =	vcvt.s32.f32 v39;
	v16 =	vmax.f32 v26, v57;
	v26 =	vsub.f32 v7, v6  }
0x233: {  	s31 =	sor.u32 s30, s3;
	v8 =	vsub.f32 v8, v6  }
0x234: {  	v42 =	vadd.f32 v39, v58;
	v39 =	vsub.f32 v15, v38;
	v31 =	vld [tilespmem:s31+$0x0];
	v15 =	vmul.f32 $1.442695020e+00, v26  }
0x235: {  	v8 =	vmul.f32 $1.442695020e+00, v8  }
0x236: {  	(erf) = vpow2.f32 v15  }
0x237: {  	(erf) = vpow2.f32 v8;
	v8 =	vld [tilespmem:$0x1FF60];
	_ =	sdelay $0x1  }
0x238: {  	v7 =	vmax.f32 v16, v31;
	v16 =	vld.idx.msk [tilespmem:v14+s29+$0x0], $0xffff;
	_ =	sdelay $0x1  }
0x239: {  	v12 =	vmul.f32 $6.931471820e-01, v12;
	_ =	sdelay $0x1  }
0x23a: {  	v53 =	vadd.f32 v12, v17;
	v12 =	vsub.f32 v31, v7  }
0x23b: {  	v10 =	vsub.f32 v10, v6;
	v2 =	vsub.f32 v2, v6;
	[tilespmem:$0x1FC20] =	vst v16  }
0x23c: {  	v14 =	vsub.f32 v57, v7;
	v12 =	vmul.f32 $1.442695020e+00, v12;
	v17 =	vld.idx.msk [tilespmem:v8+s29+$0x0], $0xffff  }
0x23d: {  	v10 =	vmul.f32 $1.442695020e+00, v10;
	v2 =	vmul.f32 $1.442695020e+00, v2  }
0x23e: {  	v15 =	vsub.f32 v24, v6;
	v14 =	vmul.f32 $1.442695020e+00, v14;
	(erf) = vpow2.f32 v12  }
0x23f: {  	v12 =	vsub.f32 v18, v6;
	(erf) = vpow2.f32 v10;
	v8 =	vsub.f32 v56, v7  }
0x240: {  	v15 =	vmul.f32 $1.442695020e+00, v15;
	v10 =	vsub.f32 v30, v7;
	(erf) = vpow2.f32 v14  }
0x241: {  	v12 =	vmul.f32 $1.442695020e+00, v12;
	v8 =	vmul.f32 $1.442695020e+00, v8;
	[tilespmem:$0x1FC40] =	vst v17  }
0x242: {  	v13 =	vsub.f32 v13, v6;
	(erf) = vpow2.f32 v15;
	v10 =	vmul.f32 $1.442695020e+00, v10;
	v46 =	vld [tilespmem:s23+$0x0]  }
0x243: {  	s24 =	sor.u32 s11, s16;
	(erf) = vpow2.f32 v8;
	v8 =	vsub.f32 v11, v6;
	v58 =	vld [tilespmem:s22+$0x0];
	[tilespmem:s23+$0x14880] =	vst v16;
	v16 =	vsub.f32 v29, v7  }
0x244: {  	s26 =	sor.u32 s11, s19;
	v11 =	vmul.f32 $1.442695020e+00, v13;
	(erf) = vpow2.f32 v12;
	v12 =	vsub.f32 v63, v7;
	[tilespmem:s22+$0x14880] =	vst v17;
	v32 =	vld [tilespmem:s24+$0x0]  }
0x245: {  	s31 =	sor.u32 s11, s20;
	(erf) = vpow2.f32 v10;
	v24 =	vld [tilespmem:s26+$0x0];
	s24 =	rddreg [dreg:$0x8];
	v13 =	vmul.f32 $1.442695020e+00, v16  }
0x246: {  	v8 =	vmul.f32 $1.442695020e+00, v8;
	v29 =	vld [tilespmem:s31+$0x0];
	(erf) = vpow2.f32 v11;
	v11 =	vsub.f32 v19, v7;
	s28 =	sor.u32 s24, s0  }
0x247: {  	v10 =	vmul.f32 $1.442695020e+00, v12;
	s16 =	sor.u32 s24, s16;
	v30 =	vld [tilespmem:s28+$0x0];
	(erf) = vpow2.f32 v13  }
0x248: {  	v0 =	vsub.f32 v0, v6;
	s19 =	sor.u32 s24, s19;
	v26 =	vld [tilespmem:s16+$0x0];
	v12 =	vpop (erf);
	(erf) = vpow2.f32 v8;
	v8 =	vmul.f32 $1.442695020e+00, v11  }
0x249: {  	v9 =	vsub.f32 v9, v7;
	s26 =	sor.u32 s11, s17;
	v31 =	vld [tilespmem:s19+$0x0];
	[tilespmem:$0x1FC10] =	vst v12;
	v12 =	vpop (erf);
	v11 =	vsub.f32 v62, v7;
	(erf) = vpow2.f32 v10  }
0x24a: {  	v4 =	vsub.f32 v4, v6;
	v0 =	vmul.f32 $1.442695020e+00, v0;
	s28 =	sor.u32 s24, s20;
	v38 =	vld [tilespmem:s26+$0x0];
	[tilespmem:$0x1FC00] =	vst v12;
	v55 =	vpop (erf);
	(erf) = vpow2.f32 v2  }
0x24b: {  	v1 =	vsub.f32 v1, v6;
	s31 =	sor.u32 s24, s6;
	v36 =	vld [tilespmem:s28+$0x0];
	v10 =	vpop (erf);
	v2 =	vmul.f32 $1.442695020e+00, v11;
	(erf) = vpow2.f32 v8  }
0x24c: {  	s16 =	sor.u32 s11, s15;
	v19 =	vld [tilespmem:s31+$0x0];
	[tilespmem:$0x1FBF0] =	vst v10;
	v8 =	vpop (erf);
	(erf) = vpow2.f32 v0;
	v0 =	vmul.f32 $1.442695020e+00, v9  }
0x24d: {  	v1 =	vmul.f32 $1.442695020e+00, v1;
	s17 =	sor.u32 s24, s17;
	v12 =	vsub.f32 v44, v7;
	v48 =	vld [tilespmem:s16+$0x0];
	[tilespmem:$0x1FBE0] =	vst v8;
	v9 =	vpop (erf)  }
0x24e: {  	s19 =	sor.u32 s24, s2;
	v8 =	vsub.f32 v22, v7;
	(erf) = vpow2.f32 v2;
	v2 =	vmul.f32 $1.442695020e+00, v4;
	v47 =	vld [tilespmem:s17+$0x0];
	[tilespmem:$0x1FBD0] =	vst v9;
	v4 =	vpop (erf)  }
0x24f: {  	s20 =	sor.u32 s11, s18;
	v12 =	vmul.f32 $1.442695020e+00, v12;
	(erf) = vpow2.f32 v1;
	v22 =	vld [tilespmem:s19+$0x0];
	[tilespmem:$0x1FBC0] =	vst v4;
	v4 =	vsub.f32 v5, v6;
	v5 =	vpop (erf)  }
0x250: {  	s26 =	sor.u32 s24, s9;
	v1 =	vmul.f32 $1.442695020e+00, v8;
	(erf) = vpow2.f32 v0;
	v16 =	vld [tilespmem:s20+$0x0];
	[tilespmem:$0x1FBB0] =	vst v5;
	v5 =	vsub.f32 v61, v7;
	v0 =	vpop (erf)  }
0x251: {  	s28 =	sor.u32 s24, s18;
	v8 =	vsub.f32 v25, v6;
	(erf) = vpow2.f32 v2;
	v63 =	vld [tilespmem:s26+$0x0];
	[tilespmem:$0x1FBA0] =	vst v0;
	v4 =	vmul.f32 $1.442695020e+00, v4;
	v0 =	vpop (erf)  }
0x252: {  	s31 =	sor.u32 s24, s8;
	v9 =	vsub.f32 v28, v7;
	(erf) = vpow2.f32 v1;
	v10 =	vld [tilespmem:s28+$0x0];
	[tilespmem:$0x1FB90] =	vst v0;
	v5 =	vmul.f32 $1.442695020e+00, v5;
	v0 =	vpop (erf)  }
0x253: {  	v1 =	vsub.f32 v33, v6;
	v14 =	vld [tilespmem:s31+$0x0];
	(erf) = vpow2.f32 v4;
	[tilespmem:$0x1FB80] =	vst v0;
	v4 =	vmul.f32 $1.442695020e+00, v8;
	v0 =	vpop (erf)  }
0x254: {  	v8 =	vsub.f32 v45, v7;
	v11 =	vld.idx.msk [tilespmem:v49+s21+$0x0], $0xffff;
	(erf) = vpow2.f32 v5;
	[tilespmem:$0x1FB70] =	vst v0;
	v5 =	vmul.f32 $1.442695020e+00, v9  }
0x255: {  	s16 =	sor.u32 s24, s15;
	v1 =	vmul.f32 $1.442695020e+00, v1;
	v9 =	vld.idx.msk [tilespmem:v54+s21+$0x0], $0xffff;
	(erf) = vpow2.f32 v4;
	v4 =	vsub.f32 v37, v6  }
0x256: {  	s17 =	sor.u32 s24, s14;
	v28 =	vpop (erf);
	v15 =	vld [tilespmem:s16+$0x0];
	v13 =	vmul.f32 $1.442695020e+00, v8;
	(erf) = vpow2.f32 v5  }
0x257: {  	s8 =	sor.u32 s11, s8;
	v33 =	vpop (erf);
	v8 =	vld [tilespmem:s17+$0x0];
	(erf) = vpow2.f32 v1;
	v4 =	vmul.f32 $1.442695020e+00, v4  }
0x258: {  	s18 =	sor.u32 s11, s9;
	v60 =	vld [tilespmem:s8+$0x0];
	v37 =	vpop (erf);
	v1 =	vsub.f32 v41, v6;
	(erf) = vpow2.f32 v13;
	v13 =	vmax.f32 v58, v10  }
0x259: {  	s19 =	sor.u32 s24, s12;
	v59 =	vmax.f32 v46, v16;
	v5 =	vld [tilespmem:s18+$0x0];
	v41 =	vpop (erf);
	(erf) = vpow2.f32 v4;
	v4 =	vmax.f32 v13, v14  }
0x25a: {  	s20 =	sor.u32 s11, s14;
	v13 =	vmul.f32 $1.442695020e+00, v1;
	v17 =	vsub.f32 v53, v11;
	v11 =	vld [tilespmem:s19+$0x0];
	v4 =	vmax.f32 v4, v63  }
0x25b: {  	s2 =	sor.u32 s11, s2;
	v44 =	vpop (erf);
	(erf) = vpow2.f32 v12;
	v18 =	vsub.f32 v23, v9;
	v9 =	vmax.f32 v4, v15;
	v4 =	vld [tilespmem:s20+$0x0]  }
0x25c: {  	s26 =	sor.u32 s24, s7;
	v45 =	vpop (erf);
	(erf) = vpow2.f32 v13;
	v13 =	vsub.f32 v43, v7;
	v12 =	vmax.f32 v9, v8;
	v9 =	vld [tilespmem:s2+$0x0]  }
0x25d: {  	v35 =	vsub.f32 v35, v6;
	s28 =	sor.u32 s11, s12;
	v57 =	vld [tilespmem:s26+$0x0];
	v43 =	vmax.f32 v59, v60  }
0x25e: {  	s31 =	sor.u32 s11, s6;
	v62 =	vld [tilespmem:s28+$0x0];
	v43 =	vmax.f32 v43, v5;
	v12 =	vmax.f32 v12, v22;
	v13 =	vmul.f32 $1.442695020e+00, v13  }
0x25f: {  	v35 =	vmul.f32 $1.442695020e+00, v35;
	s7 =	sor.u32 s11, s7;
	v59 =	vld [tilespmem:s31+$0x0];
	v43 =	vmax.f32 v43, v48;
	v12 =	vmax.f32 v12, v47  }
0x260: {  	s6 =	sor.u32 s24, s1;
	v54 =	vld [tilespmem:s7+$0x0];
	v51 =	vpop (erf);
	v12 =	vmax.f32 v12, v11;
	(erf) = vpow2.f32 v13;
	v13 =	vmax.f32 v43, v4  }
0x261: {  	v61 =	vsub.f32 v34, v7;
	v53 =	vld [tilespmem:s6+$0x0];
	v12 =	vmax.f32 v12, v19;
	v13 =	vmax.f32 v13, v9  }
0x262: {  	v21 =	vsub.f32 v21, v7;
	v2 =	vld [tilespmem:$0x1FB50];
	s8 =	sor.u32 s24, s4;
	v12 =	vmax.f32 v12, v36;
	v13 =	vmax.f32 v13, v38  }
0x263: {  	s9 =	sor.u32 s24, s3;
	v56 =	vmul.f32 $1.442695020e+00, v61;
	v34 =	vld [tilespmem:s8+$0x0];
	v12 =	vmax.f32 v12, v57;
	v13 =	vmax.f32 v13, v62  }
0x264: {  	v52 =	vpop (erf);
	(erf) = vpow2.f32 v35;
	v35 =	vld [tilespmem:s9+$0x0];
	v12 =	vmax.f32 v12, v31;
	v13 =	vmax.f32 v13, v59  }
0x265: {  	v21 =	vmul.f32 $1.442695020e+00, v21;
	s0 =	sor.u32 s11, s0;
	v12 =	vmax.f32 v12, v26;
	v13 =	vmax.f32 v13, v29  }
0x266: {  	s1 =	sor.u32 s11, s1;
	v50 =	vld [tilespmem:s0+$0x0];
	v61 =	vpop (erf);
	(erf) = vpow2.f32 v56;
	v12 =	vmax.f32 v12, v53;
	v49 =	vmax.f32 v13, v54  }
0x267: {  	s12 =	sor.u32 s11, s4;
	v23 =	vpop (erf);
	v43 =	vld [tilespmem:s1+$0x0];
	(erf) = vpow2.f32 v21;
	v0 =	vmax.f32 v12, v30;
	v21 =	vmax.f32 v49, v24  }
0x268: {  	v12 =	vld [tilespmem:s12+$0x0];
	v0 =	vmax.f32 v0, v34;
	v1 =	vmax.f32 v21, v32  }
0x269: {  	v21 =	vmax.f32 v0, v35;
	v0 =	vsub.f32 v27, v7;
	v27 =	vor.u32 v3, v2;
	v2 =	vld [tilespmem:$0x1FB60]  }
0x26a: {  	s14 =	sor.u32 s11, s3  }
0x26b: {  	v56 =	vld [tilespmem:s14+$0x0]  }
0x26c: {  	v1 =	vmax.f32 v1, v43  }
0x26d: {  	v3 =	vsub.f32 v58, v21;
	v1 =	vmax.f32 v1, v50  }
0x26e: {  	v0 =	vmul.f32 $1.442695020e+00, v0;
	v1 =	vmax.f32 v1, v12;
	v49 =	vsub.f32 v2, v6  }
0x26f: {  	v10 =	vsub.f32 v10, v21;
	v2 =	vmul.f32 $1.442695020e+00, v3  }
0x270: {  	v13 =	vpop (erf);
	(erf) = vpow2.f32 v0;
	v3 =	vmax.f32 v1, v56;
	v0 =	vmul.f32 $1.442695020e+00, v49  }
0x271: {  	v10 =	vmul.f32 $1.442695020e+00, v10;
	v1 =	vpop (erf);
	(erf) = vpow2.f32 v2;
	v2 =	vsub.f32 v46, v3  }
0x272: {  	v14 =	vsub.f32 v14, v21;
	v46 =	vpop (erf);
	(erf) = vpow2.f32 v0;
	v0 =	vmul.f32 $6.931471820e-01, v42  }
0x273: {  	v42 =	vpop (erf);
	v2 =	vmul.f32 $1.442695020e+00, v2;
	(erf) = vpow2.f32 v10;
	v10 =	vsub.f32 v16, v3  }
0x274: {  	v14 =	vmul.f32 $1.442695020e+00, v14;
	v16 =	vpop (erf)  }
0x275: {  	v27 =	vld.idx.msk [tilespmem:v27+s21+$0x0], $0xffff;
	v49 =	vpop (erf);
	(erf) = vpow2.f32 v2;
	v2 =	vsub.f32 v63, v21;
	v10 =	vmul.f32 $1.442695020e+00, v10  }
0x276: {  	v0 =	vadd.f32 v0, v40;
	v40 =	vld [tilespmem:$0x1FF30];
	v58 =	vpop (erf);
	(erf) = vpow2.f32 v14  }
0x277: {  	v14 =	vsub.f32 v60, v3;
	v60 =	vpop (erf);
	(erf) = vpow2.f32 v10;
	v10 =	vmul.f32 $1.442695020e+00, v2;
	v2 =	vld [tilespmem:$0x1FFB0];
	_ =	sdelay $0x1  }
0x278: {  	v39 =	vmul.f32 v39, v20;
	v15 =	vsub.f32 v15, v21  }
0x279: {  	v0 =	vsub.f32 v0, v27;
	v27 =	vld [tilespmem:$0x1FF90];
	v14 =	vmul.f32 $1.442695020e+00, v14  }
0x27a: {  	v63 =	vpop (erf);
	v39 =	vadd.f32 v39, v40;
	v40 =	vld [tilespmem:$0x1FFA0]  }
0x27b: {  	v8 =	vsub.f32 v8, v21;
	v20 =	vadd.f32 v20, v2;
	v2 =	vpop (erf)  }
0x27c: {  	v5 =	vsub.f32 v5, v3;
	(erf) = vpow2.f32 v10;
	v10 =	vmul.f32 $1.442695020e+00, v15;
	v15 =	vpop (erf)  }
0x27d: {  	v8 =	vmul.f32 $1.442695020e+00, v8;
	(erf) = vpow2.f32 v14;
	v14 =	vpop (erf)  }
0x27e: {  	v5 =	vmul.f32 $1.442695020e+00, v5;
	(erf) = vpow2.f32 v10;
	v10 =	vadd.f32 $0.0e+00, v14  }
0x27f: {  	v17 =	vmul.f32 v17, v40;
	v14 =	vmul.f32 v18, v27;
	v18 =	vpop (erf)  }
0x280: {  	(erf) = vpow2.f32 v5;
	v10 =	vadd.f32 v10, v18;
	v18 =	vsub.f32 v48, v3  }
0x281: {  	(erf) = vpow2.f32 v8  }
0x282: {  	v17 =	vadd.f32 v17, v39;
	v8 =	vadd.f32 v10, v15;
	v10 =	vmul.f32 $1.442695020e+00, v18  }
0x283: {  	v5 =	vsub.f32 v22, v21  }
0x284: {  	v39 =	vadd.f32 v14, v17;
	v14 =	vpop (erf);
	(erf) = vpow2.f32 v10;
	v10 =	vsub.f32 v47, v21  }
0x285: {  	v4 =	vsub.f32 v4, v3;
	v14 =	vadd.f32 $0.0e+00, v14;
	v15 =	vpop (erf)  }
0x286: {  	v5 =	vmul.f32 $1.442695020e+00, v5;
	v17 =	vpop (erf)  }
0x287: {  	v4 =	vmul.f32 $1.442695020e+00, v4;
	v14 =	vadd.f32 v14, v17  }
0x288: {  	(erf) = vpow2.f32 v5;
	v5 =	vadd.f32 v8, v63;
	v8 =	vmul.f32 $1.442695020e+00, v10;
	v10 =	vpop (erf)  }
0x289: {  	(erf) = vpow2.f32 v4;
	v4 =	vsub.f32 v9, v3;
	v9 =	vadd.f32 $0.0e+00, v10;
	v10 =	vpop (erf)  }
0x28a: {  	(erf) = vpow2.f32 v8;
	v8 =	vsub.f32 v11, v21;
	v11 =	vpop (erf)  }
0x28b: {  	v9 =	vadd.f32 v9, v11;
	v11 =	vsub.f32 v38, v3  }
0x28c: {  	v15 =	vadd.f32 $0.0e+00, v15;
	v4 =	vmul.f32 $1.442695020e+00, v4;
	v10 =	vadd.f32 v14, v10  }
0x28d: {  	v8 =	vmul.f32 $1.442695020e+00, v8;
	v14 =	vpop (erf)  }
0x28e: {  	v2 =	vadd.f32 v15, v2;
	(erf) = vpow2.f32 v4;
	v4 =	vadd.f32 v10, v14  }
0x28f: {  	v10 =	vsub.f32 v19, v21;
	(erf) = vpow2.f32 v8;
	v8 =	vmul.f32 $1.442695020e+00, v11;
	v11 =	vpop (erf)  }
0x290: {  	v9 =	vadd.f32 v9, v11;
	v11 =	vsub.f32 v62, v3  }
0x291: {  	v2 =	vadd.f32 v2, v60;
	v10 =	vmul.f32 $1.442695020e+00, v10  }
0x292: {  	(erf) = vpow2.f32 v8;
	v8 =	vsub.f32 v36, v21;
	v11 =	vmul.f32 $1.442695020e+00, v11  }
0x293: {  	v2 =	vadd.f32 v2, v49  }
0x294: {  	v14 =	vpop (erf);
	v8 =	vmul.f32 $1.442695020e+00, v8  }
0x295: {  	v2 =	vadd.f32 v2, v42;
	(erf) = vpow2.f32 v10;
	v4 =	vadd.f32 v4, v14;
	v10 =	vpop (erf)  }
0x296: {  	v9 =	vadd.f32 v9, v10;
	v10 =	vsub.f32 v59, v3;
	(erf) = vpow2.f32 v11;
	v11 =	vpop (erf)  }
0x297: {  	v4 =	vadd.f32 v4, v11;
	v11 =	vsub.f32 v57, v21  }
0x298: {  	v1 =	vadd.f32 v2, v1;
	(erf) = vpow2.f32 v8;
	v8 =	vpop (erf)  }
0x299: {  	v2 =	vadd.f32 v9, v8;
	v8 =	vmul.f32 $1.442695020e+00, v10;
	v10 =	vmul.f32 $1.442695020e+00, v11;
	_ =	sdelay $0x2  }
0x29a: {  	(erf) = vpow2.f32 v8;
	v8 =	vsub.f32 v31, v21;
	v11 =	vpop (erf)  }
0x29b: {  	v9 =	vsub.f32 v29, v3;
	(erf) = vpow2.f32 v10;
	v10 =	vpop (erf)  }
0x29c: {  	v8 =	vmul.f32 $1.442695020e+00, v8;
	v2 =	vadd.f32 v2, v10;
	v10 =	vsub.f32 v54, v3  }
0x29d: {  	v9 =	vmul.f32 $1.442695020e+00, v9  }
0x29e: {  	v10 =	vmul.f32 $1.442695020e+00, v10  }
0x29f: {  	v4 =	vadd.f32 v4, v11;
	(erf) = vpow2.f32 v9;
	v9 =	vsub.f32 v26, v21;
	v11 =	vpop (erf)  }
0x2a0: {  	(erf) = vpow2.f32 v8;
	v8 =	vpop (erf)  }
0x2a1: {  	v4 =	vadd.f32 v4, v11;
	v2 =	vadd.f32 v2, v8;
	v8 =	vmul.f32 $1.442695020e+00, v9  }
0x2a2: {  	(erf) = vpow2.f32 v10;
	v10 =	vpop (erf)  }
0x2a3: {  	v4 =	vadd.f32 v4, v10;
	v10 =	vsub.f32 v53, v21  }
0x2a4: {  	v9 =	vsub.f32 v24, v3  }
0x2a5: {  	(erf) = vpow2.f32 v8;
	v8 =	vpop (erf);
	v10 =	vmul.f32 $1.442695020e+00, v10  }
0x2a6: {  	v5 =	vadd.f32 v5, v58;
	v2 =	vadd.f32 v2, v8;
	v8 =	vmul.f32 $1.442695020e+00, v9;
	_ =	sdelay $0x1  }
0x2a7: {  	v5 =	vadd.f32 v5, v16;
	v11 =	vpop (erf);
	(erf) = vpow2.f32 v8  }
0x2a8: {  	v1 =	vadd.f32 v1, v23;
	v4 =	vadd.f32 v4, v11;
	(erf) = vpow2.f32 v10;
	v10 =	vpop (erf)  }
0x2a9: {  	v9 =	vsub.f32 v32, v3;
	v2 =	vadd.f32 v2, v10;
	v10 =	vpop (erf)  }
0x2aa: {  	v4 =	vadd.f32 v4, v10;
	v10 =	vsub.f32 v43, v3  }
0x2ab: {  	v5 =	vadd.f32 v5, v46;
	v8 =	vsub.f32 v30, v21  }
0x2ac: {  	v1 =	vadd.f32 v1, v52;
	v9 =	vmul.f32 $1.442695020e+00, v9;
	v10 =	vmul.f32 $1.442695020e+00, v10  }
0x2ad: {  	v11 =	vsub.f32 v12, v3;
	v12 =	vsub.f32 v34, v21;
	v8 =	vmul.f32 $1.442695020e+00, v8  }
0x2ae: {  	v5 =	vadd.f32 v5, v13;
	v13 =	vsub.f32 v50, v3;
	(erf) = vpow2.f32 v9  }
0x2af: {  	v1 =	vadd.f32 v1, v45;
	v12 =	vmul.f32 $1.442695020e+00, v12;
	(erf) = vpow2.f32 v8;
	v14 =	vpop (erf)  }
0x2b0: {  	v5 =	vadd.f32 v5, v61;
	v2 =	vadd.f32 v2, v14;
	(erf) = vpow2.f32 v10;
	v10 =	vpop (erf)  }
0x2b1: {  	v1 =	vadd.f32 v1, v41;
	(erf) = vpow2.f32 v12;
	v12 =	vld [tilespmem:$0x1FB70];
	v4 =	vadd.f32 v4, v10;
	v10 =	vpop (erf)  }
0x2b2: {  	v8 =	vsub.f32 v35, v21;
	v2 =	vadd.f32 v2, v10;
	v10 =	vpop (erf)  }
0x2b3: {  	v5 =	vadd.f32 v5, v51;
	v4 =	vadd.f32 v4, v10;
	v10 =	vld [tilespmem:$0x1FB90]  }
0x2b4: {  	v1 =	vadd.f32 v1, v33;
	v8 =	vmul.f32 $1.442695020e+00, v8  }
0x2b5: {  	v13 =	vmul.f32 $1.442695020e+00, v13;
	v5 =	vadd.f32 v5, v44  }
0x2b6: {  	v9 =	vsub.f32 v56, v3;
	v1 =	vadd.f32 v1, v12;
	v12 =	vld [tilespmem:$0x1FB80]  }
0x2b7: {  	v5 =	vadd.f32 v5, v37;
	v11 =	vmul.f32 $1.442695020e+00, v11;
	(erf) = vpow2.f32 v13  }
0x2b8: {  	v9 =	vmul.f32 $1.442695020e+00, v9;
	(erf) = vpow2.f32 v8;
	v8 =	vpop (erf);
	v1 =	vadd.f32 v1, v10;
	v10 =	vld [tilespmem:$0x1FBA0]  }
0x2b9: {  	v5 =	vadd.f32 v5, v28;
	v2 =	vadd.f32 v2, v8;
	v8 =	vpop (erf);
	(erf) = vpow2.f32 v11  }
0x2ba: {  	v4 =	vadd.f32 v4, v8;
	v8 =	vpop (erf);
	(erf) = vpow2.f32 v9;
	v9 =	vld [tilespmem:$0x1FBC0]  }
0x2bb: {  	v5 =	vadd.f32 v5, v12;
	_ =	sdelay $0x1  }
0x2bc: {  	v5 =	vadd.f32 v5, v10;
	v10 =	vld [tilespmem:$0x1FBB0];
	_ =	sdelay $0x1  }
0x2bd: {  	v5 =	vadd.f32 v5, v9;
	v9 =	vld [tilespmem:$0x1FBD0];
	_ =	sdelay $0x2  }
0x2be: {  	v1 =	vadd.f32 v1, v10;
	_ =	sdelay $0x1  }
0x2bf: {  	v1 =	vadd.f32 v1, v9;
	v9 =	vld [tilespmem:$0x1FBE0];
	_ =	sdelay $0x4  }
0x2c0: {  	v5 =	vadd.f32 v5, v9;
	v9 =	vld [tilespmem:$0x1FBF0];
	_ =	sdelay $0x1  }
0x2c1: {  	v2 =	vadd.f32 v2, v8;
	v8 =	vpop (erf)  }
0x2c2: {  	v4 =	vadd.f32 v4, v8;
	v8 =	vpop (erf)  }
0x2c3: {  	v15 =	vld [tilespmem:$0x1FC30];
	v2 =	vadd.f32 v2, v8;
	v8 =	vpop (erf)  }
0x2c4: {  	v4 =	vadd.f32 v4, v8;
	v8 =	vpop (erf);
	v1 =	vadd.f32 v1, v9;
	v9 =	vld [tilespmem:$0x1FC00]  }
0x2c5: {  	v2 =	vadd.f32 v2, v8;
	v8 =	vpop (erf)  }
0x2c6: {  	v11 =	vld [tilespmem:$0x1FC10];
	v4 =	vadd.f32 v4, v8;
	v8 =	vpop (erf)  }
0x2c7: {  	v16 =	vld [tilespmem:$0x1FC40];
	v2 =	vadd.f32 v2, v8;
	v8 =	vpop (erf);
	v5 =	vadd.f32 v5, v55  }
0x2c8: {  	v20 =	vadd.f32 v40, v20;
	v15 =	vshll.u32 v15, $0xA;
	v4 =	vadd.f32 v4, v8  }
0x2c9: {  	v15 =	vor.u32 s10, v15;
	v8 =	vpop (erf);
	v10 =	vand.u32 $0x7FFFFF, v5;
	v1 =	vadd.f32 v1, v9  }
0x2ca: {  	v2 =	vadd.f32 v2, v8;
	v12 =	vand.u32 $0x7FFFFF, v4;
	v10 =	vor.u32 $0x3F800000, v10  }
0x2cb: {  	v13 =	vpop (erf);
	v12 =	vor.u32 $0x3F800000, v12;
	v1 =	vadd.f32 v1, v11;
	v11 =	vmul.f32 $2.482561020e-02, v10  }
0x2cc: {  	v16 =	vshll.u32 v16, $0xA;
	v2 =	vadd.f32 v2, v13;
	v13 =	vmul.f32 $2.482561020e-02, v12  }
0x2cd: {  	v16 =	vor.u32 s24, v16;
	v14 =	vand.u32 $0x7FFFFF, v1;
	v11 =	vsub.f32 $2.668588160e-01, v11  }
0x2ce: {  	v23 =	vld [tilespmem:$0x1FF70];
	v18 =	vand.u32 $0x7FFFFF, v2;
	v13 =	vsub.f32 $2.668588160e-01, v13;
	v14 =	vor.u32 $0x3F800000, v14  }
0x2cf: {  	v18 =	vor.u32 $0x3F800000, v18;
	v17 =	vmul.f32 $2.482561020e-02, v14;
	v11 =	vmul.f32 v10, v11  }
0x2d0: {  	v8 =	vld [tilespmem:$0x1FC20];
	v4 =	vshra.s32 v4, $0x17;
	v22 =	vmul.f32 $2.482561020e-02, v18;
	v13 =	vmul.f32 v12, v13  }
0x2d1: {  	v4 =	vadd.s32 $0xFFFFFF81, v4;
	v17 =	vsub.f32 $2.668588160e-01, v17;
	v11 =	vadd.f32 $-1.234263180e+00, v11  }
0x2d2: {  	v4 =	vcvt.s32.f32 v4;
	v22 =	vsub.f32 $2.668588160e-01, v22;
	v13 =	vadd.f32 $-1.234263180e+00, v13  }
0x2d3: {  	v15 =	vadd.s32 v15, v23;
	v17 =	vmul.f32 v14, v17;
	v11 =	vmul.f32 v10, v11  }
0x2d4: {  	v16 =	vadd.s32 v16, v23;
	v22 =	vmul.f32 v18, v22;
	v13 =	vmul.f32 v12, v13  }
0x2d5: {  	v8 =	vshll.u32 v8, $0xA;
	v17 =	vadd.f32 $-1.234263180e+00, v17;
	v11 =	vadd.f32 $3.218832730e+00, v11  }
0x2d6: {  	v8 =	vor.u32 s11, v8;
	v22 =	vadd.f32 $-1.234263180e+00, v22;
	v13 =	vadd.f32 $3.218832730e+00, v13  }
0x2d7: {  	v9 =	vadd.f32 v27, v20;
	v20 =	vld [tilespmem:$0x1FC50];
	v17 =	vmul.f32 v14, v17;
	v11 =	vmul.f32 v10, v11  }
0x2d8: {  	v22 =	vmul.f32 v18, v22;
	v13 =	vmul.f32 v12, v13;
	v5 =	vshra.s32 v5, $0x17  }
0x2d9: {  	v5 =	vadd.s32 $0xFFFFFF81, v5;
	v17 =	vadd.f32 $3.218832730e+00, v17;
	v11 =	vadd.f32 $-5.264110570e+00, v11  }
0x2da: {  	v22 =	vadd.f32 $3.218832730e+00, v22;
	v13 =	vadd.f32 $-5.264110570e+00, v13;
	v5 =	vcvt.s32.f32 v5  }
0x2db: {  	v8 =	vadd.s32 v8, v23;
	v17 =	vmul.f32 v14, v17;
	v11 =	vmul.f32 v10, v11  }
0x2dc: {  	v22 =	vmul.f32 v18, v22;
	v13 =	vmul.f32 v12, v13;
	v20 =	vshll.u32 v20, $0xA  }
0x2dd: {  	v20 =	vor.u32 s30, v20;
	v17 =	vadd.f32 $-5.264110570e+00, v17;
	v11 =	vadd.f32 $6.065830230e+00, v11  }
0x2de: {  	v1 =	vshra.s32 v1, $0x17;
	v20 =	vadd.s32 v20, v23;
	v23 =	vlaneseq.u32  }
0x2df: {  	v20 =	vor.u32 v23, v20;
	v17 =	vmul.f32 v14, v17;
	v10 =	vmul.f32 v10, v11  }
0x2e0: {  	v22 =	vadd.f32 $-5.264110570e+00, v22;
	v1 =	vadd.s32 $0xFFFFFF81, v1;
	v11 =	vadd.f32 $6.065830230e+00, v13  }
0x2e1: {  	v1 =	vcvt.s32.f32 v1;
	v13 =	vadd.f32 $6.065830230e+00, v17;
	v10 =	vadd.f32 $-3.028317450e+00, v10  }
0x2e2: {  	v16 =	vor.u32 v23, v16;
	v11 =	vmul.f32 v12, v11;
	v12 =	vmul.f32 v18, v22  }
0x2e3: {  	v25 =	vld [tilespmem:$0x1FF80];
	v15 =	vor.u32 v23, v15;
	v13 =	vmul.f32 v14, v13;
	v5 =	vadd.f32 v5, v10  }
0x2e4: {  	v23 =	vlaneseq.u32;
	v10 =	vadd.f32 $-3.028317450e+00, v11;
	v11 =	vadd.f32 $6.065830230e+00, v12;
	v12 =	vld.idx.msk [tilespmem:v20+s21+$0x0], $0xffff  }
0x2e5: {  	v8 =	vor.u32 v23, v8;
	v13 =	vadd.f32 $-3.028317450e+00, v13;
	v5 =	vmul.f32 $6.931471820e-01, v5  }
0x2e6: {  	v2 =	vshra.s32 v2, $0x17;
	v14 =	vld [tilespmem:s13+$0x12400];
	v4 =	vadd.f32 v4, v10;
	v10 =	vmul.f32 v18, v11  }
0x2e7: {  	v2 =	vadd.s32 $0xFFFFFF81, v2;
	v11 =	vld.idx.msk [tilespmem:v16+s21+$0x0], $0xffff;
	v1 =	vadd.f32 v1, v13;
	v5 =	vadd.f32 v5, v7  }
0x2e8: {  	v2 =	vcvt.s32.f32 v2;
	v4 =	vmul.f32 $6.931471820e-01, v4;
	v7 =	vld.idx.msk [tilespmem:v15+s21+$0x0], $0xffff;
	v10 =	vadd.f32 $-3.028317450e+00, v10  }
0x2e9: {  	v0 =	vmul.f32 v0, v25;
	v16 =	vld [tilespmem:s22+$0x12400];
	v1 =	vmul.f32 $6.931471820e-01, v1;
	v5 =	vsub.f32 v5, v12  }
0x2ea: {  	v8 =	vld.idx.msk [tilespmem:v8+s21+$0x0], $0xffff;
	v4 =	vadd.f32 v4, v21;
	v2 =	vadd.f32 v2, v10  }
0x2eb: {  	v0 =	vadd.f32 v0, v39;
	v12 =	vld [tilespmem:s25+$0x12400];
	v1 =	vadd.f32 v1, v6  }
0x2ec: {  	s15 =	simm.s32 $0x0;
	s16 =	simm.s32 $0x2;
	v5 =	vmul.f32 v5, v14;
	v4 =	vsub.f32 v4, v11;
	v2 =	vmul.f32 $6.931471820e-01, v2  }
0x2ed: {  	s0 =	sand.u32 $0x40, s15;
	v6 =	vadd.f32 v25, v9;
	v9 =	vld [tilespmem:s23+$0x12400];
	_ =	swait.ge [sflag:s16], $0xD800;
	v1 =	vsub.f32 v1, v7  }
0x2ee: {  	s17 =	simm.s32 $0x0;
	s20 =	sor.u32 $0x20, s0;
	[sflag:s16] =	ssyncset.done $0x0;
	v0 =	vadd.f32 v5, v0;
	v4 =	vmul.f32 v4, v16;
	v2 =	vadd.f32 v2, v3  }
0x2ef: {  	s4 =	sor.u32 s17, s20;
	s21 =	sor.u32 $0x10, s0;
	v3 =	vadd.f32 v14, v6;
	[sflag:s16] =	ssyncadd.s32 $0xFFFF2800  }
0x2f0: {  	s22 =	sor.u32 s17, s21;
	v7 =	vld [tilespmem:s4+$0x14880];
	v0 =	vadd.f32 v4, v0;
	v1 =	vmul.f32 v1, v12;
	v2 =	vsub.f32 v2, v8  }
0x2f1: {  	s18 =	sor.u32 $0x30, s0;
	s19 =	simm.s32 $0x0;
	v19 =	vld [tilespmem:s22+$0x12000];
	v3 =	vadd.f32 v16, v3  }
0x2f2: {  	s3 =	sor.u32 s17, s18;
	v5 =	vmov s19;
	v0 =	vadd.f32 v1, v0;
	v2 =	vmul.f32 v2, v9  }
0x2f3: {  	s6 =	simm.s32 $0x40;
	v4 =	vld [tilespmem:s3+$0x14880];
	v8 =	vshll.u32 v5, $0x7;
	v3 =	vadd.f32 v12, v3  }
0x2f4: {  	v63 =	vlaneseq.u32;
	s24 =	sand.u32 $0x40, s6;
	v16 =	vld [tilespmem:s4+$0x12000];
	v10 =	vbroadcast v8, $0x0;
	v6 =	vadd.f32 v2, v0  }
0x2f5: {  	s26 =	sor.u32 $0x30, s24;
	v5 =	vadd.f32 v9, v3;
	v2 =	vlaneseq.u32;
	v21 =	vmul.u32 $0xC00, v7  }
0x2f6: {  	v22 =	vmul.u32 $0x3, v7;
	v7 =	vor.u32 s26, v63;
	v30 =	vand.u32 $0x7F, v19  }
0x2f7: {  	v1 =	vld [tilespmem:s3+$0x12000];
	v19 =	vshll.u32 v19, $0x3;
	v0 =	vor.u32 s0, v2;
	v11 =	vor.u32 s18, v2  }
0x2f8: {  	s23 =	sor.u32 s0, s17;
	v12 =	vor.u32 s20, v2;
	v13 =	vor.u32 s21, v2;
	v20 =	vmul.u32 $0x3, v4  }
0x2f9: {  	v9 =	vld [tilespmem:s23+$0x14880];
	v4 =	vmul.u32 $0xC00, v4;
	v28 =	vand.u32 $0x7F, v16;
	v16 =	vshll.u32 v16, $0x3  }
0x2fa: {  	s25 =	simm.s32 $0x0;
	v26 =	vld [tilespmem:s23+$0x12000];
	v19 =	vand.u32 $0xFFFFFC00, v19;
	v14 =	vor.u32 v10, v12;
	v15 =	vor.u32 v10, v11  }
0x2fb: {  	v3 =	vld [tilespmem:s22+$0x14880];
	s0 =	sor.u32 s25, s26;
	v17 =	vor.u32 v10, v0;
	v16 =	vand.u32 $0xFFFFFC00, v16;
	v44 =	vor.u32 v10, v28  }
0x2fc: {  	s30 =	sor.u32 $0x20, s24;
	v2 =	vld [tilespmem:s0+$0x12000];
	v23 =	vand.u32 $0x7F, v1;
	v24 =	vshll.u32 v1, $0x3;
	v15 =	vor.u32 v4, v15  }
0x2fd: {  	s1 =	sor.u32 s25, s30;
	v8 =	vld [tilespmem:s0+$0x14880];
	v14 =	vor.u32 v21, v14;
	v4 =	vadd.s32 v10, v4;
	v35 =	vor.u32 v16, v44  }
0x2fe: {  	s18 =	simm.s32 $0x14800;
	v24 =	vand.u32 $0xFFFFFC00, v24;
	v27 =	vmul.u32 $0x3, v9;
	v29 =	vmul.u32 $0xC00, v9;
	v9 =	vld [tilespmem:s1+$0x14880]  }
0x2ff: {  	v31 =	vor.u32 v10, v23;
	v4 =	vor.u32 v11, v4;
	v11 =	vadd.s32 $0x2, v20;
	v42 =	vld.idx.msk [tilespmem:v22+s18+$0x0], $0xffff  }
0x300: {  	s28 =	simm.s32 $0x0;
	s16 =	simm.s32 $0x4800;
	v18 =	vor.u32 v10, v13;
	v25 =	vmul.u32 $0x3, v3;
	v31 =	vor.u32 v24, v31;
	v41 =	vld.idx.msk [tilespmem:v20+s18+$0x0], $0xffff  }
0x301: {  	v1 =	vmov s28;
	v21 =	vadd.s32 v10, v21;
	v16 =	vadd.s32 v10, v16;
	v15 =	vld.idx.msk [tilespmem:v15+s16+$0x0], $0xffff  }
0x302: {  	s17 =	simm.s32 $0x13000;
	v16 =	vor.u32 v28, v16;
	v1 =	vshll.u32 v1, $0x7;
	v3 =	vmul.u32 $0xC00, v3;
	v46 =	vld.idx.msk [tilespmem:v14+s16+$0x0], $0xffff  }
0x303: {  	v24 =	vadd.s32 v10, v24;
	v51 =	vadd.s32 $0x800, v4;
	v4 =	vadd.s32 $0x400, v4;
	v47 =	vld.idx.msk [tilespmem:v35+s17+$0x0], $0xffff  }
0x304: {  	v18 =	vor.u32 v3, v18;
	v14 =	vor.u32 v12, v21;
	v12 =	vadd.s32 $0x2, v22;
	v11 =	vld.idx.msk [tilespmem:v11+s18+$0x0], $0xffff  }
0x305: {  	v20 =	vadd.s32 $0x1, v20;
	v28 =	vadd.s32 $0x2, v25;
	v21 =	vor.u32 v23, v24;
	v24 =	vld.idx.msk [tilespmem:v31+s17+$0x0], $0xffff  }
0x306: {  	v17 =	vor.u32 v29, v17;
	v3 =	vadd.s32 v10, v3;
	v23 =	vor.u32 v10, v30;
	v43 =	vld.idx.msk [tilespmem:v25+s18+$0x0], $0xffff  }
0x307: {  	v23 =	vor.u32 v19, v23;
	v19 =	vadd.s32 v10, v19;
	v45 =	vld.idx.msk [tilespmem:v27+s18+$0x0], $0xffff;
	v31 =	vadd.f32 $9.999999970e-07, v41  }
0x308: {  	v29 =	vadd.s32 v10, v29;
	v19 =	vor.u32 v30, v19;
	v52 =	vld.idx.msk [tilespmem:v51+s16+$0x0], $0xffff;
	v30 =	vadd.f32 $9.999999970e-07, v42  }
0x309: {  	v22 =	vadd.s32 $0x1, v22;
	v3 =	vor.u32 v13, v3;
	v12 =	vld.idx.msk [tilespmem:v12+s18+$0x0], $0xffff;
	(erf) = vrcp.f32 v31  }
0x30a: {  	v25 =	vadd.s32 $0x1, v25;
	v18 =	vld.idx.msk [tilespmem:v18+s16+$0x0], $0xffff;
	(erf) = vrcp.f32 v30;
	v30 =	vadd.s32 $0x2, v27  }
0x30b: {  	v20 =	vld.idx.msk [tilespmem:v20+s18+$0x0], $0xffff;
	v31 =	vand.u32 $0x7F, v26;
	v26 =	vshll.u32 v26, $0x3;
	v48 =	vadd.f32 $9.999999970e-07, v43  }
0x30c: {  	v28 =	vld.idx.msk [tilespmem:v28+s18+$0x0], $0xffff;
	v11 =	vadd.f32 $9.999999970e-07, v11;
	v27 =	vadd.s32 $0x1, v27;
	v50 =	vadd.f32 $9.999999970e-07, v45  }
0x30d: {  	v17 =	vld.idx.msk [tilespmem:v17+s16+$0x0], $0xffff;
	v26 =	vand.u32 $0xFFFFFC00, v26;
	v49 =	vor.u32 v10, v31;
	(erf) = vrcp.f32 v48  }
0x30e: {  	v22 =	vld.idx.msk [tilespmem:v22+s18+$0x0], $0xffff;
	v33 =	vor.u32 v26, v49;
	v12 =	vadd.f32 $9.999999970e-07, v12;
	(erf) = vrcp.f32 v50  }
0x30f: {  	v10 =	vadd.s32 v10, v26;
	(erf) = vrcp.f32 v11;
	v11 =	vadd.s32 $0x800, v14;
	v30 =	vld.idx.msk [tilespmem:v30+s18+$0x0], $0xffff  }
0x310: {  	v25 =	vld.idx.msk [tilespmem:v25+s18+$0x0], $0xffff;
	v20 =	vadd.f32 $9.999999970e-07, v20;
	(erf) = vrcp.f32 v12;
	v12 =	vadd.s32 $0x1000, v21  }
0x311: {  	v28 =	vadd.f32 $9.999999970e-07, v28;
	v10 =	vor.u32 v31, v10;
	v31 =	vadd.s32 $0x800, v3;
	v27 =	vld.idx.msk [tilespmem:v27+s18+$0x0], $0xffff  }
0x312: {  	v0 =	vor.u32 v0, v29;
	v23 =	vld.idx.msk [tilespmem:v23+s17+$0x0], $0xffff;
	(erf) = vrcp.f32 v20;
	v20 =	vadd.s32 $0x1000, v16  }
0x313: {  	v13 =	vadd.f32 $9.999999970e-07, v22;
	v26 =	vld.idx.msk [tilespmem:v33+s17+$0x0], $0xffff;
	(erf) = vrcp.f32 v28;
	v28 =	vadd.s32 $0x1000, v19  }
0x314: {  	v54 =	vadd.s32 $0x800, v10;
	v22 =	vld.idx.msk [tilespmem:v11+s16+$0x0], $0xffff;
	v11 =	vadd.s32 $0x800, v21;
	v21 =	vadd.f32 $9.999999970e-07, v30  }
0x315: {  	v16 =	vadd.s32 $0x800, v16;
	v30 =	vpop (erf);
	(erf) = vrcp.f32 v13;
	v53 =	vld.idx.msk [tilespmem:v12+s17+$0x0], $0xffff;
	v12 =	vadd.f32 $9.999999970e-07, v25  }
0x316: {  	v25 =	vadd.f32 $9.999999970e-07, v27;
	v27 =	vadd.s32 $0x1000, v10;
	v10 =	vmul.f32 v30, v24;
	v30 =	vld.idx.msk [tilespmem:v31+s16+$0x0], $0xffff  }
0x317: {  	v55 =	vadd.s32 $0x400, v3;
	v13 =	vpop (erf);
	v31 =	vadd.s32 $0x400, v0;
	v20 =	vld.idx.msk [tilespmem:v20+s17+$0x0], $0xffff;
	(erf) = vrcp.f32 v21  }
0x318: {  	v0 =	vadd.s32 $0x800, v0;
	v28 =	vld.idx.msk [tilespmem:v28+s17+$0x0], $0xffff;
	v57 =	vsub.f32 v15, v10;
	v21 =	vpop (erf);
	(erf) = vrcp.f32 v12  }
0x319: {  	v12 =	vpop (erf);
	(erf) = vrcp.f32 v25;
	v25 =	vld.idx.msk [tilespmem:v4+s16+$0x0], $0xffff;
	v4 =	vadd.s32 $0x800, v19;
	v19 =	vmul.f32 v13, v47  }
0x31a: {  	v10 =	vor.u32 s24, v63;
	v29 =	vld.idx.msk [tilespmem:v11+s17+$0x0], $0xffff;
	v21 =	vmul.f32 v21, v23;
	v24 =	vmul.f32 v12, v26  }
0x31b: {  	s31 =	sor.u32 $0x10, s24;
	v16 =	vld.idx.msk [tilespmem:v16+s17+$0x0], $0xffff;
	v13 =	vpop (erf);
	v12 =	vimm.f32 $0.0e+00;
	v26 =	vadd.s32 $0x400, v14;
	v14 =	vbroadcast v1, $0x0  }
0x31c: {  	v27 =	vld.idx.msk [tilespmem:v27+s17+$0x0], $0xffff;
	v11 =	vpop (erf);
	v34 =	vmul.f32 v13, v53;
	v13 =	vor.u32 s31, v63;
	v21 =	vsub.f32 v18, v21  }
0x31d: {  	v59 =	vld.idx.msk [tilespmem:v55+s16+$0x0], $0xffff;
	v19 =	vsub.f32 v46, v19;
	v18 =	vshll.u32 v2, $0x3;
	v23 =	vpop (erf);
	v20 =	vmul.f32 v11, v20  }
0x31e: {  	v24 =	vsub.f32 v17, v24;
	v17 =	vor.u32 v14, v7;
	v11 =	vpop (erf);
	v58 =	vsub.f32 v52, v34;
	v56 =	vld.idx.msk [tilespmem:v4+s17+$0x0], $0xffff  }
0x31f: {  	v1 =	vld.idx.msk [tilespmem:v54+s17+$0x0], $0xffff;
	v28 =	vmul.f32 v11, v28;
	v11 =	vor.u32 s30, v63;
	v15 =	vmul.f32 v23, v29;
	v3 =	vpop (erf)  }
0x320: {  	v61 =	vsub.f32 v22, v20;
	v23 =	vld.idx.msk [tilespmem:v26+s16+$0x0], $0xffff;
	v4 =	vor.u32 v14, v11;
	v29 =	vmul.f32 v3, v16;
	v3 =	vpop (erf)  }
0x321: {  	v26 =	vld.idx.msk [tilespmem:v31+s16+$0x0], $0xffff;
	v16 =	vor.u32 v14, v13;
	v32 =	vand.u32 $0x7FFFFFFF, v58;
	v27 =	vmul.f32 v3, v27  }
0x322: {  	v31 =	vld.idx.msk [tilespmem:v0+s16+$0x0], $0xffff;
	v3 =	vor.u32 v14, v10;
	v22 =	vsub.f32 v25, v15;
	v25 =	vsub.f32 v30, v28;
	v0 =	vpop (erf)  }
0x323: {  	v15 =	vand.u32 $0x7F, v2;
	v30 =	vmul.f32 $5.000000000e-01, v57;
	v60 =	vmul.f32 v0, v56;
	v0 =	vpop (erf)  }
0x324: {  	v28 =	vmul.f32 $5.000000000e-01, v19;
	v35 =	vand.u32 $0x7FFFFFFF, v61;
	v20 =	vmul.f32 v0, v1  }
0x325: {  	v62 =	vmul.f32 v30, v57;
	v30 =	vmul.f32 $5.000000000e-01, v61;
	v0 =	vmul.u32 $0xC00, v8  }
0x326: {  	v1 =	vmul.u32 $0xC00, v9;
	v23 =	vsub.f32 v23, v29;
	v2 =	vsub.f32 v26, v20  }
0x327: {  	v20 =	vsub.f32 v31, v27;
	v26 =	vmul.f32 $5.000000000e-01, v24;
	v27 =	vsub.f32 v59, v60  }
0x328: {  	v31 =	vmul.f32 v28, v19;
	v19 =	vand.u32 $0x7FFFFFFF, v19;
	v28 =	vand.u32 $0x7FFFFFFF, v57  }
0x329: {  	v29 =	vmul.f32 $5.000000000e-01, v2;
	v26 =	vmul.f32 v26, v24;
	v24 =	vand.u32 $0x7FFFFFFF, v24  }
0x32a: {  	v57 =	vlaneseq.u32;
	v63 =	vadd.f32 $-5.000000000e-01, v28;
	vm0 =	vle.f32 v24, $1.000000000e+00  }
0x32b: {  	v24 =	vadd.f32 $-5.000000000e-01, v24;
	v29 =	vmul.f32 v29, v2;
	v2 =	vand.u32 $0x7FFFFFFF, v2  }
0x32c: {  	v26 =	vadd.f32 $0.0e+00, v26;
	vm1 =	vle.f32 v2, $1.000000000e+00;
	v2 =	vadd.f32 $-5.000000000e-01, v2  }
0x32d: {  	vm3 =	vle.f32 v19, $1.000000000e+00;
	v19 =	vadd.f32 $-5.000000000e-01, v19;
	v31 =	vadd.f32 $0.0e+00, v31  }
0x32e: {  	v24 =	vsel vm0, v26, v24;
	v26 =	vmul.f32 $5.000000000e-01, v22;
	v2 =	vsel vm1, v29, v2  }
0x32f: {  	v29 =	vmul.f32 $5.000000000e-01, v20;
	vm1 =	vle.f32 v28, $1.000000000e+00;
	v2 =	vadd.f32 v2, v24  }
0x330: {  	v24 =	vmul.f32 $5.000000000e-01, v21;
	v26 =	vmul.f32 v26, v22;
	v22 =	vand.u32 $0x7FFFFFFF, v22  }
0x331: {  	v29 =	vmul.f32 v29, v20;
	vm0 =	vle.f32 v22, $1.000000000e+00;
	v22 =	vadd.f32 $-5.000000000e-01, v22  }
0x332: {  	v20 =	vand.u32 $0x7FFFFFFF, v20;
	v24 =	vmul.f32 v24, v21;
	v21 =	vand.u32 $0x7FFFFFFF, v21  }
0x333: {  	vm2 =	vle.f32 v20, $1.000000000e+00;
	v22 =	vsel vm0, v26, v22;
	v26 =	vmul.f32 $5.000000000e-01, v27  }
0x334: {  	v20 =	vadd.f32 $-5.000000000e-01, v20;
	vm0 =	vle.f32 v21, $1.000000000e+00;
	v21 =	vadd.f32 $-5.000000000e-01, v21  }
0x335: {  	v24 =	vadd.f32 $0.0e+00, v24;
	v26 =	vmul.f32 v26, v27;
	v27 =	vand.u32 $0x7FFFFFFF, v27  }
0x336: {  	v28 =	vsel vm2, v29, v20;
	vm2 =	vle.f32 v27, $1.000000000e+00;
	v27 =	vadd.f32 $-5.000000000e-01, v27  }
0x337: {  	s5 =	sor.u32 s25, s31;
	v20 =	vmul.f32 $5.000000000e-01, v58;
	v28 =	vadd.f32 v28, v2;
	v21 =	vsel vm0, v24, v21  }
0x338: {  	v2 =	vld [tilespmem:s5+$0x14880];
	v24 =	vmul.f32 $5.000000000e-01, v25;
	v26 =	vsel vm2, v26, v27;
	v27 =	vmul.f32 $5.000000000e-01, v23  }
0x339: {  	v31 =	vsel vm3, v31, v19;
	v20 =	vmul.f32 v20, v58;
	v29 =	vadd.f32 v26, v21  }
0x33a: {  	v21 =	vmul.f32 v24, v25;
	v24 =	vand.u32 $0x7FFFFFFF, v25;
	v25 =	vmul.f32 v27, v23  }
0x33b: {  	v23 =	vand.u32 $0x7FFFFFFF, v23;
	vm0 =	vle.f32 v24, $1.000000000e+00;
	v24 =	vadd.f32 $-5.000000000e-01, v24  }
0x33c: {  	v26 =	vmul.f32 v30, v61;
	vm2 =	vle.f32 v23, $1.000000000e+00;
	v23 =	vadd.f32 $-5.000000000e-01, v23  }
0x33d: {  	v27 =	vld [tilespmem:s23+$0x12400];
	v19 =	vmul.u32 $0xC00, v2;
	v30 =	vsel vm0, v21, v24;
	v24 =	vadd.f32 $0.0e+00, v62  }
0x33e: {  	v21 =	vld [tilespmem:s22+$0x12400];
	vm0 =	vle.f32 v32, $1.000000000e+00;
	v33 =	vsel vm2, v25, v23;
	vm2 =	vle.f32 v35, $1.000000000e+00  }
0x33f: {  	s15 =	simm.s32 $0x0;
	s8 =	simm.s32 $0x4;
	s7 =	sor.u32 s24, s25;
	v23 =	vadd.f32 $-5.000000000e-01, v32;
	v25 =	vadd.f32 $-5.000000000e-01, v35;
	v32 =	vsel vm1, v24, v63;
	v24 =	vld [tilespmem:s1+$0x12000]  }
.LBB2_4:
0x340: {  	s8 =	sadd.s32 $0x4, s8;
	v34 =	vld [tilespmem:s7+$0x14880];
	s6 =	sadd.s32 $0x40, s6;
	v28 =	vmul.f32 $3.333333430e-01, v28;
	v29 =	vadd.f32 v30, v29;
	v30 =	vadd.f32 v33, v31  }
0x341: {  	v25 =	vsel vm2, v26, v25;
	v22 =	vadd.f32 v22, v32;
	v20 =	vsel vm0, v20, v23;
	s12 =	sshrl.u32 s8, $0x3;
	s10 =	sand.u32 $0x40, s6;
	p0 =	slt.u32 s8, $0x3C;
	v31 =	vld [tilespmem:s4+$0x12400]  }
0x342: {  	s4 =	smov.u32 s1;
	s11 =	sshll.u32 s12, $0x7;
	s13 =	sor.u32 $0x30, s10;
	v23 =	vld [tilespmem:s5+$0x12000];
	v26 =	vmul.f32 v28, v27;
	v27 =	vmul.f32 $3.333333430e-01, v29;
	v25 =	vadd.f32 v25, v30  }
0x343: {  	v28 =	vmul.u32 $0x3, v9;
	v29 =	vmul.u32 $0x3, v8;
	v9 =	vadd.f32 v20, v22;
	v30 =	vld [tilespmem:s3+$0x12400];
	s3 =	smov.u32 s0;
	s0 =	sor.u32 s11, s13  }
0x344: {  	v20 =	vld [tilespmem:s0+$0x12000];
	v12 =	vadd.f32 v26, v12;
	v21 =	vmul.f32 v27, v21;
	v22 =	vmul.f32 $3.333333430e-01, v25  }
0x345: {  	s14 =	sor.u32 $0x20, s10;
	v27 =	vmul.u32 $0x3, v2;
	v32 =	vand.u32 $0x7F, v24;
	v25 =	vld [tilespmem:s7+$0x12000];
	v26 =	vmul.u32 $0x3, v34  }
0x346: {  	s9 =	sor.u32 $0x10, s10;
	s1 =	sor.u32 s11, s14;
	v8 =	vld [tilespmem:s0+$0x14880];
	v12 =	vadd.f32 v21, v12;
	v21 =	vmul.f32 v22, v31;
	v22 =	vmul.f32 $3.333333430e-01, v9  }
0x347: {  	s2 =	sor.u32 s11, s9;
	v24 =	vshll.u32 v24, $0x3;
	v31 =	vmul.u32 $0xC00, v34;
	v9 =	vld [tilespmem:s1+$0x14880];
	v33 =	vand.u32 $0x7F, v23  }
0x348: {  	v17 =	vor.u32 v0, v17;
	v2 =	vld [tilespmem:s2+$0x14880];
	v12 =	vadd.f32 v21, v12;
	v21 =	vmul.f32 v22, v30  }
0x349: {  	v4 =	vor.u32 v1, v4;
	v30 =	vand.u32 $0xFFFFFC00, v18;
	v18 =	vor.u32 v14, v15;
	v34 =	vld.idx.msk [tilespmem:v29+s18+$0x0], $0xffff  }
0x34a: {  	v22 =	vshll.u32 v23, $0x3;
	v18 =	vor.u32 v30, v18;
	v35 =	vld.idx.msk [tilespmem:v28+s18+$0x0], $0xffff;
	v12 =	vadd.f32 v21, v12  }
0x34b: {  	v16 =	vor.u32 v19, v16;
	v37 =	vand.u32 $0xFFFFFC00, v24;
	v21 =	vor.u32 v14, v32;
	v36 =	vld.idx.msk [tilespmem:v27+s18+$0x0], $0xffff  }
0x34c: {  	v38 =	vand.u32 $0x7F, v25;
	v23 =	vshll.u32 v25, $0x3;
	v24 =	vor.u32 v37, v21;
	v25 =	vld.idx.msk [tilespmem:v26+s18+$0x0], $0xffff  }
0x34d: {  	v3 =	vor.u32 v31, v3;
	v39 =	vand.u32 $0xFFFFFC00, v22;
	v21 =	vor.u32 v14, v33;
	v22 =	vld.idx.msk [tilespmem:v17+s16+$0x0], $0xffff  }
0x34e: {  	v40 =	vor.u32 v39, v21;
	v17 =	vand.u32 $0xFFFFFC00, v23;
	v23 =	vor.u32 v14, v38;
	v21 =	vld.idx.msk [tilespmem:v4+s16+$0x0], $0xffff  }
0x34f: {  	v4 =	vor.u32 s10, v57;
	v41 =	vor.u32 v17, v23;
	v18 =	vld.idx.msk [tilespmem:v18+s17+$0x0], $0xffff  }
0x350: {  	v42 =	vmov s12;
	v43 =	vor.u32 s13, v57;
	v23 =	vld.idx.msk [tilespmem:v16+s16+$0x0], $0xffff;
	v16 =	vadd.s32 $0x2, v29  }
0x351: {  	v42 =	vshll.u32 v42, $0x7;
	v44 =	vor.u32 s14, v57;
	v46 =	vadd.s32 $0x2, v28;
	v45 =	vld.idx.msk [tilespmem:v24+s17+$0x0], $0xffff  }
0x352: {  	v1 =	vadd.s32 v14, v1;
	v0 =	vadd.s32 v14, v0;
	v24 =	vld.idx.msk [tilespmem:v3+s16+$0x0], $0xffff;
	v3 =	vadd.s32 $0x1, v29  }
0x353: {  	v19 =	vadd.s32 v14, v19;
	v30 =	vadd.s32 v14, v30;
	v29 =	vld.idx.msk [tilespmem:v40+s17+$0x0], $0xffff;
	v40 =	vadd.s32 $0x2, v27  }
0x354: {  	v31 =	vadd.s32 v14, v31;
	v28 =	vadd.s32 $0x1, v28;
	v37 =	vadd.s32 v14, v37;
	v41 =	vld.idx.msk [tilespmem:v41+s17+$0x0], $0xffff  }
0x355: {  	v47 =	vadd.s32 $0x2, v26;
	v17 =	vadd.s32 v14, v17;
	v14 =	vadd.s32 v14, v39;
	v16 =	vld.idx.msk [tilespmem:v16+s18+$0x0], $0xffff  }
0x356: {  	v0 =	vor.u32 v7, v0;
	v7 =	vmovc v43;
	v26 =	vadd.s32 $0x1, v26;
	v27 =	vadd.s32 $0x1, v27;
	v39 =	vld.idx.msk [tilespmem:v46+s18+$0x0], $0xffff  }
0x357: {  	v19 =	vor.u32 v13, v19;
	v1 =	vor.u32 v11, v1;
	v13 =	vor.u32 v15, v30;
	v3 =	vld.idx.msk [tilespmem:v3+s18+$0x0], $0xffff  }
0x358: {  	v15 =	vor.u32 v10, v31;
	v31 =	vor.u32 v32, v37;
	v32 =	vadd.s32 $0x800, v0;
	v10 =	vmovc v4;
	v30 =	vld.idx.msk [tilespmem:v40+s18+$0x0], $0xffff  }
0x359: {  	v11 =	vmovc v44;
	v4 =	vor.u32 v33, v14;
	v33 =	vadd.f32 $9.999999970e-07, v34;
	v14 =	vld.idx.msk [tilespmem:v28+s18+$0x0], $0xffff;
	v28 =	vadd.s32 $0x800, v1  }
0x35a: {  	v0 =	vadd.s32 $0x400, v0;
	v17 =	vor.u32 v38, v17;
	v35 =	vadd.f32 $9.999999970e-07, v35;
	v34 =	vld.idx.msk [tilespmem:v47+s18+$0x0], $0xffff  }
0x35b: {  	v37 =	vadd.s32 $0x1000, v13;
	v36 =	vadd.f32 $9.999999970e-07, v36;
	v27 =	vld.idx.msk [tilespmem:v27+s18+$0x0], $0xffff;
	(erf) = vrcp.f32 v33  }
0x35c: {  	v25 =	vadd.f32 $9.999999970e-07, v25;
	v33 =	vadd.s32 $0x800, v19;
	v26 =	vld.idx.msk [tilespmem:v26+s18+$0x0], $0xffff;
	(erf) = vrcp.f32 v35  }
0x35d: {  	v1 =	vadd.s32 $0x400, v1;
	v16 =	vadd.f32 $9.999999970e-07, v16;
	v32 =	vld.idx.msk [tilespmem:v32+s16+$0x0], $0xffff;
	(erf) = vrcp.f32 v36  }
0x35e: {  	v35 =	vadd.s32 $0x1000, v31;
	v36 =	vadd.f32 $9.999999970e-07, v39;
	v28 =	vld.idx.msk [tilespmem:v28+s16+$0x0], $0xffff;
	(erf) = vrcp.f32 v25  }
0x35f: {  	v3 =	vadd.f32 $9.999999970e-07, v3;
	v25 =	vld.idx.msk [tilespmem:v0+s16+$0x0], $0xffff;
	v0 =	vadd.s32 $0x800, v13;
	(erf) = vrcp.f32 v16  }
0x360: {  	v13 =	vadd.s32 $0x800, v15;
	v16 =	vadd.f32 $9.999999970e-07, v30;
	v30 =	vld.idx.msk [tilespmem:v37+s17+$0x0], $0xffff;
	(erf) = vrcp.f32 v36  }
0x361: {  	v14 =	vadd.f32 $9.999999970e-07, v14;
	v36 =	vadd.s32 $0x1000, v4;
	v33 =	vld.idx.msk [tilespmem:v33+s16+$0x0], $0xffff;
	(erf) = vrcp.f32 v3  }
0x362: {  	v3 =	vadd.f32 $9.999999970e-07, v34;
	v34 =	vld.idx.msk [tilespmem:v1+s16+$0x0], $0xffff;
	v1 =	vadd.s32 $0x800, v31;
	(erf) = vrcp.f32 v16  }
0x363: {  	v31 =	vadd.s32 $0x1000, v17;
	v16 =	vadd.f32 $9.999999970e-07, v27;
	v27 =	vld.idx.msk [tilespmem:v35+s17+$0x0], $0xffff;
	(erf) = vrcp.f32 v14  }
0x364: {  	v43 =	vadd.f32 $9.999999970e-07, v26;
	v35 =	vadd.s32 $0x800, v4;
	v37 =	vld.idx.msk [tilespmem:v0+s17+$0x0], $0xffff;
	(erf) = vrcp.f32 v3;
	v38 =	vpop (erf)  }
0x365: {  	v39 =	vadd.s32 $0x800, v17;
	v14 =	vbroadcast v42, $0x0;
	v40 =	vld.idx.msk [tilespmem:v13+s16+$0x0], $0xffff;
	(erf) = vrcp.f32 v16;
	v42 =	vpop (erf)  }
0x366: {  	v19 =	vadd.s32 $0x400, v19;
	v13 =	vor.u32 s9, v57;
	v36 =	vld.idx.msk [tilespmem:v36+s17+$0x0], $0xffff;
	(erf) = vrcp.f32 v43;
	v26 =	vpop (erf)  }
0x367: {  	v4 =	vor.u32 v14, v11;
	v17 =	vor.u32 v14, v7;
	v43 =	vadd.s32 $0x400, v15;
	v44 =	vld.idx.msk [tilespmem:v1+s17+$0x0], $0xffff;
	v46 =	vpop (erf)  }
0x368: {  	v0 =	vmul.u32 $0xC00, v8;
	v3 =	vor.u32 v14, v10;
	v16 =	vor.u32 v14, v13;
	v31 =	vld.idx.msk [tilespmem:v31+s17+$0x0], $0xffff;
	v47 =	vpop (erf)  }
0x369: {  	v38 =	vmul.f32 v38, v18;
	v42 =	vmul.f32 v42, v45;
	v1 =	vmul.u32 $0xC00, v9;
	v35 =	vld.idx.msk [tilespmem:v35+s17+$0x0], $0xffff;
	v45 =	vpop (erf)  }
0x36a: {  	v15 =	vand.u32 $0x7F, v20;
	v26 =	vmul.f32 v26, v29;
	v41 =	vmul.f32 v46, v41;
	v39 =	vld.idx.msk [tilespmem:v39+s17+$0x0], $0xffff;
	v29 =	vpop (erf)  }
0x36b: {  	v18 =	vshll.u32 v20, $0x3;
	v20 =	vld.idx.msk [tilespmem:v19+s16+$0x0], $0xffff;
	v19 =	vmul.f32 v45, v27;
	v27 =	vmul.f32 v47, v30;
	v30 =	vpop (erf)  }
0x36c: {  	v22 =	vsub.f32 v22, v38;
	v29 =	vmul.f32 v29, v37;
	v43 =	vld.idx.msk [tilespmem:v43+s16+$0x0], $0xffff;
	v30 =	vmul.f32 v30, v36;
	v36 =	vpop (erf)  }
0x36d: {  	v21 =	vsub.f32 v21, v42;
	v26 =	vsub.f32 v23, v26;
	v23 =	vmul.f32 v36, v44;
	v36 =	vpop (erf)  }
0x36e: {  	v24 =	vsub.f32 v24, v41;
	v27 =	vsub.f32 v32, v27;
	v31 =	vmul.f32 v36, v31;
	v32 =	vpop (erf)  }
0x36f: {  	v28 =	vsub.f32 v28, v19;
	v29 =	vsub.f32 v25, v29;
	v32 =	vmul.f32 v32, v35;
	v19 =	vpop (erf)  }
0x370: {  	v30 =	vsub.f32 v33, v30;
	v33 =	vsub.f32 v34, v23;
	v25 =	vmul.f32 v19, v39  }
0x371: {  	v19 =	vmul.u32 $0xC00, v2;
	v31 =	vsub.f32 v40, v31;
	v32 =	vsub.f32 v20, v32  }
0x372: {  	v23 =	vand.u32 $0x7FFFFFFF, v22;
	v20 =	vand.u32 $0x7FFFFFFF, v21;
	v34 =	vsub.f32 v43, v25  }
0x373: {  	v36 =	vmul.f32 $5.000000000e-01, v22;
	v35 =	vmul.f32 $5.000000000e-01, v21;
	v25 =	vand.u32 $0x7FFFFFFF, v26  }
0x374: {  	v37 =	vand.u32 $0x7FFFFFFF, v24;
	v38 =	vmul.f32 $5.000000000e-01, v24;
	v39 =	vmul.f32 $5.000000000e-01, v26  }
0x375: {  	vm1 =	vle.f32 v23, $1.000000000e+00;
	v40 =	vadd.f32 $-5.000000000e-01, v23;
	v23 =	vand.u32 $0x7FFFFFFF, v27  }
0x376: {  	v41 =	vand.u32 $0x7FFFFFFF, v28;
	v42 =	vmul.f32 $5.000000000e-01, v27;
	vm3 =	vle.f32 v20, $1.000000000e+00  }
0x377: {  	v44 =	vand.u32 $0x7FFFFFFF, v29;
	v43 =	vadd.f32 $-5.000000000e-01, v20;
	v20 =	vmul.f32 $5.000000000e-01, v28  }
0x378: {  	v46 =	vmul.f32 $5.000000000e-01, v29;
	v45 =	vand.u32 $0x7FFFFFFF, v30;
	vm4 =	vle.f32 v25, $1.000000000e+00  }
0x379: {  	v48 =	vmul.f32 $5.000000000e-01, v30;
	v49 =	vand.u32 $0x7FFFFFFF, v33;
	v47 =	vadd.f32 $-5.000000000e-01, v25  }
0x37a: {  	vm5 =	vle.f32 v37, $1.000000000e+00;
	v51 =	vmul.f32 $5.000000000e-01, v33;
	v50 =	vand.u32 $0x7FFFFFFF, v31  }
0x37b: {  	v37 =	vadd.f32 $-5.000000000e-01, v37;
	v52 =	vmul.f32 $5.000000000e-01, v31;
	v53 =	vand.u32 $0x7FFFFFFF, v32  }
0x37c: {  	v56 =	vmul.f32 $5.000000000e-01, v32;
	v54 =	vand.u32 $0x7FFFFFFF, v34;
	v55 =	vmul.f32 $5.000000000e-01, v34  }
0x37d: {  	vm2 =	vle.f32 v41, $1.000000000e+00;
	vm0 =	vle.f32 v23, $1.000000000e+00;
	v23 =	vadd.f32 $-5.000000000e-01, v23  }
0x37e: {  	vm8 =	vle.f32 v44, $1.000000000e+00;
	v25 =	vadd.f32 $-5.000000000e-01, v41;
	v41 =	vadd.f32 $-5.000000000e-01, v44  }
0x37f: {  	vm7 =	vle.f32 v45, $1.000000000e+00;
	vm6 =	vle.f32 v49, $1.000000000e+00;
	v44 =	vadd.f32 $-5.000000000e-01, v45  }
0x380: {  	v22 =	vmul.f32 v36, v22;
	vm9 =	vle.f32 v50, $1.000000000e+00;
	v45 =	vadd.f32 $-5.000000000e-01, v49  }
0x381: {  	v21 =	vmul.f32 v35, v21;
	v36 =	vadd.f32 $-5.000000000e-01, v50;
	vm10 =	vle.f32 v53, $1.000000000e+00  }
0x382: {  	v24 =	vmul.f32 v38, v24;
	v35 =	vmul.f32 v39, v26;
	v38 =	vadd.f32 $-5.000000000e-01, v53  }
0x383: {  	v26 =	vmul.f32 v20, v28;
	v20 =	vmul.f32 v42, v27;
	vm11 =	vle.f32 v54, $1.000000000e+00  }
0x384: {  	v30 =	vmul.f32 v48, v30;
	v28 =	vmul.f32 v46, v29;
	v27 =	vadd.f32 $-5.000000000e-01, v54  }
0x385: {  	v24 =	vadd.f32 $0.0e+00, v24;
	v33 =	vmul.f32 v51, v33;
	v29 =	vmul.f32 v55, v34  }
0x386: {  	v31 =	vmul.f32 v52, v31;
	v32 =	vmul.f32 v56, v32;
	v34 =	vadd.f32 $0.0e+00, v22  }
.Ltmp1:
0x387: {  	v22 =	vsel vm5, v24, v37;
	v24 =	vsel vm11, v29, v27;
	v29 =	vadd.f32 $0.0e+00, v35;
	(pc) =	sbr.rel @p0 .LBB2_4-.Ltmp1, $4  }
0x388: {  	v35 =	vadd.f32 $0.0e+00, v21;
	v24 =	vadd.f32 v24, v22;
	v22 =	vsel vm8, v28, v41  }
0x389: {  	v21 =	vsel vm9, v31, v36;
	v31 =	vsel vm10, v32, v38;
	v29 =	vsel vm4, v29, v47;
	v27 =	vld [tilespmem:s7+$0x12400]  }
0x38a: {  	v30 =	vsel vm7, v30, v44;
	v28 =	vadd.f32 v21, v24;
	v29 =	vadd.f32 v31, v29;
	v21 =	vld [tilespmem:s5+$0x12400];
	s5 =	smov.u32 s2  }
0x38b: {  	v33 =	vsel vm6, v33, v45;
	v32 =	vsel vm1, v34, v40;
	v31 =	vsel vm3, v35, v43;
	s7 =	sor.u32 s10, s11;
	v24 =	vld [tilespmem:s1+$0x12000]  }
0x38c: {  	v8 =	vmul.u32 $0x3, v8  }
0x38d: {  	v28 =	vmul.f32 $3.333333430e-01, v28;
	v29 =	vadd.f32 v30, v29;
	v9 =	vmul.u32 $0x3, v9  }
0x38e: {  	v63 =	vadd.f32 v33, v31;
	v25 =	vsel vm2, v26, v25;
	v26 =	vmul.u32 $0x3, v2  }
0x38f: {  	v22 =	vadd.f32 v22, v32;
	v20 =	vsel vm0, v20, v23;
	v17 =	vor.u32 v0, v17  }
0x390: {  	v4 =	vor.u32 v1, v4;
	v18 =	vand.u32 $0xFFFFFC00, v18;
	v36 =	vor.u32 v14, v15  }
0x391: {  	v16 =	vor.u32 v19, v16;
	v57 =	vadd.s32 v14, v1;
	v58 =	vadd.s32 v14, v0  }
0x392: {  	v59 =	vadd.s32 v14, v19;
	v36 =	vor.u32 v18, v36;
	v18 =	vadd.s32 v14, v18  }
0x393: {  	v0 =	vor.u32 v7, v58;
	v7 =	vor.u32 v13, v59;
	v1 =	vor.u32 v11, v57  }
0x394: {  	v34 =	vld [tilespmem:s7+$0x14880];
	v27 =	vmul.f32 v28, v27;
	v48 =	vmul.f32 $3.333333430e-01, v29;
	v25 =	vadd.f32 v25, v63  }
0x395: {  	v35 =	vld [tilespmem:s5+$0x12000];
	v20 =	vadd.f32 v20, v22;
	v55 =	vadd.s32 $0x2, v8;
	v56 =	vadd.s32 $0x2, v9  }
0x396: {  	v49 =	vld [tilespmem:s7+$0x12000];
	v60 =	vadd.s32 $0x2, v26;
	v45 =	vadd.s32 $0x1, v26;
	v50 =	vand.u32 $0x7F, v24  }
0x397: {  	v53 =	vshll.u32 v24, $0x3;
	v12 =	vadd.f32 v27, v12;
	v21 =	vmul.f32 v48, v21  }
0x398: {  	v48 =	vadd.s32 $0x800, v0;
	v0 =	vadd.s32 $0x400, v0;
	v25 =	vmul.f32 $3.333333430e-01, v25  }
0x399: {  	v2 =	vld [tilespmem:s4+$0x12400];
	v20 =	vmul.f32 $3.333333430e-01, v20;
	v23 =	vmul.u32 $0x3, v34;
	v51 =	vmul.u32 $0xC00, v34  }
0x39a: {  	v32 =	vld [tilespmem:s3+$0x12400];
	v52 =	vand.u32 $0x7F, v35;
	v35 =	vshll.u32 v35, $0x3;
	v24 =	vand.u32 $0xFFFFFC00, v53  }
0x39b: {  	v40 =	vor.u32 v14, v50;
	v41 =	vand.u32 $0x7F, v49;
	v29 =	vshll.u32 v49, $0x3;
	v17 =	vld.idx.msk [tilespmem:v17+s16+$0x0], $0xffff  }
0x39c: {  	v4 =	vld.idx.msk [tilespmem:v4+s16+$0x0], $0xffff;
	v40 =	vor.u32 v24, v40;
	v35 =	vand.u32 $0xFFFFFC00, v35;
	v43 =	vor.u32 v14, v52  }
0x39d: {  	v37 =	vld.idx.msk [tilespmem:v8+s18+$0x0], $0xffff;
	v29 =	vand.u32 $0xFFFFFC00, v29;
	v44 =	vor.u32 v14, v41;
	v8 =	vadd.s32 $0x1, v8  }
0x39e: {  	v38 =	vld.idx.msk [tilespmem:v9+s18+$0x0], $0xffff;
	v24 =	vadd.s32 v14, v24;
	v9 =	vadd.s32 $0x1, v9;
	v12 =	vadd.f32 v21, v12  }
0x39f: {  	v39 =	vld.idx.msk [tilespmem:v26+s18+$0x0], $0xffff;
	v2 =	vmul.f32 v25, v2;
	v20 =	vmul.f32 v20, v32;
	v3 =	vor.u32 v51, v3  }
0x3a0: {  	v43 =	vor.u32 v35, v43;
	v54 =	vor.u32 v29, v44;
	v33 =	vadd.s32 v14, v51;
	v63 =	vld.idx.msk [tilespmem:v55+s18+$0x0], $0xffff  }
0x3a1: {  	v29 =	vadd.s32 v14, v29;
	v61 =	vadd.s32 v14, v35;
	v62 =	vadd.s32 $0x2, v23;
	v46 =	vld.idx.msk [tilespmem:v56+s18+$0x0], $0xffff  }
0x3a2: {  	v44 =	vor.u32 v15, v18;
	v24 =	vor.u32 v50, v24;
	v42 =	vld.idx.msk [tilespmem:v23+s18+$0x0], $0xffff;
	v49 =	vadd.f32 $9.999999970e-07, v37  }
0x3a3: {  	v47 =	vld.idx.msk [tilespmem:v60+s18+$0x0], $0xffff;
	v50 =	vadd.s32 $0x800, v1;
	v55 =	vadd.s32 $0x800, v7;
	v51 =	vadd.f32 $9.999999970e-07, v38  }
0x3a4: {  	v15 =	vld.idx.msk [tilespmem:v45+s18+$0x0], $0xffff;
	v1 =	vadd.s32 $0x400, v1;
	v14 =	vor.u32 v52, v61;
	(erf) = vrcp.f32 v49  }
0x3a5: {  	v23 =	vadd.s32 $0x1, v23;
	v8 =	vld.idx.msk [tilespmem:v8+s18+$0x0], $0xffff;
	v52 =	vadd.f32 $9.999999970e-07, v39;
	(erf) = vrcp.f32 v51  }
0x3a6: {  	v7 =	vadd.s32 $0x400, v7;
	v10 =	vor.u32 v10, v33;
	v29 =	vor.u32 v41, v29;
	v9 =	vld.idx.msk [tilespmem:v9+s18+$0x0], $0xffff  }
0x3a7: {  	v53 =	vadd.s32 $0x1000, v44;
	v22 =	vld.idx.msk [tilespmem:v54+s17+$0x0], $0xffff;
	(erf) = vrcp.f32 v52;
	v54 =	vadd.f32 $9.999999970e-07, v42  }
0x3a8: {  	v56 =	vadd.s32 $0x1000, v24;
	v11 =	vadd.s32 $0x800, v44;
	v13 =	vld.idx.msk [tilespmem:v62+s18+$0x0], $0xffff;
	v19 =	vadd.f32 $9.999999970e-07, v63  }
0x3a9: {  	v2 =	vadd.f32 v2, v12;
	v28 =	vld.idx.msk [tilespmem:v40+s17+$0x0], $0xffff;
	v18 =	vadd.f32 $9.999999970e-07, v46;
	(erf) = vrcp.f32 v54  }
0x3aa: {  	v58 =	vadd.s32 $0x800, v10;
	v23 =	vld.idx.msk [tilespmem:v23+s18+$0x0], $0xffff;
	v8 =	vadd.f32 $9.999999970e-07, v8;
	(erf) = vrcp.f32 v19  }
0x3ab: {  	v30 =	vld.idx.msk [tilespmem:v36+s17+$0x0], $0xffff;
	v61 =	vadd.s32 $0x1000, v14;
	v57 =	vadd.f32 $9.999999970e-07, v47;
	(erf) = vrcp.f32 v18  }
0x3ac: {  	v14 =	vadd.s32 $0x800, v14;
	v43 =	vld.idx.msk [tilespmem:v43+s17+$0x0], $0xffff;
	v9 =	vadd.f32 $9.999999970e-07, v9;
	(erf) = vrcp.f32 v8  }
0x3ad: {  	v16 =	vld.idx.msk [tilespmem:v16+s16+$0x0], $0xffff;
	v10 =	vadd.s32 $0x400, v10;
	v13 =	vadd.f32 $9.999999970e-07, v13;
	(erf) = vrcp.f32 v57;
	v35 =	vpop (erf)  }
0x3ae: {  	v27 =	vld.idx.msk [tilespmem:v48+s16+$0x0], $0xffff;
	v2 =	vadd.f32 v20, v2;
	v15 =	vadd.f32 $9.999999970e-07, v15;
	(erf) = vrcp.f32 v9;
	v36 =	vpop (erf)  }
0x3af: {  	v3 =	vld.idx.msk [tilespmem:v3+s16+$0x0], $0xffff;
	v23 =	vadd.f32 $9.999999970e-07, v23;
	(erf) = vrcp.f32 v13;
	v41 =	vmul.f32 v36, v28  }
0x3b0: {  	v62 =	vadd.s32 $0x800, v24;
	v59 =	vld.idx.msk [tilespmem:v53+s17+$0x0], $0xffff;
	v37 =	vpop (erf);
	v13 =	vmul.f32 v35, v30;
	(erf) = vrcp.f32 v15  }
0x3b1: {  	v34 =	vld.idx.msk [tilespmem:v56+s17+$0x0], $0xffff;
	(erf) = vrcp.f32 v23;
	v23 =	vmul.f32 v37, v43;
	v4 =	vsub.f32 v4, v41  }
0x3b2: {  	v33 =	vld.idx.msk [tilespmem:v50+s16+$0x0], $0xffff;
	v63 =	vadd.s32 $0x1000, v29;
	v29 =	vadd.s32 $0x800, v29;
	v13 =	vsub.f32 v17, v13;
	v39 =	vpop (erf)  }
0x3b3: {  	v11 =	vld.idx.msk [tilespmem:v11+s17+$0x0], $0xffff;
	v22 =	vmul.f32 v39, v22;
	v16 =	vsub.f32 v16, v23;
	v53 =	vand.u32 $0x7FFFFFFF, v4  }
0x3b4: {  	v38 =	vld.idx.msk [tilespmem:v61+s17+$0x0], $0xffff;
	v40 =	vpop (erf);
	v54 =	vand.u32 $0x7FFFFFFF, v13;
	v56 =	vmul.f32 $5.000000000e-01, v4;
	v57 =	vmul.f32 $5.000000000e-01, v13  }
0x3b5: {  	v0 =	vld.idx.msk [tilespmem:v0+s16+$0x0], $0xffff;
	v42 =	vpop (erf);
	v46 =	vmul.f32 v40, v59;
	vm14 =	vle.f32 v54, $1.000000000e+00;
	v12 =	vadd.f32 $-5.000000000e-01, v54  }
0x3b6: {  	v19 =	vld.idx.msk [tilespmem:v62+s17+$0x0], $0xffff;
	vm1 =	vle.f32 v53, $1.000000000e+00;
	v15 =	vmul.f32 v42, v34;
	v3 =	vsub.f32 v3, v22  }
0x3b7: {  	v60 =	vld.idx.msk [tilespmem:v55+s16+$0x0], $0xffff;
	v44 =	vpop (erf);
	v55 =	vand.u32 $0x7FFFFFFF, v16;
	v13 =	vmul.f32 v57, v13;
	v4 =	vmul.f32 v56, v4  }
0x3b8: {  	v9 =	vld.idx.msk [tilespmem:v63+s17+$0x0], $0xffff;
	v47 =	vpop (erf);
	v11 =	vmul.f32 v44, v11;
	v17 =	vsub.f32 v27, v46;
	vm15 =	vle.f32 v55, $1.000000000e+00  }
0x3b9: {  	v18 =	vld.idx.msk [tilespmem:v58+s16+$0x0], $0xffff;
	v21 =	vmul.f32 v47, v38;
	v15 =	vsub.f32 v33, v15;
	v58 =	vand.u32 $0x7FFFFFFF, v3  }
0x3ba: {  	v1 =	vld.idx.msk [tilespmem:v1+s16+$0x0], $0xffff;
	v48 =	vpop (erf);
	v59 =	vmul.f32 $5.000000000e-01, v3;
	v13 =	vadd.f32 $0.0e+00, v13;
	v4 =	vadd.f32 $0.0e+00, v4  }
0x3bb: {  	v14 =	vld.idx.msk [tilespmem:v14+s17+$0x0], $0xffff;
	v49 =	vmul.f32 v48, v19;
	v0 =	vsub.f32 v0, v11;
	v61 =	vand.u32 $0x7FFFFFFF, v17  }
0x3bc: {  	v50 =	vpop (erf);
	v63 =	vmul.f32 $5.000000000e-01, v17;
	vm5 =	vle.f32 v58, $1.000000000e+00;
	v20 =	vadd.f32 $-5.000000000e-01, v58  }
0x3bd: {  	v45 =	vld.idx.msk [tilespmem:v29+s17+$0x0], $0xffff;
	v9 =	vmul.f32 v50, v9;
	v8 =	vsub.f32 v60, v21;
	v60 =	vmul.f32 $5.000000000e-01, v16  }
0x3be: {  	v62 =	vand.u32 $0x7FFFFFFF, v15;
	v40 =	vmul.f32 $5.000000000e-01, v15;
	vm3 =	vle.f32 v61, $1.000000000e+00  }
0x3bf: {  	v51 =	vpop (erf);
	v23 =	vadd.f32 $-5.000000000e-01, v61;
	v3 =	vmul.f32 v59, v3;
	v58 =	vsel vm14, v13, v12  }
0x3c0: {  	v7 =	vld.idx.msk [tilespmem:v7+s16+$0x0], $0xffff;
	v14 =	vmul.f32 v51, v14;
	v1 =	vsub.f32 v1, v49;
	v41 =	vand.u32 $0x7FFFFFFF, v0  }
0x3c1: {  	v52 =	vpop (erf);
	v43 =	vmul.f32 $5.000000000e-01, v0;
	vm4 =	vle.f32 v62, $1.000000000e+00;
	v24 =	vadd.f32 $-5.000000000e-01, v62  }
0x3c2: {  	v10 =	vld.idx.msk [tilespmem:v10+s16+$0x0], $0xffff;
	v17 =	vmul.f32 v63, v17;
	v11 =	vmul.f32 v52, v45;
	v9 =	vsub.f32 v18, v9  }
0x3c3: {  	v42 =	vand.u32 $0x7FFFFFFF, v8;
	v44 =	vmul.f32 $5.000000000e-01, v8;
	vm8 =	vle.f32 v41, $1.000000000e+00  }
0x3c4: {  	v27 =	vadd.f32 $-5.000000000e-01, v41;
	v16 =	vmul.f32 v60, v16;
	v3 =	vadd.f32 $0.0e+00, v3  }
0x3c5: {  	v15 =	vmul.f32 v40, v15;
	v7 =	vsub.f32 v7, v14;
	v14 =	vadd.f32 $-5.000000000e-01, v55  }
0x3c6: {  	v45 =	vand.u32 $0x7FFFFFFF, v1;
	v47 =	vmul.f32 $5.000000000e-01, v1;
	vm7 =	vle.f32 v42, $1.000000000e+00  }
0x3c7: {  	v28 =	vadd.f32 $-5.000000000e-01, v42;
	v0 =	vmul.f32 v43, v0;
	v10 =	vsub.f32 v10, v11  }
0x3c8: {  	v11 =	vadd.f32 $-5.000000000e-01, v53;
	v46 =	vand.u32 $0x7FFFFFFF, v9;
	v48 =	vmul.f32 $5.000000000e-01, v9  }
0x3c9: {  	vm6 =	vle.f32 v45, $1.000000000e+00;
	v31 =	vadd.f32 $-5.000000000e-01, v45;
	v8 =	vmul.f32 v44, v8  }
0x3ca: {  	v3 =	vsel vm5, v3, v20;
	v16 =	vadd.f32 $0.0e+00, v16;
	v51 =	vmul.f32 $5.000000000e-01, v10  }
0x3cb: {  	v49 =	vand.u32 $0x7FFFFFFF, v7;
	v52 =	vmul.f32 $5.000000000e-01, v7;
	v50 =	vand.u32 $0x7FFFFFFF, v10  }
0x3cc: {  	vm9 =	vle.f32 v46, $1.000000000e+00;
	v55 =	vadd.f32 $-5.000000000e-01, v50;
	v10 =	vmul.f32 v51, v10  }
0x3cd: {  	v53 =	vadd.f32 $-5.000000000e-01, v46;
	v54 =	vadd.f32 $-5.000000000e-01, v49;
	vm11 =	vle.f32 v50, $1.000000000e+00  }
0x3ce: {  	v9 =	vmul.f32 v48, v9;
	v7 =	vmul.f32 v52, v7;
	v10 =	vsel vm11, v10, v55  }
0x3cf: {  	v1 =	vmul.f32 v47, v1;
	vm10 =	vle.f32 v49, $1.000000000e+00;
	v3 =	vadd.f32 v10, v3  }
0x3d0: {  	v56 =	vld [tilespmem:s7+$0x12400];
	v14 =	vsel vm15, v16, v14;
	v9 =	vsel vm9, v9, v53;
	v7 =	vsel vm10, v7, v54  }
0x3d1: {  	v0 =	vsel vm8, v0, v27;
	v7 =	vadd.f32 v7, v14;
	v3 =	vadd.f32 v9, v3  }
0x3d2: {  	v57 =	vld [tilespmem:s5+$0x12400];
	v8 =	vsel vm7, v8, v28;
	v4 =	vsel vm1, v4, v11;
	v1 =	vsel vm6, v1, v31  }
0x3d3: {  	v1 =	vadd.f32 v1, v4;
	v7 =	vadd.f32 v8, v7;
	v3 =	vmul.f32 $3.333333430e-01, v3  }
0x3d4: {  	v59 =	vld [tilespmem:s1+$0x12400];
	v61 =	vsel vm3, v17, v23;
	v60 =	vsel vm4, v15, v24;
	v0 =	vadd.f32 v0, v58  }
0x3d5: {  	v1 =	vadd.f32 v60, v1;
	v7 =	vmul.f32 $3.333333430e-01, v7;
	v3 =	vmul.f32 v3, v56  }
0x3d6: {  	v62 =	vld [tilespmem:s0+$0x12400];
	v0 =	vadd.f32 v61, v0  }
0x3d7: {  	v1 =	vmul.f32 $3.333333430e-01, v1;
	v63 =	vmul.f32 v7, v57;
	v2 =	vadd.f32 v3, v2;
	_ =	sdelay $0x1  }
0x3d8: {  	v0 =	vmul.f32 $3.333333430e-01, v0;
	v1 =	vmul.f32 v1, v59;
	v2 =	vadd.f32 v63, v2;
	_ =	sdelay $0x1  }
0x3d9: {  	v0 =	vmul.f32 v0, v62;
	v1 =	vadd.f32 v1, v2;
	_ =	sdelay $0x1  }
0x3da: {  	[tilespmem:$0x14C80] =	vst v6;
	v0 =	vadd.f32 v0, v1  }
0x3db: {  	[tilespmem:$0x14CA0] =	vst v5  }
0x3dc: {  	s26 =	rddreg [dreg:$0x16];
	s28 =	simm.s32 $0x14C80;
	s30 =	simm.s32 $0x4;
	[tilespmem:$0x14C90] =	vst v0  }
0x3dd: {  	[hbm4b:s26+s15] =	stream.linear.scatter [tilespmem:s28], [sflag:$0x4], $0x30, $0x38;
	[tilespmem:$0x14D00] =	vst v63  }
0x3de: {  	_ =	swait.ge [sflag:s30], $0x30  }
0x3df: {  	s2 =	rddreg [dreg:$0x18]  }
0x3e0: {  	s31 =	rddreg [dreg:$0x17];
	s2 =	sadd.s32 $0x1, s2  }
0x3e1: {  	p0 =	sne.s32 s2, s31  }
.Ltmp2:
0x3e2: {  	_ = 	snop;
	(pc) =	sbr.rel @p0 .LBB2_1-.Ltmp2, $3  }
0x3e3: {  	_ =	sdelay $0x1  }
0x3e4: {  	[sflag:s30] =	ssyncset.done $0x0  }
0x3e5: {  	[sflag:s30] =	ssyncadd.s32 $0xFFFFFFD0  }
0x3e6: {  	_ =	sfence.sel $0x180000  }
0x3e7: {  	[bflag:$0x0] =	sbarrier.arrive $0xFFFF  }
0x3e8: {  	_ =	strace $0x90000047  }
0x3e9: {  	s0 =	stileid.u32;
	[bflag:$0x2] =	sbarrier.arrive $0xFFFF  }
0x3ea: {  	p0 =	sne.s32 s0, $0x0;
	s0 =	rddreg [dreg:$0x7]  }
0x3eb: {  	s0 =	sadd.s32 @!p0 $0x100000, s0  }
0x3ec: {  	[sflag:s0] =	ssyncadd.tile.s32 @!p0 $0x1;
	_ =	shalt  }
.Lfunc_end2:
_tile_overlayer_lowered:
.L_overlay_start_2:
0x3ed: {  	(tag) =	ssettag $0x2  }
0x3ee: {  	s0 =	rddreg [dreg:$0x0];
	s2 =	stileid.u32  }
0x3ef: {  	s1 =	rddreg [dreg:$0x1];
	p0 =	sne.s32 s2, $0x0  }
0x3f0: {  	s3 =	rddreg [dreg:$0x2];
	[bflag:$0x3] =	sbarrier.arrive $0xFFFF;
	s2 =	simm.s32 @!p0 $0x1C04  }
0x3f1: {  	[timem:s3], [sflag:s2] =	dma.local @!p0 [hbm:s0], s1  }
0x3f2: {  	s0 =	simm.s32 @!p0 $0x4  }
0x3f3: {  	_ =	swait.ge @!p0 [sflag:s0], s1  }
0x3f4: {  	s1 =	ssub.s32 @!p0 $0x0, s1;
	[sflag:s0] =	ssyncset.done @!p0 $0x0  }
0x3f5: {  	[sflag:s0] =	ssyncadd.s32 @!p0 s1  }
0x3f6: {  	[bflag:$0x3] =	sbarrier.arrive $0xFFFF  }
0x3f7: {  	_ =	shalt  }

</sc_bundles>
